<compile_context>
chip_gen: v7x
topology: tpu7x:2x2x1
jax: 0.10.2.dev20260603
libtpu: 0.0.44.dev20260713+nightly
codegen_flags: <defaults>
</compile_context>

<pallas_src>
import functools

import jax
import jax.numpy as jnp
from jax import lax
from jax.experimental import pallas as pl
from jax.experimental.pallas import tpu as pltpu
from jax.experimental.pallas import tpu_sc as plsc

NC = 2
NS = 16
NW = NC * NS
LANES = 16
CH = 80
G_IDX = 5


def _deg_kernel(E, N):
    e_per_w = E // NW
    mesh = plsc.VectorSubcoreMesh(core_axis_name="c", subcore_axis_name="s")

    @functools.partial(
        pl.kernel,
        out_type=jax.ShapeDtypeStruct((NW, 1, N), jnp.float32),
        mesh=mesh,
        scratch_types=[
            pltpu.VMEM((e_per_w,), jnp.int32),
            pltpu.VMEM((N,), jnp.float32),
        ],
        compiler_params=pltpu.CompilerParams(needs_layout_passes=False),
    )
    def deg_kernel(dst_hbm, hist_hbm, dst_v, hist_v):
        c = lax.axis_index("c")
        s = lax.axis_index("s")
        wid = s * NC + c

        zero16 = jnp.zeros((LANES,), jnp.float32)

        def zbody(i, carry):
            hist_v[pl.ds(i * LANES, LANES)] = zero16
            return carry

        lax.fori_loop(0, N // LANES, zbody, 0)

        pltpu.sync_copy(dst_hbm.at[pl.ds(wid * e_per_w, e_per_w)], dst_v)

        ones16 = jnp.ones((LANES,), jnp.float32)

        def body(i, carry):
            idx = dst_v[pl.ds(i * LANES, LANES)]
            plsc.addupdate_scatter(hist_v, [idx], ones16)
            return carry

        lax.fori_loop(0, e_per_w // LANES, body, 0)

        pltpu.sync_copy(hist_v, hist_hbm.at[wid, 0])

    return deg_kernel


def _agg_kernel(N, D, E):
    e_per_w = E // NW
    n_chunks = e_per_w // CH
    rows_per_tile = ((N + NS - 1) // NS + 7) // 8 * 8
    n_pad = rows_per_tile * NS
    assert n_pad >= N + 1
    mesh = plsc.VectorSubcoreMesh(core_axis_name="c", subcore_axis_name="s")

    G = G_IDX
    gch = n_chunks // G
    assert n_chunks % G == 0 and gch % 2 == 1

    @functools.partial(
        pl.kernel,
        out_type=jax.ShapeDtypeStruct((NC, n_pad, D), jnp.float32),
        mesh=mesh,
        scratch_types=[
            pltpu.VMEM((2, gch, 1, CH), jnp.int32),
            pltpu.VMEM((2, gch, 1, CH), jnp.int32),
            pltpu.VMEM((CH, D), jnp.float32),
            pltpu.VMEM((CH, D), jnp.float32),
            pltpu.VMEM_SHARED((n_pad, D), jnp.float32),
            pltpu.SemaphoreType.DMA,
            pltpu.SemaphoreType.DMA,
            pltpu.SemaphoreType.DMA,
        ],
        compiler_params=pltpu.CompilerParams(needs_layout_passes=False),
    )
    def agg_kernel(src_hbm, dst_hbm, y_hbm, out_hbm, sidx_v, didx_v, buf_a,
                   buf_b, acc_sh, sem_a, sem_b, sem_i):
        c = lax.axis_index("c")
        s = lax.axis_index("s")
        wid = s * NC + c
        row0 = s * rows_per_tile

        def idxfetch(g, b):
            sl = pl.ds(g * gch, gch)
            pltpu.async_copy(src_hbm.at[wid, sl], sidx_v.at[b], sem_i)
            pltpu.async_copy(dst_hbm.at[wid, sl], didx_v.at[b], sem_i)

        def idxwait(b):
            sl = pl.ds(0, gch)
            pltpu.make_async_copy(src_hbm.at[wid, sl], sidx_v.at[b], sem_i).wait()
            pltpu.make_async_copy(dst_hbm.at[wid, sl], didx_v.at[b], sem_i).wait()

        def gather(b, i, buf, sem):
            pltpu.async_copy(y_hbm.at[sidx_v.at[b, i, 0]], buf, sem)

        def drain(buf, sem):
            pltpu.make_async_copy(y_hbm.at[pl.ds(0, CH)], buf, sem).wait()

        def scatter(b, i, buf):
            pltpu.sync_copy(buf, acc_sh.at[didx_v.at[b, i, 0]], add=True)

        idxfetch(0, 0)

        zero16 = jnp.zeros((LANES,), jnp.float32)

        def zrow(r, carry):
            for k in range(D // LANES):
                buf_a[r, pl.ds(k * LANES, LANES)] = zero16
            return carry

        lax.fori_loop(0, CH, zrow, 0)

        full = rows_per_tile // CH
        rem = rows_per_tile % CH
        for j in range(full):
            pltpu.sync_copy(buf_a, acc_sh.at[pl.ds(row0 + j * CH, CH)])
        if rem:
            pltpu.sync_copy(
                buf_a.at[pl.ds(0, rem)],
                acc_sh.at[pl.ds(row0 + full * CH, rem)],
            )
        idxwait(0)
        plsc.subcore_barrier()

        cur, nxt = buf_a, buf_b
        scur, snxt = sem_a, sem_b
        gather(0, 0, cur, scur)
        for g in range(G):
            b = g % 2
            if g + 1 < G:
                idxfetch(g + 1, 1 - b)

            def pair(j, carry, b=b, cur=cur, nxt=nxt, scur=scur, snxt=snxt):
                i0 = 2 * j
                gather(b, i0 + 1, nxt, snxt)
                drain(cur, scur)
                scatter(b, i0, cur)
                gather(b, i0 + 2, cur, scur)
                drain(nxt, snxt)
                scatter(b, i0 + 1, nxt)
                return carry

            lax.fori_loop(0, (gch - 1) // 2, pair, 0)
            if g + 1 < G:
                idxwait(1 - b)
                gather(1 - b, 0, nxt, snxt)
            drain(cur, scur)
            scatter(b, gch - 1, cur)
            cur, nxt = nxt, cur
            scur, snxt = snxt, scur
        plsc.subcore_barrier()

        pltpu.sync_copy(
            acc_sh.at[pl.ds(row0, rows_per_tile)],
            out_hbm.at[c, pl.ds(row0, rows_per_tile)],
        )

    return agg_kernel


def _tc_transform(x, W, histT):
    N, _ = x.shape
    Dout = W.shape[1]

    def body(x_ref, w_ref, h_ref, y_ref, dis_ref):
        deg = jnp.sum(h_ref[...], axis=1, keepdims=True) + 1.0
        dis = lax.rsqrt(deg)
        xw = jnp.dot(x_ref[...], w_ref[...], preferred_element_type=jnp.float32)
        y_ref[...] = xw * dis
        dis_ref[...] = dis

    return pl.pallas_call(
        body,
        out_shape=(
            jax.ShapeDtypeStruct((N, Dout), jnp.float32),
            jax.ShapeDtypeStruct((N, 1), jnp.float32),
        ),
    )(x, W, histT)


def _tc_combine(agg, y, dis):
    N, D = y.shape

    def body(a_ref, y_ref, d_ref, o_ref):
        a = (a_ref[0] + a_ref[1])[:N]
        o_ref[...] = d_ref[...] * (a + y_ref[...])

    return pl.pallas_call(
        body,
        out_shape=jax.ShapeDtypeStruct((N, D), jnp.float32),
    )(agg, y, dis)


def kernel(x, edge_index, W):
    N, _ = x.shape
    Dout = W.shape[1]
    E = edge_index.shape[1]
    assert E % NW == 0 and (E // NW) % LANES == 0
    assert N % NS == 0 and N % LANES == 0 and Dout % LANES == 0

    ei = edge_index.astype(jnp.int32)
    srcs = ei[0]
    dsts = ei[1]

    hist = _deg_kernel(E, N)(dsts)
    histT = hist.reshape(NW, N).T
    y, dis = _tc_transform(x, W, histT)

    e_per_w = E // NW
    n_chunks = -(-e_per_w // CH)
    n_chunks = -(-n_chunks // G_IDX) * G_IDX
    ppw = n_chunks * CH - e_per_w
    rows_per_tile = ((N + NS - 1) // NS + 7) // 8 * 8
    n_spare = rows_per_tile * NS - N
    pad_src = jnp.zeros((NW, ppw), jnp.int32)
    pad_dst = jnp.broadcast_to(
        N + (jnp.arange(NW, dtype=jnp.int32) % n_spare)[:, None], (NW, ppw)
    )
    src3 = jnp.concatenate([srcs.reshape(NW, e_per_w), pad_src], axis=1)
    dst3 = jnp.concatenate([dsts.reshape(NW, e_per_w), pad_dst], axis=1)
    src3 = src3.reshape(NW, n_chunks, 1, CH)
    dst3 = dst3.reshape(NW, n_chunks, 1, CH)
    agg = _agg_kernel(N, Dout, NW * n_chunks * CH)(src3, dst3, y)
    return _tc_combine(agg, y, dis)

# --- scband reference (transcript-rebuilt; emitter-appended) ---
"""Pipeline reference for scband-gcnconv-4363686772845 (READ-ONLY COPY).

The authoritative reference and input builder live on the scoring server;
editing this copy changes nothing except your own understanding.
"""

import jax, jax.numpy as jnp
import numpy as np

N_NODES = 10000
N_EDGES = 320000
D_IN = 128
D_OUT = 128

def setup_inputs(seed: int = 0) -> dict:
    key = jax.random.key(seed)
    k1, k2, k3 = jax.random.split(key, 3)
    x = jax.random.normal(k1, (N_NODES, D_IN), dtype=jnp.float32)
    edge_index = jax.random.randint(k2, (2, N_EDGES), 0, N_NODES, dtype=jnp.int64)
    # glorot-style init for the GCN linear weight
    scale = jnp.sqrt(2.0 / (D_IN + D_OUT)).astype(jnp.float32)
    W = jax.random.normal(k3, (D_IN, D_OUT), dtype=jnp.float32) * scale
    return {"x": x, "edge_index": edge_index, "W": W}

def reference(x, edge_index, W):
    N = x.shape[0]
    src = edge_index[0]
    dst = edge_index[1]
    # add self-loops (PyG GCNConv default: add_self_loops=True)
    loop = jnp.arange(N, dtype=edge_index.dtype)
    src = jnp.concatenate([src, loop], axis=0)
    dst = jnp.concatenate([dst, loop], axis=0)
    ew = jnp.ones(src.shape[0], dtype=x.dtype)
    # symmetric normalization D^{-1/2} (A+I) D^{-1/2}
    deg = jax.ops.segment_sum(ew, dst, num_segments=N)
    deg_inv_sqrt = jnp.where(deg > 0, jax.lax.rsqrt(jnp.where(deg > 0, deg, 1.0)), 0.0)
    norm = deg_inv_sqrt[src] * deg_inv_sqrt[dst]
    # linear transform then message passing (bias=False)
    xw = x @ W
    msg = xw[src] * norm[:, None]
    out = jax.ops.segment_sum(msg, dst, num_segments=N)
    return out

if __name__ == "__main__":
    import jax
    _d = setup_inputs()
    print(jax.jit(kernel)(*tuple(_d.values())))

</pallas_src>

<mosaic_0001>
#map = affine_map<(d0, d1) -> (0, 0, 0, 0)>
#map1 = affine_map<(d0, d1) -> (0, 0)>
#map2 = affine_map<(d0, d1) -> (0, 0, 0)>
module attributes {stable_mosaic.version = 14 : i64} {
  func.func @agg_kernel(%arg0: i32, %arg1: i32, %arg2: memref<32x125x1x80xi32, #tpu.memory_space<hbm>>, %arg3: memref<32x125x1x80xi32, #tpu.memory_space<hbm>>, %arg4: memref<10000x128xf32, #tpu.memory_space<hbm>>, %arg5: memref<2x10112x128xf32, #tpu.memory_space<hbm>>, %arg6: memref<2x25x1x80xi32, #tpu.memory_space<vmem>>, %arg7: memref<2x25x1x80xi32, #tpu.memory_space<vmem>>, %arg8: memref<80x128xf32, #tpu.memory_space<vmem>>, %arg9: memref<80x128xf32, #tpu.memory_space<vmem>>, %arg10: memref<10112x128xf32, #tpu.memory_space<vmem_shared>>, %arg11: memref<!tpu.dma_semaphore, #tpu.memory_space<semaphore_mem>>, %arg12: memref<!tpu.dma_semaphore, #tpu.memory_space<semaphore_mem>>, %arg13: memref<!tpu.dma_semaphore, #tpu.memory_space<semaphore_mem>>) attributes {dimension_semantics = [#tpu.dimension_semantics<core_parallel>, #tpu.dimension_semantics<subcore_parallel>], iteration_bounds = array<i64: 2, 16>, scalar_prefetch = 0 : i64, scratch_operands = 8 : i64, tpu.core_type = #tpu.core_type<sc_vector_subcore>, window_params = [{transform_indices = #map}, {transform_indices = #map}, {transform_indices = #map1}, {transform_indices = #map2}]} {
    %mul3A = arith.constant 2 : i32
    %mul3A_0 = arith.muli %arg1, %mul3A : i32
    %add3A = arith.addi %mul3A_0, %arg0 : i32
    %mul3A_1 = arith.constant 632 : i32
    %mul3A_2 = arith.muli %arg1, %mul3A_1 : i32
    %dma_start3A = arith.constant 0 : i32
    %dma_start3A_3 = arith.constant 0 : i32
    %dma_start3A_4 = arith.constant 0 : i32
    %dma_start3A_5 = arith.constant 0 : i32
    %dma_start3A_6 = tpu.memref_slice %arg6[%dma_start3A, %dma_start3A_3, %dma_start3A_4, %dma_start3A_5] : memref<2x25x1x80xi32, #tpu.memory_space<vmem>> -> memref<1x25x1x80xi32, #tpu.memory_space<vmem>>
    %dma_start3A_7 = tpu.memref_squeeze %dma_start3A_6 : memref<1x25x1x80xi32, #tpu.memory_space<vmem>> -> memref<25x1x80xi32, #tpu.memory_space<vmem>>
    %dma_start3A_8 = arith.constant 0 : i32
    %dma_start3A_9 = arith.constant 0 : i32
    %dma_start3A_10 = arith.constant 0 : i32
    %dma_start3A_11 = tpu.memref_slice %arg2[%add3A, %dma_start3A_8, %dma_start3A_9, %dma_start3A_10] : memref<32x125x1x80xi32, #tpu.memory_space<hbm>> -> memref<1x25x1x80xi32, #tpu.memory_space<hbm>>
    %dma_start3A_12 = tpu.memref_squeeze %dma_start3A_11 : memref<1x25x1x80xi32, #tpu.memory_space<hbm>> -> memref<25x1x80xi32, #tpu.memory_space<hbm>>
    %dma_start3A_13 = arith.constant 0 : i32
    %dma_start3A_14 = arith.constant 0 : i32
    %dma_start3A_15 = arith.constant 0 : i32
    %dma_start3A_16 = tpu.memref_slice %arg6[%dma_start3A, %dma_start3A_13, %dma_start3A_14, %dma_start3A_15] : memref<2x25x1x80xi32, #tpu.memory_space<vmem>> -> memref<1x25x1x80xi32, #tpu.memory_space<vmem>>
    %dma_start3A_17 = tpu.memref_squeeze %dma_start3A_16 : memref<1x25x1x80xi32, #tpu.memory_space<vmem>> -> memref<25x1x80xi32, #tpu.memory_space<vmem>>
    %dma_start3A_18 = arith.constant 0 : i32
    %dma_start3A_19 = arith.constant 0 : i32
    %dma_start3A_20 = arith.constant 0 : i32
    %dma_start3A_21 = tpu.memref_slice %arg2[%add3A, %dma_start3A_18, %dma_start3A_19, %dma_start3A_20] : memref<32x125x1x80xi32, #tpu.memory_space<hbm>> -> memref<1x25x1x80xi32, #tpu.memory_space<hbm>>
    %dma_start3A_22 = tpu.memref_squeeze %dma_start3A_21 : memref<1x25x1x80xi32, #tpu.memory_space<hbm>> -> memref<25x1x80xi32, #tpu.memory_space<hbm>>
    tpu.enqueue_dma source(%dma_start3A_22 : memref<25x1x80xi32, #tpu.memory_space<hbm>>) target(%dma_start3A_17 : memref<25x1x80xi32, #tpu.memory_space<vmem>>) target_semaphore(%arg13 : memref<!tpu.dma_semaphore, #tpu.memory_space<semaphore_mem>>)
    %dma_start3A_23 = arith.constant 0 : i32
    %dma_start3A_24 = arith.constant 0 : i32
    %dma_start3A_25 = arith.constant 0 : i32
    %dma_start3A_26 = arith.constant 0 : i32
    %dma_start3A_27 = tpu.memref_slice %arg7[%dma_start3A_23, %dma_start3A_24, %dma_start3A_25, %dma_start3A_26] : memref<2x25x1x80xi32, #tpu.memory_space<vmem>> -> memref<1x25x1x80xi32, #tpu.memory_space<vmem>>
    %dma_start3A_28 = tpu.memref_squeeze %dma_start3A_27 : memref<1x25x1x80xi32, #tpu.memory_space<vmem>> -> memref<25x1x80xi32, #tpu.memory_space<vmem>>
    %dma_start3A_29 = arith.constant 0 : i32
    %dma_start3A_30 = arith.constant 0 : i32
    %dma_start3A_31 = arith.constant 0 : i32
    %dma_start3A_32 = tpu.memref_slice %arg3[%add3A, %dma_start3A_29, %dma_start3A_30, %dma_start3A_31] : memref<32x125x1x80xi32, #tpu.memory_space<hbm>> -> memref<1x25x1x80xi32, #tpu.memory_space<hbm>>
    %dma_start3A_33 = tpu.memref_squeeze %dma_start3A_32 : memref<1x25x1x80xi32, #tpu.memory_space<hbm>> -> memref<25x1x80xi32, #tpu.memory_space<hbm>>
    %dma_start3A_34 = arith.constant 0 : i32
    %dma_start3A_35 = arith.constant 0 : i32
    %dma_start3A_36 = arith.constant 0 : i32
    %dma_start3A_37 = tpu.memref_slice %arg7[%dma_start3A_23, %dma_start3A_34, %dma_start3A_35, %dma_start3A_36] : memref<2x25x1x80xi32, #tpu.memory_space<vmem>> -> memref<1x25x1x80xi32, #tpu.memory_space<vmem>>
    %dma_start3A_38 = tpu.memref_squeeze %dma_start3A_37 : memref<1x25x1x80xi32, #tpu.memory_space<vmem>> -> memref<25x1x80xi32, #tpu.memory_space<vmem>>
    %dma_start3A_39 = arith.constant 0 : i32
    %dma_start3A_40 = arith.constant 0 : i32
    %dma_start3A_41 = arith.constant 0 : i32
    %dma_start3A_42 = tpu.memref_slice %arg3[%add3A, %dma_start3A_39, %dma_start3A_40, %dma_start3A_41] : memref<32x125x1x80xi32, #tpu.memory_space<hbm>> -> memref<1x25x1x80xi32, #tpu.memory_space<hbm>>
    %dma_start3A_43 = tpu.memref_squeeze %dma_start3A_42 : memref<1x25x1x80xi32, #tpu.memory_space<hbm>> -> memref<25x1x80xi32, #tpu.memory_space<hbm>>
    tpu.enqueue_dma source(%dma_start3A_43 : memref<25x1x80xi32, #tpu.memory_space<hbm>>) target(%dma_start3A_38 : memref<25x1x80xi32, #tpu.memory_space<vmem>>) target_semaphore(%arg13 : memref<!tpu.dma_semaphore, #tpu.memory_space<semaphore_mem>>)
    %broadcast_in_dim3A = arith.constant 0.000000e+00 : f32
    %broadcast_in_dim3A_44 = vector.broadcast %broadcast_in_dim3A : f32 to vector<16xf32>
    %scan3A = arith.constant 0 : i32
    %scan3A_45 = arith.constant 0 : i32
    %scan3A_46 = arith.constant 80 : i32
    %scan3A_47 = arith.addi %scan3A_45, %scan3A_46 : i32
    %scan3A_48 = arith.constant 1 : i32
    scf.for %scan3A_563 = %scan3A_45 to %scan3A_47 step %scan3A_48  : i32 {
      %swap3A = arith.index_cast %scan3A_563 : i32 to index
      %swap3A_564 = arith.constant 0 : index
      %swap3A_565 = tpu.vector_load %arg8[%swap3A, %swap3A_564] {strides = array<i32>} : memref<80x128xf32, #tpu.memory_space<vmem>>, vector<16xf32>,
      tpu.vector_store %arg8[%swap3A, %swap3A_564], %broadcast_in_dim3A_44 {strides = array<i32>} : memref<80x128xf32, #tpu.memory_space<vmem>>, vector<16xf32>,
      %swap3A_566 = arith.index_cast %scan3A_563 : i32 to index
      %swap3A_567 = arith.constant 16 : index
      %swap3A_568 = tpu.vector_load %arg8[%swap3A_566, %swap3A_567] {strides = array<i32>} : memref<80x128xf32, #tpu.memory_space<vmem>>, vector<16xf32>,
      tpu.vector_store %arg8[%swap3A_566, %swap3A_567], %broadcast_in_dim3A_44 {strides = array<i32>} : memref<80x128xf32, #tpu.memory_space<vmem>>, vector<16xf32>,
      %swap3A_569 = arith.index_cast %scan3A_563 : i32 to index
      %swap3A_570 = arith.constant 32 : index
      %swap3A_571 = tpu.vector_load %arg8[%swap3A_569, %swap3A_570] {strides = array<i32>} : memref<80x128xf32, #tpu.memory_space<vmem>>, vector<16xf32>,
      tpu.vector_store %arg8[%swap3A_569, %swap3A_570], %broadcast_in_dim3A_44 {strides = array<i32>} : memref<80x128xf32, #tpu.memory_space<vmem>>, vector<16xf32>,
      %swap3A_572 = arith.index_cast %scan3A_563 : i32 to index
      %swap3A_573 = arith.constant 48 : index
      %swap3A_574 = tpu.vector_load %arg8[%swap3A_572, %swap3A_573] {strides = array<i32>} : memref<80x128xf32, #tpu.memory_space<vmem>>, vector<16xf32>,
      tpu.vector_store %arg8[%swap3A_572, %swap3A_573], %broadcast_in_dim3A_44 {strides = array<i32>} : memref<80x128xf32, #tpu.memory_space<vmem>>, vector<16xf32>,
      %swap3A_575 = arith.index_cast %scan3A_563 : i32 to index
      %swap3A_576 = arith.constant 64 : index
      %swap3A_577 = tpu.vector_load %arg8[%swap3A_575, %swap3A_576] {strides = array<i32>} : memref<80x128xf32, #tpu.memory_space<vmem>>, vector<16xf32>,
      tpu.vector_store %arg8[%swap3A_575, %swap3A_576], %broadcast_in_dim3A_44 {strides = array<i32>} : memref<80x128xf32, #tpu.memory_space<vmem>>, vector<16xf32>,
      %swap3A_578 = arith.index_cast %scan3A_563 : i32 to index
      %swap3A_579 = arith.constant 80 : index
      %swap3A_580 = tpu.vector_load %arg8[%swap3A_578, %swap3A_579] {strides = array<i32>} : memref<80x128xf32, #tpu.memory_space<vmem>>, vector<16xf32>,
      tpu.vector_store %arg8[%swap3A_578, %swap3A_579], %broadcast_in_dim3A_44 {strides = array<i32>} : memref<80x128xf32, #tpu.memory_space<vmem>>, vector<16xf32>,
      %swap3A_581 = arith.index_cast %scan3A_563 : i32 to index
      %swap3A_582 = arith.constant 96 : index
      %swap3A_583 = tpu.vector_load %arg8[%swap3A_581, %swap3A_582] {strides = array<i32>} : memref<80x128xf32, #tpu.memory_space<vmem>>, vector<16xf32>,
      tpu.vector_store %arg8[%swap3A_581, %swap3A_582], %broadcast_in_dim3A_44 {strides = array<i32>} : memref<80x128xf32, #tpu.memory_space<vmem>>, vector<16xf32>,
      %swap3A_584 = arith.index_cast %scan3A_563 : i32 to index
      %swap3A_585 = arith.constant 112 : index
      %swap3A_586 = tpu.vector_load %arg8[%swap3A_584, %swap3A_585] {strides = array<i32>} : memref<80x128xf32, #tpu.memory_space<vmem>>, vector<16xf32>,
      tpu.vector_store %arg8[%swap3A_584, %swap3A_585], %broadcast_in_dim3A_44 {strides = array<i32>} : memref<80x128xf32, #tpu.memory_space<vmem>>, vector<16xf32>,
    }
    %scan3A_49 = arith.constant 80 : i32
    %add3A_50 = arith.constant 0 : i32
    %add3A_51 = arith.addi %mul3A_2, %add3A_50 : i32
    "tpu.region"() ({
      %run_scoped3A_563 = tpu.sem_alloc : memref<!tpu.dma_semaphore, #tpu.memory_space<semaphore_mem>>
      %dma_start3A_564 = arith.constant 0 : i32
      %dma_start3A_565 = tpu.memref_slice %arg10[%add3A_51, %dma_start3A_564] : memref<10112x128xf32, #tpu.memory_space<vmem_shared>> -> memref<80x128xf32, #tpu.memory_space<vmem_shared>>
      %dma_start3A_566 = arith.constant 0 : i32
      %dma_start3A_567 = tpu.memref_slice %arg10[%add3A_51, %dma_start3A_566] : memref<10112x128xf32, #tpu.memory_space<vmem_shared>> -> memref<80x128xf32, #tpu.memory_space<vmem_shared>>
      tpu.enqueue_dma source(%arg8 : memref<80x128xf32, #tpu.memory_space<vmem>>) target(%dma_start3A_567 : memref<80x128xf32, #tpu.memory_space<vmem_shared>>) target_semaphore(%run_scoped3A_563 : memref<!tpu.dma_semaphore, #tpu.memory_space<semaphore_mem>>)
      %dma_wait3A_568 = arith.constant 0 : i32
      %dma_wait3A_569 = tpu.memref_slice %arg10[%add3A_51, %dma_wait3A_568] : memref<10112x128xf32, #tpu.memory_space<vmem_shared>> -> memref<80x128xf32, #tpu.memory_space<vmem_shared>>
      %dma_wait3A_570 = arith.constant 0 : i32
      %dma_wait3A_571 = tpu.memref_slice %arg10[%add3A_51, %dma_wait3A_570] : memref<10112x128xf32, #tpu.memory_space<vmem_shared>> -> memref<80x128xf32, #tpu.memory_space<vmem_shared>>
      tpu.wait_dma2 semaphore(%run_scoped3A_563 : memref<!tpu.dma_semaphore, #tpu.memory_space<semaphore_mem>>) src(%arg8 : memref<80x128xf32, #tpu.memory_space<vmem>>) dst(%dma_wait3A_571 : memref<80x128xf32, #tpu.memory_space<vmem_shared>>)
      tpu.yield
    }) : () -> ()
    %add3A_52 = arith.constant 80 : i32
    %add3A_53 = arith.addi %mul3A_2, %add3A_52 : i32
    "tpu.region"() ({
      %run_scoped3A_563 = tpu.sem_alloc : memref<!tpu.dma_semaphore, #tpu.memory_space<semaphore_mem>>
      %dma_start3A_564 = arith.constant 0 : i32
      %dma_start3A_565 = tpu.memref_slice %arg10[%add3A_53, %dma_start3A_564] : memref<10112x128xf32, #tpu.memory_space<vmem_shared>> -> memref<80x128xf32, #tpu.memory_space<vmem_shared>>
      %dma_start3A_566 = arith.constant 0 : i32
      %dma_start3A_567 = tpu.memref_slice %arg10[%add3A_53, %dma_start3A_566] : memref<10112x128xf32, #tpu.memory_space<vmem_shared>> -> memref<80x128xf32, #tpu.memory_space<vmem_shared>>
      tpu.enqueue_dma source(%arg8 : memref<80x128xf32, #tpu.memory_space<vmem>>) target(%dma_start3A_567 : memref<80x128xf32, #tpu.memory_space<vmem_shared>>) target_semaphore(%run_scoped3A_563 : memref<!tpu.dma_semaphore, #tpu.memory_space<semaphore_mem>>)
      %dma_wait3A_568 = arith.constant 0 : i32
      %dma_wait3A_569 = tpu.memref_slice %arg10[%add3A_53, %dma_wait3A_568] : memref<10112x128xf32, #tpu.memory_space<vmem_shared>> -> memref<80x128xf32, #tpu.memory_space<vmem_shared>>
      %dma_wait3A_570 = arith.constant 0 : i32
      %dma_wait3A_571 = tpu.memref_slice %arg10[%add3A_53, %dma_wait3A_570] : memref<10112x128xf32, #tpu.memory_space<vmem_shared>> -> memref<80x128xf32, #tpu.memory_space<vmem_shared>>
      tpu.wait_dma2 semaphore(%run_scoped3A_563 : memref<!tpu.dma_semaphore, #tpu.memory_space<semaphore_mem>>) src(%arg8 : memref<80x128xf32, #tpu.memory_space<vmem>>) dst(%dma_wait3A_571 : memref<80x128xf32, #tpu.memory_space<vmem_shared>>)
      tpu.yield
    }) : () -> ()
    %add3A_54 = arith.constant 160 : i32
    %add3A_55 = arith.addi %mul3A_2, %add3A_54 : i32
    "tpu.region"() ({
      %run_scoped3A_563 = tpu.sem_alloc : memref<!tpu.dma_semaphore, #tpu.memory_space<semaphore_mem>>
      %dma_start3A_564 = arith.constant 0 : i32
      %dma_start3A_565 = tpu.memref_slice %arg10[%add3A_55, %dma_start3A_564] : memref<10112x128xf32, #tpu.memory_space<vmem_shared>> -> memref<80x128xf32, #tpu.memory_space<vmem_shared>>
      %dma_start3A_566 = arith.constant 0 : i32
      %dma_start3A_567 = tpu.memref_slice %arg10[%add3A_55, %dma_start3A_566] : memref<10112x128xf32, #tpu.memory_space<vmem_shared>> -> memref<80x128xf32, #tpu.memory_space<vmem_shared>>
      tpu.enqueue_dma source(%arg8 : memref<80x128xf32, #tpu.memory_space<vmem>>) target(%dma_start3A_567 : memref<80x128xf32, #tpu.memory_space<vmem_shared>>) target_semaphore(%run_scoped3A_563 : memref<!tpu.dma_semaphore, #tpu.memory_space<semaphore_mem>>)
      %dma_wait3A_568 = arith.constant 0 : i32
      %dma_wait3A_569 = tpu.memref_slice %arg10[%add3A_55, %dma_wait3A_568] : memref<10112x128xf32, #tpu.memory_space<vmem_shared>> -> memref<80x128xf32, #tpu.memory_space<vmem_shared>>
      %dma_wait3A_570 = arith.constant 0 : i32
      %dma_wait3A_571 = tpu.memref_slice %arg10[%add3A_55, %dma_wait3A_570] : memref<10112x128xf32, #tpu.memory_space<vmem_shared>> -> memref<80x128xf32, #tpu.memory_space<vmem_shared>>
      tpu.wait_dma2 semaphore(%run_scoped3A_563 : memref<!tpu.dma_semaphore, #tpu.memory_space<semaphore_mem>>) src(%arg8 : memref<80x128xf32, #tpu.memory_space<vmem>>) dst(%dma_wait3A_571 : memref<80x128xf32, #tpu.memory_space<vmem_shared>>)
      tpu.yield
    }) : () -> ()
    %add3A_56 = arith.constant 240 : i32
    %add3A_57 = arith.addi %mul3A_2, %add3A_56 : i32
    "tpu.region"() ({
      %run_scoped3A_563 = tpu.sem_alloc : memref<!tpu.dma_semaphore, #tpu.memory_space<semaphore_mem>>
      %dma_start3A_564 = arith.constant 0 : i32
      %dma_start3A_565 = tpu.memref_slice %arg10[%add3A_57, %dma_start3A_564] : memref<10112x128xf32, #tpu.memory_space<vmem_shared>> -> memref<80x128xf32, #tpu.memory_space<vmem_shared>>
      %dma_start3A_566 = arith.constant 0 : i32
      %dma_start3A_567 = tpu.memref_slice %arg10[%add3A_57, %dma_start3A_566] : memref<10112x128xf32, #tpu.memory_space<vmem_shared>> -> memref<80x128xf32, #tpu.memory_space<vmem_shared>>
      tpu.enqueue_dma source(%arg8 : memref<80x128xf32, #tpu.memory_space<vmem>>) target(%dma_start3A_567 : memref<80x128xf32, #tpu.memory_space<vmem_shared>>) target_semaphore(%run_scoped3A_563 : memref<!tpu.dma_semaphore, #tpu.memory_space<semaphore_mem>>)
      %dma_wait3A_568 = arith.constant 0 : i32
      %dma_wait3A_569 = tpu.memref_slice %arg10[%add3A_57, %dma_wait3A_568] : memref<10112x128xf32, #tpu.memory_space<vmem_shared>> -> memref<80x128xf32, #tpu.memory_space<vmem_shared>>
      %dma_wait3A_570 = arith.constant 0 : i32
      %dma_wait3A_571 = tpu.memref_slice %arg10[%add3A_57, %dma_wait3A_570] : memref<10112x128xf32, #tpu.memory_space<vmem_shared>> -> memref<80x128xf32, #tpu.memory_space<vmem_shared>>
      tpu.wait_dma2 semaphore(%run_scoped3A_563 : memref<!tpu.dma_semaphore, #tpu.memory_space<semaphore_mem>>) src(%arg8 : memref<80x128xf32, #tpu.memory_space<vmem>>) dst(%dma_wait3A_571 : memref<80x128xf32, #tpu.memory_space<vmem_shared>>)
      tpu.yield
    }) : () -> ()
    %add3A_58 = arith.constant 320 : i32
    %add3A_59 = arith.addi %mul3A_2, %add3A_58 : i32
    "tpu.region"() ({
      %run_scoped3A_563 = tpu.sem_alloc : memref<!tpu.dma_semaphore, #tpu.memory_space<semaphore_mem>>
      %dma_start3A_564 = arith.constant 0 : i32
      %dma_start3A_565 = tpu.memref_slice %arg10[%add3A_59, %dma_start3A_564] : memref<10112x128xf32, #tpu.memory_space<vmem_shared>> -> memref<80x128xf32, #tpu.memory_space<vmem_shared>>
      %dma_start3A_566 = arith.constant 0 : i32
      %dma_start3A_567 = tpu.memref_slice %arg10[%add3A_59, %dma_start3A_566] : memref<10112x128xf32, #tpu.memory_space<vmem_shared>> -> memref<80x128xf32, #tpu.memory_space<vmem_shared>>
      tpu.enqueue_dma source(%arg8 : memref<80x128xf32, #tpu.memory_space<vmem>>) target(%dma_start3A_567 : memref<80x128xf32, #tpu.memory_space<vmem_shared>>) target_semaphore(%run_scoped3A_563 : memref<!tpu.dma_semaphore, #tpu.memory_space<semaphore_mem>>)
      %dma_wait3A_568 = arith.constant 0 : i32
      %dma_wait3A_569 = tpu.memref_slice %arg10[%add3A_59, %dma_wait3A_568] : memref<10112x128xf32, #tpu.memory_space<vmem_shared>> -> memref<80x128xf32, #tpu.memory_space<vmem_shared>>
      %dma_wait3A_570 = arith.constant 0 : i32
      %dma_wait3A_571 = tpu.memref_slice %arg10[%add3A_59, %dma_wait3A_570] : memref<10112x128xf32, #tpu.memory_space<vmem_shared>> -> memref<80x128xf32, #tpu.memory_space<vmem_shared>>
      tpu.wait_dma2 semaphore(%run_scoped3A_563 : memref<!tpu.dma_semaphore, #tpu.memory_space<semaphore_mem>>) src(%arg8 : memref<80x128xf32, #tpu.memory_space<vmem>>) dst(%dma_wait3A_571 : memref<80x128xf32, #tpu.memory_space<vmem_shared>>)
      tpu.yield
    }) : () -> ()
    %add3A_60 = arith.constant 400 : i32
    %add3A_61 = arith.addi %mul3A_2, %add3A_60 : i32
    "tpu.region"() ({
      %run_scoped3A_563 = tpu.sem_alloc : memref<!tpu.dma_semaphore, #tpu.memory_space<semaphore_mem>>
      %dma_start3A_564 = arith.constant 0 : i32
      %dma_start3A_565 = tpu.memref_slice %arg10[%add3A_61, %dma_start3A_564] : memref<10112x128xf32, #tpu.memory_space<vmem_shared>> -> memref<80x128xf32, #tpu.memory_space<vmem_shared>>
      %dma_start3A_566 = arith.constant 0 : i32
      %dma_start3A_567 = tpu.memref_slice %arg10[%add3A_61, %dma_start3A_566] : memref<10112x128xf32, #tpu.memory_space<vmem_shared>> -> memref<80x128xf32, #tpu.memory_space<vmem_shared>>
      tpu.enqueue_dma source(%arg8 : memref<80x128xf32, #tpu.memory_space<vmem>>) target(%dma_start3A_567 : memref<80x128xf32, #tpu.memory_space<vmem_shared>>) target_semaphore(%run_scoped3A_563 : memref<!tpu.dma_semaphore, #tpu.memory_space<semaphore_mem>>)
      %dma_wait3A_568 = arith.constant 0 : i32
      %dma_wait3A_569 = tpu.memref_slice %arg10[%add3A_61, %dma_wait3A_568] : memref<10112x128xf32, #tpu.memory_space<vmem_shared>> -> memref<80x128xf32, #tpu.memory_space<vmem_shared>>
      %dma_wait3A_570 = arith.constant 0 : i32
      %dma_wait3A_571 = tpu.memref_slice %arg10[%add3A_61, %dma_wait3A_570] : memref<10112x128xf32, #tpu.memory_space<vmem_shared>> -> memref<80x128xf32, #tpu.memory_space<vmem_shared>>
      tpu.wait_dma2 semaphore(%run_scoped3A_563 : memref<!tpu.dma_semaphore, #tpu.memory_space<semaphore_mem>>) src(%arg8 : memref<80x128xf32, #tpu.memory_space<vmem>>) dst(%dma_wait3A_571 : memref<80x128xf32, #tpu.memory_space<vmem_shared>>)
      tpu.yield
    }) : () -> ()
    %add3A_62 = arith.constant 480 : i32
    %add3A_63 = arith.addi %mul3A_2, %add3A_62 : i32
    "tpu.region"() ({
      %run_scoped3A_563 = tpu.sem_alloc : memref<!tpu.dma_semaphore, #tpu.memory_space<semaphore_mem>>
      %dma_start3A_564 = arith.constant 0 : i32
      %dma_start3A_565 = tpu.memref_slice %arg10[%add3A_63, %dma_start3A_564] : memref<10112x128xf32, #tpu.memory_space<vmem_shared>> -> memref<80x128xf32, #tpu.memory_space<vmem_shared>>
      %dma_start3A_566 = arith.constant 0 : i32
      %dma_start3A_567 = tpu.memref_slice %arg10[%add3A_63, %dma_start3A_566] : memref<10112x128xf32, #tpu.memory_space<vmem_shared>> -> memref<80x128xf32, #tpu.memory_space<vmem_shared>>
      tpu.enqueue_dma source(%arg8 : memref<80x128xf32, #tpu.memory_space<vmem>>) target(%dma_start3A_567 : memref<80x128xf32, #tpu.memory_space<vmem_shared>>) target_semaphore(%run_scoped3A_563 : memref<!tpu.dma_semaphore, #tpu.memory_space<semaphore_mem>>)
      %dma_wait3A_568 = arith.constant 0 : i32
      %dma_wait3A_569 = tpu.memref_slice %arg10[%add3A_63, %dma_wait3A_568] : memref<10112x128xf32, #tpu.memory_space<vmem_shared>> -> memref<80x128xf32, #tpu.memory_space<vmem_shared>>
      %dma_wait3A_570 = arith.constant 0 : i32
      %dma_wait3A_571 = tpu.memref_slice %arg10[%add3A_63, %dma_wait3A_570] : memref<10112x128xf32, #tpu.memory_space<vmem_shared>> -> memref<80x128xf32, #tpu.memory_space<vmem_shared>>
      tpu.wait_dma2 semaphore(%run_scoped3A_563 : memref<!tpu.dma_semaphore, #tpu.memory_space<semaphore_mem>>) src(%arg8 : memref<80x128xf32, #tpu.memory_space<vmem>>) dst(%dma_wait3A_571 : memref<80x128xf32, #tpu.memory_space<vmem_shared>>)
      tpu.yield
    }) : () -> ()
    %add3A_64 = arith.constant 560 : i32
    %add3A_65 = arith.addi %mul3A_2, %add3A_64 : i32
    "tpu.region"() ({
      %run_scoped3A_563 = tpu.sem_alloc : memref<!tpu.dma_semaphore, #tpu.memory_space<semaphore_mem>>
      %dma_start3A_564 = arith.constant 0 : i32
      %dma_start3A_565 = arith.constant 0 : i32
      %dma_start3A_566 = tpu.memref_slice %arg8[%dma_start3A_564, %dma_start3A_565] : memref<80x128xf32, #tpu.memory_space<vmem>> -> memref<72x128xf32, #tpu.memory_space<vmem>>
      %dma_start3A_567 = arith.constant 0 : i32
      %dma_start3A_568 = tpu.memref_slice %arg10[%add3A_65, %dma_start3A_567] : memref<10112x128xf32, #tpu.memory_space<vmem_shared>> -> memref<72x128xf32, #tpu.memory_space<vmem_shared>>
      %dma_start3A_569 = arith.constant 0 : i32
      %dma_start3A_570 = tpu.memref_slice %arg10[%add3A_65, %dma_start3A_569] : memref<10112x128xf32, #tpu.memory_space<vmem_shared>> -> memref<72x128xf32, #tpu.memory_space<vmem_shared>>
      %dma_start3A_571 = arith.constant 0 : i32
      %dma_start3A_572 = arith.constant 0 : i32
      %dma_start3A_573 = tpu.memref_slice %arg8[%dma_start3A_571, %dma_start3A_572] : memref<80x128xf32, #tpu.memory_space<vmem>> -> memref<72x128xf32, #tpu.memory_space<vmem>>
      tpu.enqueue_dma source(%dma_start3A_573 : memref<72x128xf32, #tpu.memory_space<vmem>>) target(%dma_start3A_570 : memref<72x128xf32, #tpu.memory_space<vmem_shared>>) target_semaphore(%run_scoped3A_563 : memref<!tpu.dma_semaphore, #tpu.memory_space<semaphore_mem>>)
      %dma_wait3A_574 = arith.constant 0 : i32
      %dma_wait3A_575 = arith.constant 0 : i32
      %dma_wait3A_576 = tpu.memref_slice %arg8[%dma_wait3A_574, %dma_wait3A_575] : memref<80x128xf32, #tpu.memory_space<vmem>> -> memref<72x128xf32, #tpu.memory_space<vmem>>
      %dma_wait3A_577 = arith.constant 0 : i32
      %dma_wait3A_578 = tpu.memref_slice %arg10[%add3A_65, %dma_wait3A_577] : memref<10112x128xf32, #tpu.memory_space<vmem_shared>> -> memref<72x128xf32, #tpu.memory_space<vmem_shared>>
      %dma_wait3A_579 = arith.constant 0 : i32
      %dma_wait3A_580 = tpu.memref_slice %arg10[%add3A_65, %dma_wait3A_579] : memref<10112x128xf32, #tpu.memory_space<vmem_shared>> -> memref<72x128xf32, #tpu.memory_space<vmem_shared>>
      %dma_wait3A_581 = arith.constant 0 : i32
      %dma_wait3A_582 = arith.constant 0 : i32
      %dma_wait3A_583 = tpu.memref_slice %arg8[%dma_wait3A_581, %dma_wait3A_582] : memref<80x128xf32, #tpu.memory_space<vmem>> -> memref<72x128xf32, #tpu.memory_space<vmem>>
      tpu.wait_dma2 semaphore(%run_scoped3A_563 : memref<!tpu.dma_semaphore, #tpu.memory_space<semaphore_mem>>) src(%dma_wait3A_583 : memref<72x128xf32, #tpu.memory_space<vmem>>) dst(%dma_wait3A_580 : memref<72x128xf32, #tpu.memory_space<vmem_shared>>)
      tpu.yield
    }) : () -> ()
    %dma_wait3A = arith.constant 0 : i32
    %dma_wait3A_66 = arith.constant 0 : i32
    %dma_wait3A_67 = arith.constant 0 : i32
    %dma_wait3A_68 = arith.constant 0 : i32
    %dma_wait3A_69 = tpu.memref_slice %arg6[%dma_wait3A, %dma_wait3A_66, %dma_wait3A_67, %dma_wait3A_68] : memref<2x25x1x80xi32, #tpu.memory_space<vmem>> -> memref<1x25x1x80xi32, #tpu.memory_space<vmem>>
    %dma_wait3A_70 = tpu.memref_squeeze %dma_wait3A_69 : memref<1x25x1x80xi32, #tpu.memory_space<vmem>> -> memref<25x1x80xi32, #tpu.memory_space<vmem>>
    %dma_wait3A_71 = arith.constant 0 : i32
    %dma_wait3A_72 = arith.constant 0 : i32
    %dma_wait3A_73 = arith.constant 0 : i32
    %dma_wait3A_74 = tpu.memref_slice %arg2[%add3A, %dma_wait3A_71, %dma_wait3A_72, %dma_wait3A_73] : memref<32x125x1x80xi32, #tpu.memory_space<hbm>> -> memref<1x25x1x80xi32, #tpu.memory_space<hbm>>
    %dma_wait3A_75 = tpu.memref_squeeze %dma_wait3A_74 : memref<1x25x1x80xi32, #tpu.memory_space<hbm>> -> memref<25x1x80xi32, #tpu.memory_space<hbm>>
    %dma_wait3A_76 = arith.constant 0 : i32
    %dma_wait3A_77 = arith.constant 0 : i32
    %dma_wait3A_78 = arith.constant 0 : i32
    %dma_wait3A_79 = tpu.memref_slice %arg6[%dma_wait3A, %dma_wait3A_76, %dma_wait3A_77, %dma_wait3A_78] : memref<2x25x1x80xi32, #tpu.memory_space<vmem>> -> memref<1x25x1x80xi32, #tpu.memory_space<vmem>>
    %dma_wait3A_80 = tpu.memref_squeeze %dma_wait3A_79 : memref<1x25x1x80xi32, #tpu.memory_space<vmem>> -> memref<25x1x80xi32, #tpu.memory_space<vmem>>
    %dma_wait3A_81 = arith.constant 0 : i32
    %dma_wait3A_82 = arith.constant 0 : i32
    %dma_wait3A_83 = arith.constant 0 : i32
    %dma_wait3A_84 = tpu.memref_slice %arg2[%add3A, %dma_wait3A_81, %dma_wait3A_82, %dma_wait3A_83] : memref<32x125x1x80xi32, #tpu.memory_space<hbm>> -> memref<1x25x1x80xi32, #tpu.memory_space<hbm>>
    %dma_wait3A_85 = tpu.memref_squeeze %dma_wait3A_84 : memref<1x25x1x80xi32, #tpu.memory_space<hbm>> -> memref<25x1x80xi32, #tpu.memory_space<hbm>>
    tpu.wait_dma2 semaphore(%arg13 : memref<!tpu.dma_semaphore, #tpu.memory_space<semaphore_mem>>) src(%dma_wait3A_85 : memref<25x1x80xi32, #tpu.memory_space<hbm>>) dst(%dma_wait3A_80 : memref<25x1x80xi32, #tpu.memory_space<vmem>>)
    %dma_wait3A_86 = arith.constant 0 : i32
    %dma_wait3A_87 = arith.constant 0 : i32
    %dma_wait3A_88 = arith.constant 0 : i32
    %dma_wait3A_89 = arith.constant 0 : i32
    %dma_wait3A_90 = tpu.memref_slice %arg7[%dma_wait3A_86, %dma_wait3A_87, %dma_wait3A_88, %dma_wait3A_89] : memref<2x25x1x80xi32, #tpu.memory_space<vmem>> -> memref<1x25x1x80xi32, #tpu.memory_space<vmem>>
    %dma_wait3A_91 = tpu.memref_squeeze %dma_wait3A_90 : memref<1x25x1x80xi32, #tpu.memory_space<vmem>> -> memref<25x1x80xi32, #tpu.memory_space<vmem>>
    %dma_wait3A_92 = arith.constant 0 : i32
    %dma_wait3A_93 = arith.constant 0 : i32
    %dma_wait3A_94 = arith.constant 0 : i32
    %dma_wait3A_95 = tpu.memref_slice %arg3[%add3A, %dma_wait3A_92, %dma_wait3A_93, %dma_wait3A_94] : memref<32x125x1x80xi32, #tpu.memory_space<hbm>> -> memref<1x25x1x80xi32, #tpu.memory_space<hbm>>
    %dma_wait3A_96 = tpu.memref_squeeze %dma_wait3A_95 : memref<1x25x1x80xi32, #tpu.memory_space<hbm>> -> memref<25x1x80xi32, #tpu.memory_space<hbm>>
    %dma_wait3A_97 = arith.constant 0 : i32
    %dma_wait3A_98 = arith.constant 0 : i32
    %dma_wait3A_99 = arith.constant 0 : i32
    %dma_wait3A_100 = tpu.memref_slice %arg7[%dma_wait3A_86, %dma_wait3A_97, %dma_wait3A_98, %dma_wait3A_99] : memref<2x25x1x80xi32, #tpu.memory_space<vmem>> -> memref<1x25x1x80xi32, #tpu.memory_space<vmem>>
    %dma_wait3A_101 = tpu.memref_squeeze %dma_wait3A_100 : memref<1x25x1x80xi32, #tpu.memory_space<vmem>> -> memref<25x1x80xi32, #tpu.memory_space<vmem>>
    %dma_wait3A_102 = arith.constant 0 : i32
    %dma_wait3A_103 = arith.constant 0 : i32
    %dma_wait3A_104 = arith.constant 0 : i32
    %dma_wait3A_105 = tpu.memref_slice %arg3[%add3A, %dma_wait3A_102, %dma_wait3A_103, %dma_wait3A_104] : memref<32x125x1x80xi32, #tpu.memory_space<hbm>> -> memref<1x25x1x80xi32, #tpu.memory_space<hbm>>
    %dma_wait3A_106 = tpu.memref_squeeze %dma_wait3A_105 : memref<1x25x1x80xi32, #tpu.memory_space<hbm>> -> memref<25x1x80xi32, #tpu.memory_space<hbm>>
    tpu.wait_dma2 semaphore(%arg13 : memref<!tpu.dma_semaphore, #tpu.memory_space<semaphore_mem>>) src(%dma_wait3A_106 : memref<25x1x80xi32, #tpu.memory_space<hbm>>) dst(%dma_wait3A_101 : memref<25x1x80xi32, #tpu.memory_space<vmem>>)
    %barrier3A = arith.constant 0 : index
    tpu.barrier barrier_id(%barrier3A)
    %dma_start3A_107 = arith.constant 0 : i32
    %dma_start3A_108 = arith.constant 0 : i32
    %dma_start3A_109 = arith.constant 0 : i32
    %dma_start3A_110 = arith.constant 0 : i32
    %dma_start3A_111 = tpu.memref_slice %arg6[%dma_start3A_107, %dma_start3A_108, %dma_start3A_109, %dma_start3A_110] : memref<2x25x1x80xi32, #tpu.memory_space<vmem>> -> memref<1x1x1x80xi32, #tpu.memory_space<vmem>>
    %dma_start3A_112 = tpu.memref_squeeze %dma_start3A_111 : memref<1x1x1x80xi32, #tpu.memory_space<vmem>> -> memref<80xi32, #tpu.memory_space<vmem>>
    %dma_start3A_113 = arith.constant 0 : i32
    %dma_start3A_114 = arith.constant 0 : i32
    %dma_start3A_115 = tpu.memref_slice %arg4[%dma_start3A_113, %dma_start3A_114] : memref<10000x128xf32, #tpu.memory_space<hbm>> -> memref<10000x128xf32, #tpu.memory_space<hbm>>
    tpu.enqueue_indirect_dma source(%dma_start3A_115 : memref<10000x128xf32, #tpu.memory_space<hbm>>) target(%arg8 : memref<80x128xf32, #tpu.memory_space<vmem>>) offsets(%dma_start3A_112 : memref<80xi32, #tpu.memory_space<vmem>>) semaphore(%arg11 : memref<!tpu.dma_semaphore, #tpu.memory_space<semaphore_mem>>)
    %dma_start3A_116 = arith.constant 1 : i32
    %dma_start3A_117 = arith.constant 0 : i32
    %dma_start3A_118 = arith.constant 0 : i32
    %dma_start3A_119 = arith.constant 0 : i32
    %dma_start3A_120 = tpu.memref_slice %arg6[%dma_start3A_116, %dma_start3A_117, %dma_start3A_118, %dma_start3A_119] : memref<2x25x1x80xi32, #tpu.memory_space<vmem>> -> memref<1x25x1x80xi32, #tpu.memory_space<vmem>>
    %dma_start3A_121 = tpu.memref_squeeze %dma_start3A_120 : memref<1x25x1x80xi32, #tpu.memory_space<vmem>> -> memref<25x1x80xi32, #tpu.memory_space<vmem>>
    %dma_start3A_122 = arith.constant 25 : i32
    %dma_start3A_123 = arith.constant 0 : i32
    %dma_start3A_124 = arith.constant 0 : i32
    %dma_start3A_125 = tpu.memref_slice %arg2[%add3A, %dma_start3A_122, %dma_start3A_123, %dma_start3A_124] : memref<32x125x1x80xi32, #tpu.memory_space<hbm>> -> memref<1x25x1x80xi32, #tpu.memory_space<hbm>>
    %dma_start3A_126 = tpu.memref_squeeze %dma_start3A_125 : memref<1x25x1x80xi32, #tpu.memory_space<hbm>> -> memref<25x1x80xi32, #tpu.memory_space<hbm>>
    %dma_start3A_127 = arith.constant 0 : i32
    %dma_start3A_128 = arith.constant 0 : i32
    %dma_start3A_129 = arith.constant 0 : i32
    %dma_start3A_130 = tpu.memref_slice %arg6[%dma_start3A_116, %dma_start3A_127, %dma_start3A_128, %dma_start3A_129] : memref<2x25x1x80xi32, #tpu.memory_space<vmem>> -> memref<1x25x1x80xi32, #tpu.memory_space<vmem>>
    %dma_start3A_131 = tpu.memref_squeeze %dma_start3A_130 : memref<1x25x1x80xi32, #tpu.memory_space<vmem>> -> memref<25x1x80xi32, #tpu.memory_space<vmem>>
    %dma_start3A_132 = arith.constant 25 : i32
    %dma_start3A_133 = arith.constant 0 : i32
    %dma_start3A_134 = arith.constant 0 : i32
    %dma_start3A_135 = tpu.memref_slice %arg2[%add3A, %dma_start3A_132, %dma_start3A_133, %dma_start3A_134] : memref<32x125x1x80xi32, #tpu.memory_space<hbm>> -> memref<1x25x1x80xi32, #tpu.memory_space<hbm>>
    %dma_start3A_136 = tpu.memref_squeeze %dma_start3A_135 : memref<1x25x1x80xi32, #tpu.memory_space<hbm>> -> memref<25x1x80xi32, #tpu.memory_space<hbm>>
    tpu.enqueue_dma source(%dma_start3A_136 : memref<25x1x80xi32, #tpu.memory_space<hbm>>) target(%dma_start3A_131 : memref<25x1x80xi32, #tpu.memory_space<vmem>>) target_semaphore(%arg13 : memref<!tpu.dma_semaphore, #tpu.memory_space<semaphore_mem>>)
    %dma_start3A_137 = arith.constant 1 : i32
    %dma_start3A_138 = arith.constant 0 : i32
    %dma_start3A_139 = arith.constant 0 : i32
    %dma_start3A_140 = arith.constant 0 : i32
    %dma_start3A_141 = tpu.memref_slice %arg7[%dma_start3A_137, %dma_start3A_138, %dma_start3A_139, %dma_start3A_140] : memref<2x25x1x80xi32, #tpu.memory_space<vmem>> -> memref<1x25x1x80xi32, #tpu.memory_space<vmem>>
    %dma_start3A_142 = tpu.memref_squeeze %dma_start3A_141 : memref<1x25x1x80xi32, #tpu.memory_space<vmem>> -> memref<25x1x80xi32, #tpu.memory_space<vmem>>
    %dma_start3A_143 = arith.constant 25 : i32
    %dma_start3A_144 = arith.constant 0 : i32
    %dma_start3A_145 = arith.constant 0 : i32
    %dma_start3A_146 = tpu.memref_slice %arg3[%add3A, %dma_start3A_143, %dma_start3A_144, %dma_start3A_145] : memref<32x125x1x80xi32, #tpu.memory_space<hbm>> -> memref<1x25x1x80xi32, #tpu.memory_space<hbm>>
    %dma_start3A_147 = tpu.memref_squeeze %dma_start3A_146 : memref<1x25x1x80xi32, #tpu.memory_space<hbm>> -> memref<25x1x80xi32, #tpu.memory_space<hbm>>
    %dma_start3A_148 = arith.constant 0 : i32
    %dma_start3A_149 = arith.constant 0 : i32
    %dma_start3A_150 = arith.constant 0 : i32
    %dma_start3A_151 = tpu.memref_slice %arg7[%dma_start3A_137, %dma_start3A_148, %dma_start3A_149, %dma_start3A_150] : memref<2x25x1x80xi32, #tpu.memory_space<vmem>> -> memref<1x25x1x80xi32, #tpu.memory_space<vmem>>
    %dma_start3A_152 = tpu.memref_squeeze %dma_start3A_151 : memref<1x25x1x80xi32, #tpu.memory_space<vmem>> -> memref<25x1x80xi32, #tpu.memory_space<vmem>>
    %dma_start3A_153 = arith.constant 25 : i32
    %dma_start3A_154 = arith.constant 0 : i32
    %dma_start3A_155 = arith.constant 0 : i32
    %dma_start3A_156 = tpu.memref_slice %arg3[%add3A, %dma_start3A_153, %dma_start3A_154, %dma_start3A_155] : memref<32x125x1x80xi32, #tpu.memory_space<hbm>> -> memref<1x25x1x80xi32, #tpu.memory_space<hbm>>
    %dma_start3A_157 = tpu.memref_squeeze %dma_start3A_156 : memref<1x25x1x80xi32, #tpu.memory_space<hbm>> -> memref<25x1x80xi32, #tpu.memory_space<hbm>>
    tpu.enqueue_dma source(%dma_start3A_157 : memref<25x1x80xi32, #tpu.memory_space<hbm>>) target(%dma_start3A_152 : memref<25x1x80xi32, #tpu.memory_space<vmem>>) target_semaphore(%arg13 : memref<!tpu.dma_semaphore, #tpu.memory_space<semaphore_mem>>)
    %scan3A_158 = arith.constant 0 : i32
    %scan3A_159 = arith.constant 0 : i32
    %scan3A_160 = arith.constant 12 : i32
    %scan3A_161 = arith.addi %scan3A_159, %scan3A_160 : i32
    %scan3A_162 = arith.constant 1 : i32
    scf.for %scan3A_563 = %scan3A_159 to %scan3A_161 step %scan3A_162  : i32 {
      %mul3A_564 = arith.constant 2 : i32
      %mul3A_565 = arith.muli %mul3A_564, %scan3A_563 : i32
      %add3A_566 = arith.constant 1 : i32
      %add3A_567 = arith.addi %mul3A_565, %add3A_566 : i32
      %dma_start3A_568 = arith.constant 0 : i32
      %dma_start3A_569 = arith.constant 0 : i32
      %dma_start3A_570 = arith.constant 0 : i32
      %dma_start3A_571 = tpu.memref_slice %arg6[%dma_start3A_568, %add3A_567, %dma_start3A_569, %dma_start3A_570] : memref<2x25x1x80xi32, #tpu.memory_space<vmem>> -> memref<1x1x1x80xi32, #tpu.memory_space<vmem>>
      %dma_start3A_572 = tpu.memref_squeeze %dma_start3A_571 : memref<1x1x1x80xi32, #tpu.memory_space<vmem>> -> memref<80xi32, #tpu.memory_space<vmem>>
      %dma_start3A_573 = arith.constant 0 : i32
      %dma_start3A_574 = arith.constant 0 : i32
      %dma_start3A_575 = tpu.memref_slice %arg4[%dma_start3A_573, %dma_start3A_574] : memref<10000x128xf32, #tpu.memory_space<hbm>> -> memref<10000x128xf32, #tpu.memory_space<hbm>>
      tpu.enqueue_indirect_dma source(%dma_start3A_575 : memref<10000x128xf32, #tpu.memory_space<hbm>>) target(%arg9 : memref<80x128xf32, #tpu.memory_space<vmem>>) offsets(%dma_start3A_572 : memref<80xi32, #tpu.memory_space<vmem>>) semaphore(%arg12 : memref<!tpu.dma_semaphore, #tpu.memory_space<semaphore_mem>>)
      %dma_wait3A_576 = arith.constant 0 : i32
      %dma_wait3A_577 = arith.constant 0 : i32
      %dma_wait3A_578 = tpu.memref_slice %arg4[%dma_wait3A_576, %dma_wait3A_577] : memref<10000x128xf32, #tpu.memory_space<hbm>> -> memref<80x128xf32, #tpu.memory_space<hbm>>
      %dma_wait3A_579 = arith.constant 0 : i32
      %dma_wait3A_580 = arith.constant 0 : i32
      %dma_wait3A_581 = tpu.memref_slice %arg4[%dma_wait3A_579, %dma_wait3A_580] : memref<10000x128xf32, #tpu.memory_space<hbm>> -> memref<80x128xf32, #tpu.memory_space<hbm>>
      tpu.wait_dma2 semaphore(%arg11 : memref<!tpu.dma_semaphore, #tpu.memory_space<semaphore_mem>>) src(%dma_wait3A_581 : memref<80x128xf32, #tpu.memory_space<hbm>>) dst(%arg8 : memref<80x128xf32, #tpu.memory_space<vmem>>)
      %run_scoped3A_582 = arith.constant 0 : i32
      %run_scoped3A_583 = arith.constant 0 : i32
      "tpu.region"() ({
        %run_scoped3A_604 = tpu.sem_alloc : memref<!tpu.dma_semaphore, #tpu.memory_space<semaphore_mem>>
        %dma_start3A_605 = arith.constant 0 : i32
        %dma_start3A_606 = tpu.memref_slice %arg7[%run_scoped3A_582, %mul3A_565, %run_scoped3A_583, %dma_start3A_605] : memref<2x25x1x80xi32, #tpu.memory_space<vmem>> -> memref<1x1x1x80xi32, #tpu.memory_space<vmem>>
        %dma_start3A_607 = tpu.memref_squeeze %dma_start3A_606 : memref<1x1x1x80xi32, #tpu.memory_space<vmem>> -> memref<80xi32, #tpu.memory_space<vmem>>
        %dma_start3A_608 = arith.constant 0 : i32
        %dma_start3A_609 = arith.constant 0 : i32
        %dma_start3A_610 = tpu.memref_slice %arg10[%dma_start3A_608, %dma_start3A_609] : memref<10112x128xf32, #tpu.memory_space<vmem_shared>> -> memref<10112x128xf32, #tpu.memory_space<vmem_shared>>
        tpu.enqueue_indirect_dma source(%arg8 : memref<80x128xf32, #tpu.memory_space<vmem>>) target(%dma_start3A_610 : memref<10112x128xf32, #tpu.memory_space<vmem_shared>>) offsets(%dma_start3A_607 : memref<80xi32, #tpu.memory_space<vmem>>) semaphore(%run_scoped3A_604 : memref<!tpu.dma_semaphore, #tpu.memory_space<semaphore_mem>>) {add = true}
        %dma_wait3A_611 = arith.constant 0 : i32
        %dma_wait3A_612 = tpu.memref_slice %arg7[%run_scoped3A_582, %mul3A_565, %run_scoped3A_583, %dma_wait3A_611] : memref<2x25x1x80xi32, #tpu.memory_space<vmem>> -> memref<1x1x1x80xi32, #tpu.memory_space<vmem>>
        %dma_wait3A_613 = tpu.memref_squeeze %dma_wait3A_612 : memref<1x1x1x80xi32, #tpu.memory_space<vmem>> -> memref<80xi32, #tpu.memory_space<vmem>>
        %dma_wait3A_614 = arith.constant 0 : i32
        %dma_wait3A_615 = arith.constant 0 : i32
        %dma_wait3A_616 = tpu.memref_slice %arg10[%dma_wait3A_614, %dma_wait3A_615] : memref<10112x128xf32, #tpu.memory_space<vmem_shared>> -> memref<10112x128xf32, #tpu.memory_space<vmem_shared>>
        tpu.wait_indirect_dma semaphore(%run_scoped3A_604 : memref<!tpu.dma_semaphore, #tpu.memory_space<semaphore_mem>>) src(%arg8 : memref<80x128xf32, #tpu.memory_space<vmem>>) dst(%dma_wait3A_616 : memref<10112x128xf32, #tpu.memory_space<vmem_shared>>)
        tpu.yield
      }) : () -> ()
      %add3A_584 = arith.constant 2 : i32
      %add3A_585 = arith.addi %mul3A_565, %add3A_584 : i32
      %dma_start3A_586 = arith.constant 0 : i32
      %dma_start3A_587 = arith.constant 0 : i32
      %dma_start3A_588 = arith.constant 0 : i32
      %dma_start3A_589 = tpu.memref_slice %arg6[%dma_start3A_586, %add3A_585, %dma_start3A_587, %dma_start3A_588] : memref<2x25x1x80xi32, #tpu.memory_space<vmem>> -> memref<1x1x1x80xi32, #tpu.memory_space<vmem>>
      %dma_start3A_590 = tpu.memref_squeeze %dma_start3A_589 : memref<1x1x1x80xi32, #tpu.memory_space<vmem>> -> memref<80xi32, #tpu.memory_space<vmem>>
      %dma_start3A_591 = arith.constant 0 : i32
      %dma_start3A_592 = arith.constant 0 : i32
      %dma_start3A_593 = tpu.memref_slice %arg4[%dma_start3A_591, %dma_start3A_592] : memref<10000x128xf32, #tpu.memory_space<hbm>> -> memref<10000x128xf32, #tpu.memory_space<hbm>>
      tpu.enqueue_indirect_dma source(%dma_start3A_593 : memref<10000x128xf32, #tpu.memory_space<hbm>>) target(%arg8 : memref<80x128xf32, #tpu.memory_space<vmem>>) offsets(%dma_start3A_590 : memref<80xi32, #tpu.memory_space<vmem>>) semaphore(%arg11 : memref<!tpu.dma_semaphore, #tpu.memory_space<semaphore_mem>>)
      %dma_wait3A_594 = arith.constant 0 : i32
      %dma_wait3A_595 = arith.constant 0 : i32
      %dma_wait3A_596 = tpu.memref_slice %arg4[%dma_wait3A_594, %dma_wait3A_595] : memref<10000x128xf32, #tpu.memory_space<hbm>> -> memref<80x128xf32, #tpu.memory_space<hbm>>
      %dma_wait3A_597 = arith.constant 0 : i32
      %dma_wait3A_598 = arith.constant 0 : i32
      %dma_wait3A_599 = tpu.memref_slice %arg4[%dma_wait3A_597, %dma_wait3A_598] : memref<10000x128xf32, #tpu.memory_space<hbm>> -> memref<80x128xf32, #tpu.memory_space<hbm>>
      tpu.wait_dma2 semaphore(%arg12 : memref<!tpu.dma_semaphore, #tpu.memory_space<semaphore_mem>>) src(%dma_wait3A_599 : memref<80x128xf32, #tpu.memory_space<hbm>>) dst(%arg9 : memref<80x128xf32, #tpu.memory_space<vmem>>)
      %add3A_600 = arith.constant 1 : i32
      %add3A_601 = arith.addi %mul3A_565, %add3A_600 : i32
      %run_scoped3A_602 = arith.constant 0 : i32
      %run_scoped3A_603 = arith.constant 0 : i32
      "tpu.region"() ({
        %run_scoped3A_604 = tpu.sem_alloc : memref<!tpu.dma_semaphore, #tpu.memory_space<semaphore_mem>>
        %dma_start3A_605 = arith.constant 0 : i32
        %dma_start3A_606 = tpu.memref_slice %arg7[%run_scoped3A_602, %add3A_601, %run_scoped3A_603, %dma_start3A_605] : memref<2x25x1x80xi32, #tpu.memory_space<vmem>> -> memref<1x1x1x80xi32, #tpu.memory_space<vmem>>
        %dma_start3A_607 = tpu.memref_squeeze %dma_start3A_606 : memref<1x1x1x80xi32, #tpu.memory_space<vmem>> -> memref<80xi32, #tpu.memory_space<vmem>>
        %dma_start3A_608 = arith.constant 0 : i32
        %dma_start3A_609 = arith.constant 0 : i32
        %dma_start3A_610 = tpu.memref_slice %arg10[%dma_start3A_608, %dma_start3A_609] : memref<10112x128xf32, #tpu.memory_space<vmem_shared>> -> memref<10112x128xf32, #tpu.memory_space<vmem_shared>>
        tpu.enqueue_indirect_dma source(%arg9 : memref<80x128xf32, #tpu.memory_space<vmem>>) target(%dma_start3A_610 : memref<10112x128xf32, #tpu.memory_space<vmem_shared>>) offsets(%dma_start3A_607 : memref<80xi32, #tpu.memory_space<vmem>>) semaphore(%run_scoped3A_604 : memref<!tpu.dma_semaphore, #tpu.memory_space<semaphore_mem>>) {add = true}
        %dma_wait3A_611 = arith.constant 0 : i32
        %dma_wait3A_612 = tpu.memref_slice %arg7[%run_scoped3A_602, %add3A_601, %run_scoped3A_603, %dma_wait3A_611] : memref<2x25x1x80xi32, #tpu.memory_space<vmem>> -> memref<1x1x1x80xi32, #tpu.memory_space<vmem>>
        %dma_wait3A_613 = tpu.memref_squeeze %dma_wait3A_612 : memref<1x1x1x80xi32, #tpu.memory_space<vmem>> -> memref<80xi32, #tpu.memory_space<vmem>>
        %dma_wait3A_614 = arith.constant 0 : i32
        %dma_wait3A_615 = arith.constant 0 : i32
        %dma_wait3A_616 = tpu.memref_slice %arg10[%dma_wait3A_614, %dma_wait3A_615] : memref<10112x128xf32, #tpu.memory_space<vmem_shared>> -> memref<10112x128xf32, #tpu.memory_space<vmem_shared>>
        tpu.wait_indirect_dma semaphore(%run_scoped3A_604 : memref<!tpu.dma_semaphore, #tpu.memory_space<semaphore_mem>>) src(%arg9 : memref<80x128xf32, #tpu.memory_space<vmem>>) dst(%dma_wait3A_616 : memref<10112x128xf32, #tpu.memory_space<vmem_shared>>)
        tpu.yield
      }) : () -> ()
    }
    %scan3A_163 = arith.constant 12 : i32
    %dma_wait3A_164 = arith.constant 1 : i32
    %dma_wait3A_165 = arith.constant 0 : i32
    %dma_wait3A_166 = arith.constant 0 : i32
    %dma_wait3A_167 = arith.constant 0 : i32
    %dma_wait3A_168 = tpu.memref_slice %arg6[%dma_wait3A_164, %dma_wait3A_165, %dma_wait3A_166, %dma_wait3A_167] : memref<2x25x1x80xi32, #tpu.memory_space<vmem>> -> memref<1x25x1x80xi32, #tpu.memory_space<vmem>>
    %dma_wait3A_169 = tpu.memref_squeeze %dma_wait3A_168 : memref<1x25x1x80xi32, #tpu.memory_space<vmem>> -> memref<25x1x80xi32, #tpu.memory_space<vmem>>
    %dma_wait3A_170 = arith.constant 0 : i32
    %dma_wait3A_171 = arith.constant 0 : i32
    %dma_wait3A_172 = arith.constant 0 : i32
    %dma_wait3A_173 = tpu.memref_slice %arg2[%add3A, %dma_wait3A_170, %dma_wait3A_171, %dma_wait3A_172] : memref<32x125x1x80xi32, #tpu.memory_space<hbm>> -> memref<1x25x1x80xi32, #tpu.memory_space<hbm>>
    %dma_wait3A_174 = tpu.memref_squeeze %dma_wait3A_173 : memref<1x25x1x80xi32, #tpu.memory_space<hbm>> -> memref<25x1x80xi32, #tpu.memory_space<hbm>>
    %dma_wait3A_175 = arith.constant 0 : i32
    %dma_wait3A_176 = arith.constant 0 : i32
    %dma_wait3A_177 = arith.constant 0 : i32
    %dma_wait3A_178 = tpu.memref_slice %arg6[%dma_wait3A_164, %dma_wait3A_175, %dma_wait3A_176, %dma_wait3A_177] : memref<2x25x1x80xi32, #tpu.memory_space<vmem>> -> memref<1x25x1x80xi32, #tpu.memory_space<vmem>>
    %dma_wait3A_179 = tpu.memref_squeeze %dma_wait3A_178 : memref<1x25x1x80xi32, #tpu.memory_space<vmem>> -> memref<25x1x80xi32, #tpu.memory_space<vmem>>
    %dma_wait3A_180 = arith.constant 0 : i32
    %dma_wait3A_181 = arith.constant 0 : i32
    %dma_wait3A_182 = arith.constant 0 : i32
    %dma_wait3A_183 = tpu.memref_slice %arg2[%add3A, %dma_wait3A_180, %dma_wait3A_181, %dma_wait3A_182] : memref<32x125x1x80xi32, #tpu.memory_space<hbm>> -> memref<1x25x1x80xi32, #tpu.memory_space<hbm>>
    %dma_wait3A_184 = tpu.memref_squeeze %dma_wait3A_183 : memref<1x25x1x80xi32, #tpu.memory_space<hbm>> -> memref<25x1x80xi32, #tpu.memory_space<hbm>>
    tpu.wait_dma2 semaphore(%arg13 : memref<!tpu.dma_semaphore, #tpu.memory_space<semaphore_mem>>) src(%dma_wait3A_184 : memref<25x1x80xi32, #tpu.memory_space<hbm>>) dst(%dma_wait3A_179 : memref<25x1x80xi32, #tpu.memory_space<vmem>>)
    %dma_wait3A_185 = arith.constant 1 : i32
    %dma_wait3A_186 = arith.constant 0 : i32
    %dma_wait3A_187 = arith.constant 0 : i32
    %dma_wait3A_188 = arith.constant 0 : i32
    %dma_wait3A_189 = tpu.memref_slice %arg7[%dma_wait3A_185, %dma_wait3A_186, %dma_wait3A_187, %dma_wait3A_188] : memref<2x25x1x80xi32, #tpu.memory_space<vmem>> -> memref<1x25x1x80xi32, #tpu.memory_space<vmem>>
    %dma_wait3A_190 = tpu.memref_squeeze %dma_wait3A_189 : memref<1x25x1x80xi32, #tpu.memory_space<vmem>> -> memref<25x1x80xi32, #tpu.memory_space<vmem>>
    %dma_wait3A_191 = arith.constant 0 : i32
    %dma_wait3A_192 = arith.constant 0 : i32
    %dma_wait3A_193 = arith.constant 0 : i32
    %dma_wait3A_194 = tpu.memref_slice %arg3[%add3A, %dma_wait3A_191, %dma_wait3A_192, %dma_wait3A_193] : memref<32x125x1x80xi32, #tpu.memory_space<hbm>> -> memref<1x25x1x80xi32, #tpu.memory_space<hbm>>
    %dma_wait3A_195 = tpu.memref_squeeze %dma_wait3A_194 : memref<1x25x1x80xi32, #tpu.memory_space<hbm>> -> memref<25x1x80xi32, #tpu.memory_space<hbm>>
    %dma_wait3A_196 = arith.constant 0 : i32
    %dma_wait3A_197 = arith.constant 0 : i32
    %dma_wait3A_198 = arith.constant 0 : i32
    %dma_wait3A_199 = tpu.memref_slice %arg7[%dma_wait3A_185, %dma_wait3A_196, %dma_wait3A_197, %dma_wait3A_198] : memref<2x25x1x80xi32, #tpu.memory_space<vmem>> -> memref<1x25x1x80xi32, #tpu.memory_space<vmem>>
    %dma_wait3A_200 = tpu.memref_squeeze %dma_wait3A_199 : memref<1x25x1x80xi32, #tpu.memory_space<vmem>> -> memref<25x1x80xi32, #tpu.memory_space<vmem>>
    %dma_wait3A_201 = arith.constant 0 : i32
    %dma_wait3A_202 = arith.constant 0 : i32
    %dma_wait3A_203 = arith.constant 0 : i32
    %dma_wait3A_204 = tpu.memref_slice %arg3[%add3A, %dma_wait3A_201, %dma_wait3A_202, %dma_wait3A_203] : memref<32x125x1x80xi32, #tpu.memory_space<hbm>> -> memref<1x25x1x80xi32, #tpu.memory_space<hbm>>
    %dma_wait3A_205 = tpu.memref_squeeze %dma_wait3A_204 : memref<1x25x1x80xi32, #tpu.memory_space<hbm>> -> memref<25x1x80xi32, #tpu.memory_space<hbm>>
    tpu.wait_dma2 semaphore(%arg13 : memref<!tpu.dma_semaphore, #tpu.memory_space<semaphore_mem>>) src(%dma_wait3A_205 : memref<25x1x80xi32, #tpu.memory_space<hbm>>) dst(%dma_wait3A_200 : memref<25x1x80xi32, #tpu.memory_space<vmem>>)
    %dma_start3A_206 = arith.constant 1 : i32
    %dma_start3A_207 = arith.constant 0 : i32
    %dma_start3A_208 = arith.constant 0 : i32
    %dma_start3A_209 = arith.constant 0 : i32
    %dma_start3A_210 = tpu.memref_slice %arg6[%dma_start3A_206, %dma_start3A_207, %dma_start3A_208, %dma_start3A_209] : memref<2x25x1x80xi32, #tpu.memory_space<vmem>> -> memref<1x1x1x80xi32, #tpu.memory_space<vmem>>
    %dma_start3A_211 = tpu.memref_squeeze %dma_start3A_210 : memref<1x1x1x80xi32, #tpu.memory_space<vmem>> -> memref<80xi32, #tpu.memory_space<vmem>>
    %dma_start3A_212 = arith.constant 0 : i32
    %dma_start3A_213 = arith.constant 0 : i32
    %dma_start3A_214 = tpu.memref_slice %arg4[%dma_start3A_212, %dma_start3A_213] : memref<10000x128xf32, #tpu.memory_space<hbm>> -> memref<10000x128xf32, #tpu.memory_space<hbm>>
    tpu.enqueue_indirect_dma source(%dma_start3A_214 : memref<10000x128xf32, #tpu.memory_space<hbm>>) target(%arg9 : memref<80x128xf32, #tpu.memory_space<vmem>>) offsets(%dma_start3A_211 : memref<80xi32, #tpu.memory_space<vmem>>) semaphore(%arg12 : memref<!tpu.dma_semaphore, #tpu.memory_space<semaphore_mem>>)
    %dma_wait3A_215 = arith.constant 0 : i32
    %dma_wait3A_216 = arith.constant 0 : i32
    %dma_wait3A_217 = tpu.memref_slice %arg4[%dma_wait3A_215, %dma_wait3A_216] : memref<10000x128xf32, #tpu.memory_space<hbm>> -> memref<80x128xf32, #tpu.memory_space<hbm>>
    %dma_wait3A_218 = arith.constant 0 : i32
    %dma_wait3A_219 = arith.constant 0 : i32
    %dma_wait3A_220 = tpu.memref_slice %arg4[%dma_wait3A_218, %dma_wait3A_219] : memref<10000x128xf32, #tpu.memory_space<hbm>> -> memref<80x128xf32, #tpu.memory_space<hbm>>
    tpu.wait_dma2 semaphore(%arg11 : memref<!tpu.dma_semaphore, #tpu.memory_space<semaphore_mem>>) src(%dma_wait3A_220 : memref<80x128xf32, #tpu.memory_space<hbm>>) dst(%arg8 : memref<80x128xf32, #tpu.memory_space<vmem>>)
    %run_scoped3A = arith.constant 0 : i32
    %run_scoped3A_221 = arith.constant 24 : i32
    %run_scoped3A_222 = arith.constant 0 : i32
    "tpu.region"() ({
      %run_scoped3A_563 = tpu.sem_alloc : memref<!tpu.dma_semaphore, #tpu.memory_space<semaphore_mem>>
      %dma_start3A_564 = arith.constant 0 : i32
      %dma_start3A_565 = tpu.memref_slice %arg7[%run_scoped3A, %run_scoped3A_221, %run_scoped3A_222, %dma_start3A_564] : memref<2x25x1x80xi32, #tpu.memory_space<vmem>> -> memref<1x1x1x80xi32, #tpu.memory_space<vmem>>
      %dma_start3A_566 = tpu.memref_squeeze %dma_start3A_565 : memref<1x1x1x80xi32, #tpu.memory_space<vmem>> -> memref<80xi32, #tpu.memory_space<vmem>>
      %dma_start3A_567 = arith.constant 0 : i32
      %dma_start3A_568 = arith.constant 0 : i32
      %dma_start3A_569 = tpu.memref_slice %arg10[%dma_start3A_567, %dma_start3A_568] : memref<10112x128xf32, #tpu.memory_space<vmem_shared>> -> memref<10112x128xf32, #tpu.memory_space<vmem_shared>>
      tpu.enqueue_indirect_dma source(%arg8 : memref<80x128xf32, #tpu.memory_space<vmem>>) target(%dma_start3A_569 : memref<10112x128xf32, #tpu.memory_space<vmem_shared>>) offsets(%dma_start3A_566 : memref<80xi32, #tpu.memory_space<vmem>>) semaphore(%run_scoped3A_563 : memref<!tpu.dma_semaphore, #tpu.memory_space<semaphore_mem>>) {add = true}
      %dma_wait3A_570 = arith.constant 0 : i32
      %dma_wait3A_571 = tpu.memref_slice %arg7[%run_scoped3A, %run_scoped3A_221, %run_scoped3A_222, %dma_wait3A_570] : memref<2x25x1x80xi32, #tpu.memory_space<vmem>> -> memref<1x1x1x80xi32, #tpu.memory_space<vmem>>
      %dma_wait3A_572 = tpu.memref_squeeze %dma_wait3A_571 : memref<1x1x1x80xi32, #tpu.memory_space<vmem>> -> memref<80xi32, #tpu.memory_space<vmem>>
      %dma_wait3A_573 = arith.constant 0 : i32
      %dma_wait3A_574 = arith.constant 0 : i32
      %dma_wait3A_575 = tpu.memref_slice %arg10[%dma_wait3A_573, %dma_wait3A_574] : memref<10112x128xf32, #tpu.memory_space<vmem_shared>> -> memref<10112x128xf32, #tpu.memory_space<vmem_shared>>
      tpu.wait_indirect_dma semaphore(%run_scoped3A_563 : memref<!tpu.dma_semaphore, #tpu.memory_space<semaphore_mem>>) src(%arg8 : memref<80x128xf32, #tpu.memory_space<vmem>>) dst(%dma_wait3A_575 : memref<10112x128xf32, #tpu.memory_space<vmem_shared>>)
      tpu.yield
    }) : () -> ()
    %dma_start3A_223 = arith.constant 0 : i32
    %dma_start3A_224 = arith.constant 0 : i32
    %dma_start3A_225 = arith.constant 0 : i32
    %dma_start3A_226 = arith.constant 0 : i32
    %dma_start3A_227 = tpu.memref_slice %arg6[%dma_start3A_223, %dma_start3A_224, %dma_start3A_225, %dma_start3A_226] : memref<2x25x1x80xi32, #tpu.memory_space<vmem>> -> memref<1x25x1x80xi32, #tpu.memory_space<vmem>>
    %dma_start3A_228 = tpu.memref_squeeze %dma_start3A_227 : memref<1x25x1x80xi32, #tpu.memory_space<vmem>> -> memref<25x1x80xi32, #tpu.memory_space<vmem>>
    %dma_start3A_229 = arith.constant 50 : i32
    %dma_start3A_230 = arith.constant 0 : i32
    %dma_start3A_231 = arith.constant 0 : i32
    %dma_start3A_232 = tpu.memref_slice %arg2[%add3A, %dma_start3A_229, %dma_start3A_230, %dma_start3A_231] : memref<32x125x1x80xi32, #tpu.memory_space<hbm>> -> memref<1x25x1x80xi32, #tpu.memory_space<hbm>>
    %dma_start3A_233 = tpu.memref_squeeze %dma_start3A_232 : memref<1x25x1x80xi32, #tpu.memory_space<hbm>> -> memref<25x1x80xi32, #tpu.memory_space<hbm>>
    %dma_start3A_234 = arith.constant 0 : i32
    %dma_start3A_235 = arith.constant 0 : i32
    %dma_start3A_236 = arith.constant 0 : i32
    %dma_start3A_237 = tpu.memref_slice %arg6[%dma_start3A_223, %dma_start3A_234, %dma_start3A_235, %dma_start3A_236] : memref<2x25x1x80xi32, #tpu.memory_space<vmem>> -> memref<1x25x1x80xi32, #tpu.memory_space<vmem>>
    %dma_start3A_238 = tpu.memref_squeeze %dma_start3A_237 : memref<1x25x1x80xi32, #tpu.memory_space<vmem>> -> memref<25x1x80xi32, #tpu.memory_space<vmem>>
    %dma_start3A_239 = arith.constant 50 : i32
    %dma_start3A_240 = arith.constant 0 : i32
    %dma_start3A_241 = arith.constant 0 : i32
    %dma_start3A_242 = tpu.memref_slice %arg2[%add3A, %dma_start3A_239, %dma_start3A_240, %dma_start3A_241] : memref<32x125x1x80xi32, #tpu.memory_space<hbm>> -> memref<1x25x1x80xi32, #tpu.memory_space<hbm>>
    %dma_start3A_243 = tpu.memref_squeeze %dma_start3A_242 : memref<1x25x1x80xi32, #tpu.memory_space<hbm>> -> memref<25x1x80xi32, #tpu.memory_space<hbm>>
    tpu.enqueue_dma source(%dma_start3A_243 : memref<25x1x80xi32, #tpu.memory_space<hbm>>) target(%dma_start3A_238 : memref<25x1x80xi32, #tpu.memory_space<vmem>>) target_semaphore(%arg13 : memref<!tpu.dma_semaphore, #tpu.memory_space<semaphore_mem>>)
    %dma_start3A_244 = arith.constant 0 : i32
    %dma_start3A_245 = arith.constant 0 : i32
    %dma_start3A_246 = arith.constant 0 : i32
    %dma_start3A_247 = arith.constant 0 : i32
    %dma_start3A_248 = tpu.memref_slice %arg7[%dma_start3A_244, %dma_start3A_245, %dma_start3A_246, %dma_start3A_247] : memref<2x25x1x80xi32, #tpu.memory_space<vmem>> -> memref<1x25x1x80xi32, #tpu.memory_space<vmem>>
    %dma_start3A_249 = tpu.memref_squeeze %dma_start3A_248 : memref<1x25x1x80xi32, #tpu.memory_space<vmem>> -> memref<25x1x80xi32, #tpu.memory_space<vmem>>
    %dma_start3A_250 = arith.constant 50 : i32
    %dma_start3A_251 = arith.constant 0 : i32
    %dma_start3A_252 = arith.constant 0 : i32
    %dma_start3A_253 = tpu.memref_slice %arg3[%add3A, %dma_start3A_250, %dma_start3A_251, %dma_start3A_252] : memref<32x125x1x80xi32, #tpu.memory_space<hbm>> -> memref<1x25x1x80xi32, #tpu.memory_space<hbm>>
    %dma_start3A_254 = tpu.memref_squeeze %dma_start3A_253 : memref<1x25x1x80xi32, #tpu.memory_space<hbm>> -> memref<25x1x80xi32, #tpu.memory_space<hbm>>
    %dma_start3A_255 = arith.constant 0 : i32
    %dma_start3A_256 = arith.constant 0 : i32
    %dma_start3A_257 = arith.constant 0 : i32
    %dma_start3A_258 = tpu.memref_slice %arg7[%dma_start3A_244, %dma_start3A_255, %dma_start3A_256, %dma_start3A_257] : memref<2x25x1x80xi32, #tpu.memory_space<vmem>> -> memref<1x25x1x80xi32, #tpu.memory_space<vmem>>
    %dma_start3A_259 = tpu.memref_squeeze %dma_start3A_258 : memref<1x25x1x80xi32, #tpu.memory_space<vmem>> -> memref<25x1x80xi32, #tpu.memory_space<vmem>>
    %dma_start3A_260 = arith.constant 50 : i32
    %dma_start3A_261 = arith.constant 0 : i32
    %dma_start3A_262 = arith.constant 0 : i32
    %dma_start3A_263 = tpu.memref_slice %arg3[%add3A, %dma_start3A_260, %dma_start3A_261, %dma_start3A_262] : memref<32x125x1x80xi32, #tpu.memory_space<hbm>> -> memref<1x25x1x80xi32, #tpu.memory_space<hbm>>
    %dma_start3A_264 = tpu.memref_squeeze %dma_start3A_263 : memref<1x25x1x80xi32, #tpu.memory_space<hbm>> -> memref<25x1x80xi32, #tpu.memory_space<hbm>>
    tpu.enqueue_dma source(%dma_start3A_264 : memref<25x1x80xi32, #tpu.memory_space<hbm>>) target(%dma_start3A_259 : memref<25x1x80xi32, #tpu.memory_space<vmem>>) target_semaphore(%arg13 : memref<!tpu.dma_semaphore, #tpu.memory_space<semaphore_mem>>)
    %scan3A_265 = arith.constant 0 : i32
    %scan3A_266 = arith.constant 0 : i32
    %scan3A_267 = arith.constant 12 : i32
    %scan3A_268 = arith.addi %scan3A_266, %scan3A_267 : i32
    %scan3A_269 = arith.constant 1 : i32
    scf.for %scan3A_563 = %scan3A_266 to %scan3A_268 step %scan3A_269  : i32 {
      %mul3A_564 = arith.constant 2 : i32
      %mul3A_565 = arith.muli %mul3A_564, %scan3A_563 : i32
      %add3A_566 = arith.constant 1 : i32
      %add3A_567 = arith.addi %mul3A_565, %add3A_566 : i32
      %dma_start3A_568 = arith.constant 1 : i32
      %dma_start3A_569 = arith.constant 0 : i32
      %dma_start3A_570 = arith.constant 0 : i32
      %dma_start3A_571 = tpu.memref_slice %arg6[%dma_start3A_568, %add3A_567, %dma_start3A_569, %dma_start3A_570] : memref<2x25x1x80xi32, #tpu.memory_space<vmem>> -> memref<1x1x1x80xi32, #tpu.memory_space<vmem>>
      %dma_start3A_572 = tpu.memref_squeeze %dma_start3A_571 : memref<1x1x1x80xi32, #tpu.memory_space<vmem>> -> memref<80xi32, #tpu.memory_space<vmem>>
      %dma_start3A_573 = arith.constant 0 : i32
      %dma_start3A_574 = arith.constant 0 : i32
      %dma_start3A_575 = tpu.memref_slice %arg4[%dma_start3A_573, %dma_start3A_574] : memref<10000x128xf32, #tpu.memory_space<hbm>> -> memref<10000x128xf32, #tpu.memory_space<hbm>>
      tpu.enqueue_indirect_dma source(%dma_start3A_575 : memref<10000x128xf32, #tpu.memory_space<hbm>>) target(%arg8 : memref<80x128xf32, #tpu.memory_space<vmem>>) offsets(%dma_start3A_572 : memref<80xi32, #tpu.memory_space<vmem>>) semaphore(%arg11 : memref<!tpu.dma_semaphore, #tpu.memory_space<semaphore_mem>>)
      %dma_wait3A_576 = arith.constant 0 : i32
      %dma_wait3A_577 = arith.constant 0 : i32
      %dma_wait3A_578 = tpu.memref_slice %arg4[%dma_wait3A_576, %dma_wait3A_577] : memref<10000x128xf32, #tpu.memory_space<hbm>> -> memref<80x128xf32, #tpu.memory_space<hbm>>
      %dma_wait3A_579 = arith.constant 0 : i32
      %dma_wait3A_580 = arith.constant 0 : i32
      %dma_wait3A_581 = tpu.memref_slice %arg4[%dma_wait3A_579, %dma_wait3A_580] : memref<10000x128xf32, #tpu.memory_space<hbm>> -> memref<80x128xf32, #tpu.memory_space<hbm>>
      tpu.wait_dma2 semaphore(%arg12 : memref<!tpu.dma_semaphore, #tpu.memory_space<semaphore_mem>>) src(%dma_wait3A_581 : memref<80x128xf32, #tpu.memory_space<hbm>>) dst(%arg9 : memref<80x128xf32, #tpu.memory_space<vmem>>)
      %run_scoped3A_582 = arith.constant 1 : i32
      %run_scoped3A_583 = arith.constant 0 : i32
      "tpu.region"() ({
        %run_scoped3A_604 = tpu.sem_alloc : memref<!tpu.dma_semaphore, #tpu.memory_space<semaphore_mem>>
        %dma_start3A_605 = arith.constant 0 : i32
        %dma_start3A_606 = tpu.memref_slice %arg7[%run_scoped3A_582, %mul3A_565, %run_scoped3A_583, %dma_start3A_605] : memref<2x25x1x80xi32, #tpu.memory_space<vmem>> -> memref<1x1x1x80xi32, #tpu.memory_space<vmem>>
        %dma_start3A_607 = tpu.memref_squeeze %dma_start3A_606 : memref<1x1x1x80xi32, #tpu.memory_space<vmem>> -> memref<80xi32, #tpu.memory_space<vmem>>
        %dma_start3A_608 = arith.constant 0 : i32
        %dma_start3A_609 = arith.constant 0 : i32
        %dma_start3A_610 = tpu.memref_slice %arg10[%dma_start3A_608, %dma_start3A_609] : memref<10112x128xf32, #tpu.memory_space<vmem_shared>> -> memref<10112x128xf32, #tpu.memory_space<vmem_shared>>
        tpu.enqueue_indirect_dma source(%arg9 : memref<80x128xf32, #tpu.memory_space<vmem>>) target(%dma_start3A_610 : memref<10112x128xf32, #tpu.memory_space<vmem_shared>>) offsets(%dma_start3A_607 : memref<80xi32, #tpu.memory_space<vmem>>) semaphore(%run_scoped3A_604 : memref<!tpu.dma_semaphore, #tpu.memory_space<semaphore_mem>>) {add = true}
        %dma_wait3A_611 = arith.constant 0 : i32
        %dma_wait3A_612 = tpu.memref_slice %arg7[%run_scoped3A_582, %mul3A_565, %run_scoped3A_583, %dma_wait3A_611] : memref<2x25x1x80xi32, #tpu.memory_space<vmem>> -> memref<1x1x1x80xi32, #tpu.memory_space<vmem>>
        %dma_wait3A_613 = tpu.memref_squeeze %dma_wait3A_612 : memref<1x1x1x80xi32, #tpu.memory_space<vmem>> -> memref<80xi32, #tpu.memory_space<vmem>>
        %dma_wait3A_614 = arith.constant 0 : i32
        %dma_wait3A_615 = arith.constant 0 : i32
        %dma_wait3A_616 = tpu.memref_slice %arg10[%dma_wait3A_614, %dma_wait3A_615] : memref<10112x128xf32, #tpu.memory_space<vmem_shared>> -> memref<10112x128xf32, #tpu.memory_space<vmem_shared>>
        tpu.wait_indirect_dma semaphore(%run_scoped3A_604 : memref<!tpu.dma_semaphore, #tpu.memory_space<semaphore_mem>>) src(%arg9 : memref<80x128xf32, #tpu.memory_space<vmem>>) dst(%dma_wait3A_616 : memref<10112x128xf32, #tpu.memory_space<vmem_shared>>)
        tpu.yield
      }) : () -> ()
      %add3A_584 = arith.constant 2 : i32
      %add3A_585 = arith.addi %mul3A_565, %add3A_584 : i32
      %dma_start3A_586 = arith.constant 1 : i32
      %dma_start3A_587 = arith.constant 0 : i32
      %dma_start3A_588 = arith.constant 0 : i32
      %dma_start3A_589 = tpu.memref_slice %arg6[%dma_start3A_586, %add3A_585, %dma_start3A_587, %dma_start3A_588] : memref<2x25x1x80xi32, #tpu.memory_space<vmem>> -> memref<1x1x1x80xi32, #tpu.memory_space<vmem>>
      %dma_start3A_590 = tpu.memref_squeeze %dma_start3A_589 : memref<1x1x1x80xi32, #tpu.memory_space<vmem>> -> memref<80xi32, #tpu.memory_space<vmem>>
      %dma_start3A_591 = arith.constant 0 : i32
      %dma_start3A_592 = arith.constant 0 : i32
      %dma_start3A_593 = tpu.memref_slice %arg4[%dma_start3A_591, %dma_start3A_592] : memref<10000x128xf32, #tpu.memory_space<hbm>> -> memref<10000x128xf32, #tpu.memory_space<hbm>>
      tpu.enqueue_indirect_dma source(%dma_start3A_593 : memref<10000x128xf32, #tpu.memory_space<hbm>>) target(%arg9 : memref<80x128xf32, #tpu.memory_space<vmem>>) offsets(%dma_start3A_590 : memref<80xi32, #tpu.memory_space<vmem>>) semaphore(%arg12 : memref<!tpu.dma_semaphore, #tpu.memory_space<semaphore_mem>>)
      %dma_wait3A_594 = arith.constant 0 : i32
      %dma_wait3A_595 = arith.constant 0 : i32
      %dma_wait3A_596 = tpu.memref_slice %arg4[%dma_wait3A_594, %dma_wait3A_595] : memref<10000x128xf32, #tpu.memory_space<hbm>> -> memref<80x128xf32, #tpu.memory_space<hbm>>
      %dma_wait3A_597 = arith.constant 0 : i32
      %dma_wait3A_598 = arith.constant 0 : i32
      %dma_wait3A_599 = tpu.memref_slice %arg4[%dma_wait3A_597, %dma_wait3A_598] : memref<10000x128xf32, #tpu.memory_space<hbm>> -> memref<80x128xf32, #tpu.memory_space<hbm>>
      tpu.wait_dma2 semaphore(%arg11 : memref<!tpu.dma_semaphore, #tpu.memory_space<semaphore_mem>>) src(%dma_wait3A_599 : memref<80x128xf32, #tpu.memory_space<hbm>>) dst(%arg8 : memref<80x128xf32, #tpu.memory_space<vmem>>)
      %add3A_600 = arith.constant 1 : i32
      %add3A_601 = arith.addi %mul3A_565, %add3A_600 : i32
      %run_scoped3A_602 = arith.constant 1 : i32
      %run_scoped3A_603 = arith.constant 0 : i32
      "tpu.region"() ({
        %run_scoped3A_604 = tpu.sem_alloc : memref<!tpu.dma_semaphore, #tpu.memory_space<semaphore_mem>>
        %dma_start3A_605 = arith.constant 0 : i32
        %dma_start3A_606 = tpu.memref_slice %arg7[%run_scoped3A_602, %add3A_601, %run_scoped3A_603, %dma_start3A_605] : memref<2x25x1x80xi32, #tpu.memory_space<vmem>> -> memref<1x1x1x80xi32, #tpu.memory_space<vmem>>
        %dma_start3A_607 = tpu.memref_squeeze %dma_start3A_606 : memref<1x1x1x80xi32, #tpu.memory_space<vmem>> -> memref<80xi32, #tpu.memory_space<vmem>>
        %dma_start3A_608 = arith.constant 0 : i32
        %dma_start3A_609 = arith.constant 0 : i32
        %dma_start3A_610 = tpu.memref_slice %arg10[%dma_start3A_608, %dma_start3A_609] : memref<10112x128xf32, #tpu.memory_space<vmem_shared>> -> memref<10112x128xf32, #tpu.memory_space<vmem_shared>>
        tpu.enqueue_indirect_dma source(%arg8 : memref<80x128xf32, #tpu.memory_space<vmem>>) target(%dma_start3A_610 : memref<10112x128xf32, #tpu.memory_space<vmem_shared>>) offsets(%dma_start3A_607 : memref<80xi32, #tpu.memory_space<vmem>>) semaphore(%run_scoped3A_604 : memref<!tpu.dma_semaphore, #tpu.memory_space<semaphore_mem>>) {add = true}
        %dma_wait3A_611 = arith.constant 0 : i32
        %dma_wait3A_612 = tpu.memref_slice %arg7[%run_scoped3A_602, %add3A_601, %run_scoped3A_603, %dma_wait3A_611] : memref<2x25x1x80xi32, #tpu.memory_space<vmem>> -> memref<1x1x1x80xi32, #tpu.memory_space<vmem>>
        %dma_wait3A_613 = tpu.memref_squeeze %dma_wait3A_612 : memref<1x1x1x80xi32, #tpu.memory_space<vmem>> -> memref<80xi32, #tpu.memory_space<vmem>>
        %dma_wait3A_614 = arith.constant 0 : i32
        %dma_wait3A_615 = arith.constant 0 : i32
        %dma_wait3A_616 = tpu.memref_slice %arg10[%dma_wait3A_614, %dma_wait3A_615] : memref<10112x128xf32, #tpu.memory_space<vmem_shared>> -> memref<10112x128xf32, #tpu.memory_space<vmem_shared>>
        tpu.wait_indirect_dma semaphore(%run_scoped3A_604 : memref<!tpu.dma_semaphore, #tpu.memory_space<semaphore_mem>>) src(%arg8 : memref<80x128xf32, #tpu.memory_space<vmem>>) dst(%dma_wait3A_616 : memref<10112x128xf32, #tpu.memory_space<vmem_shared>>)
        tpu.yield
      }) : () -> ()
    }
    %scan3A_270 = arith.constant 12 : i32
    %dma_wait3A_271 = arith.constant 0 : i32
    %dma_wait3A_272 = arith.constant 0 : i32
    %dma_wait3A_273 = arith.constant 0 : i32
    %dma_wait3A_274 = arith.constant 0 : i32
    %dma_wait3A_275 = tpu.memref_slice %arg6[%dma_wait3A_271, %dma_wait3A_272, %dma_wait3A_273, %dma_wait3A_274] : memref<2x25x1x80xi32, #tpu.memory_space<vmem>> -> memref<1x25x1x80xi32, #tpu.memory_space<vmem>>
    %dma_wait3A_276 = tpu.memref_squeeze %dma_wait3A_275 : memref<1x25x1x80xi32, #tpu.memory_space<vmem>> -> memref<25x1x80xi32, #tpu.memory_space<vmem>>
    %dma_wait3A_277 = arith.constant 0 : i32
    %dma_wait3A_278 = arith.constant 0 : i32
    %dma_wait3A_279 = arith.constant 0 : i32
    %dma_wait3A_280 = tpu.memref_slice %arg2[%add3A, %dma_wait3A_277, %dma_wait3A_278, %dma_wait3A_279] : memref<32x125x1x80xi32, #tpu.memory_space<hbm>> -> memref<1x25x1x80xi32, #tpu.memory_space<hbm>>
    %dma_wait3A_281 = tpu.memref_squeeze %dma_wait3A_280 : memref<1x25x1x80xi32, #tpu.memory_space<hbm>> -> memref<25x1x80xi32, #tpu.memory_space<hbm>>
    %dma_wait3A_282 = arith.constant 0 : i32
    %dma_wait3A_283 = arith.constant 0 : i32
    %dma_wait3A_284 = arith.constant 0 : i32
    %dma_wait3A_285 = tpu.memref_slice %arg6[%dma_wait3A_271, %dma_wait3A_282, %dma_wait3A_283, %dma_wait3A_284] : memref<2x25x1x80xi32, #tpu.memory_space<vmem>> -> memref<1x25x1x80xi32, #tpu.memory_space<vmem>>
    %dma_wait3A_286 = tpu.memref_squeeze %dma_wait3A_285 : memref<1x25x1x80xi32, #tpu.memory_space<vmem>> -> memref<25x1x80xi32, #tpu.memory_space<vmem>>
    %dma_wait3A_287 = arith.constant 0 : i32
    %dma_wait3A_288 = arith.constant 0 : i32
    %dma_wait3A_289 = arith.constant 0 : i32
    %dma_wait3A_290 = tpu.memref_slice %arg2[%add3A, %dma_wait3A_287, %dma_wait3A_288, %dma_wait3A_289] : memref<32x125x1x80xi32, #tpu.memory_space<hbm>> -> memref<1x25x1x80xi32, #tpu.memory_space<hbm>>
    %dma_wait3A_291 = tpu.memref_squeeze %dma_wait3A_290 : memref<1x25x1x80xi32, #tpu.memory_space<hbm>> -> memref<25x1x80xi32, #tpu.memory_space<hbm>>
    tpu.wait_dma2 semaphore(%arg13 : memref<!tpu.dma_semaphore, #tpu.memory_space<semaphore_mem>>) src(%dma_wait3A_291 : memref<25x1x80xi32, #tpu.memory_space<hbm>>) dst(%dma_wait3A_286 : memref<25x1x80xi32, #tpu.memory_space<vmem>>)
    %dma_wait3A_292 = arith.constant 0 : i32
    %dma_wait3A_293 = arith.constant 0 : i32
    %dma_wait3A_294 = arith.constant 0 : i32
    %dma_wait3A_295 = arith.constant 0 : i32
    %dma_wait3A_296 = tpu.memref_slice %arg7[%dma_wait3A_292, %dma_wait3A_293, %dma_wait3A_294, %dma_wait3A_295] : memref<2x25x1x80xi32, #tpu.memory_space<vmem>> -> memref<1x25x1x80xi32, #tpu.memory_space<vmem>>
    %dma_wait3A_297 = tpu.memref_squeeze %dma_wait3A_296 : memref<1x25x1x80xi32, #tpu.memory_space<vmem>> -> memref<25x1x80xi32, #tpu.memory_space<vmem>>
    %dma_wait3A_298 = arith.constant 0 : i32
    %dma_wait3A_299 = arith.constant 0 : i32
    %dma_wait3A_300 = arith.constant 0 : i32
    %dma_wait3A_301 = tpu.memref_slice %arg3[%add3A, %dma_wait3A_298, %dma_wait3A_299, %dma_wait3A_300] : memref<32x125x1x80xi32, #tpu.memory_space<hbm>> -> memref<1x25x1x80xi32, #tpu.memory_space<hbm>>
    %dma_wait3A_302 = tpu.memref_squeeze %dma_wait3A_301 : memref<1x25x1x80xi32, #tpu.memory_space<hbm>> -> memref<25x1x80xi32, #tpu.memory_space<hbm>>
    %dma_wait3A_303 = arith.constant 0 : i32
    %dma_wait3A_304 = arith.constant 0 : i32
    %dma_wait3A_305 = arith.constant 0 : i32
    %dma_wait3A_306 = tpu.memref_slice %arg7[%dma_wait3A_292, %dma_wait3A_303, %dma_wait3A_304, %dma_wait3A_305] : memref<2x25x1x80xi32, #tpu.memory_space<vmem>> -> memref<1x25x1x80xi32, #tpu.memory_space<vmem>>
    %dma_wait3A_307 = tpu.memref_squeeze %dma_wait3A_306 : memref<1x25x1x80xi32, #tpu.memory_space<vmem>> -> memref<25x1x80xi32, #tpu.memory_space<vmem>>
    %dma_wait3A_308 = arith.constant 0 : i32
    %dma_wait3A_309 = arith.constant 0 : i32
    %dma_wait3A_310 = arith.constant 0 : i32
    %dma_wait3A_311 = tpu.memref_slice %arg3[%add3A, %dma_wait3A_308, %dma_wait3A_309, %dma_wait3A_310] : memref<32x125x1x80xi32, #tpu.memory_space<hbm>> -> memref<1x25x1x80xi32, #tpu.memory_space<hbm>>
    %dma_wait3A_312 = tpu.memref_squeeze %dma_wait3A_311 : memref<1x25x1x80xi32, #tpu.memory_space<hbm>> -> memref<25x1x80xi32, #tpu.memory_space<hbm>>
    tpu.wait_dma2 semaphore(%arg13 : memref<!tpu.dma_semaphore, #tpu.memory_space<semaphore_mem>>) src(%dma_wait3A_312 : memref<25x1x80xi32, #tpu.memory_space<hbm>>) dst(%dma_wait3A_307 : memref<25x1x80xi32, #tpu.memory_space<vmem>>)
    %dma_start3A_313 = arith.constant 0 : i32
    %dma_start3A_314 = arith.constant 0 : i32
    %dma_start3A_315 = arith.constant 0 : i32
    %dma_start3A_316 = arith.constant 0 : i32
    %dma_start3A_317 = tpu.memref_slice %arg6[%dma_start3A_313, %dma_start3A_314, %dma_start3A_315, %dma_start3A_316] : memref<2x25x1x80xi32, #tpu.memory_space<vmem>> -> memref<1x1x1x80xi32, #tpu.memory_space<vmem>>
    %dma_start3A_318 = tpu.memref_squeeze %dma_start3A_317 : memref<1x1x1x80xi32, #tpu.memory_space<vmem>> -> memref<80xi32, #tpu.memory_space<vmem>>
    %dma_start3A_319 = arith.constant 0 : i32
    %dma_start3A_320 = arith.constant 0 : i32
    %dma_start3A_321 = tpu.memref_slice %arg4[%dma_start3A_319, %dma_start3A_320] : memref<10000x128xf32, #tpu.memory_space<hbm>> -> memref<10000x128xf32, #tpu.memory_space<hbm>>
    tpu.enqueue_indirect_dma source(%dma_start3A_321 : memref<10000x128xf32, #tpu.memory_space<hbm>>) target(%arg8 : memref<80x128xf32, #tpu.memory_space<vmem>>) offsets(%dma_start3A_318 : memref<80xi32, #tpu.memory_space<vmem>>) semaphore(%arg11 : memref<!tpu.dma_semaphore, #tpu.memory_space<semaphore_mem>>)
    %dma_wait3A_322 = arith.constant 0 : i32
    %dma_wait3A_323 = arith.constant 0 : i32
    %dma_wait3A_324 = tpu.memref_slice %arg4[%dma_wait3A_322, %dma_wait3A_323] : memref<10000x128xf32, #tpu.memory_space<hbm>> -> memref<80x128xf32, #tpu.memory_space<hbm>>
    %dma_wait3A_325 = arith.constant 0 : i32
    %dma_wait3A_326 = arith.constant 0 : i32
    %dma_wait3A_327 = tpu.memref_slice %arg4[%dma_wait3A_325, %dma_wait3A_326] : memref<10000x128xf32, #tpu.memory_space<hbm>> -> memref<80x128xf32, #tpu.memory_space<hbm>>
    tpu.wait_dma2 semaphore(%arg12 : memref<!tpu.dma_semaphore, #tpu.memory_space<semaphore_mem>>) src(%dma_wait3A_327 : memref<80x128xf32, #tpu.memory_space<hbm>>) dst(%arg9 : memref<80x128xf32, #tpu.memory_space<vmem>>)
    %run_scoped3A_328 = arith.constant 1 : i32
    %run_scoped3A_329 = arith.constant 24 : i32
    %run_scoped3A_330 = arith.constant 0 : i32
    "tpu.region"() ({
      %run_scoped3A_563 = tpu.sem_alloc : memref<!tpu.dma_semaphore, #tpu.memory_space<semaphore_mem>>
      %dma_start3A_564 = arith.constant 0 : i32
      %dma_start3A_565 = tpu.memref_slice %arg7[%run_scoped3A_328, %run_scoped3A_329, %run_scoped3A_330, %dma_start3A_564] : memref<2x25x1x80xi32, #tpu.memory_space<vmem>> -> memref<1x1x1x80xi32, #tpu.memory_space<vmem>>
      %dma_start3A_566 = tpu.memref_squeeze %dma_start3A_565 : memref<1x1x1x80xi32, #tpu.memory_space<vmem>> -> memref<80xi32, #tpu.memory_space<vmem>>
      %dma_start3A_567 = arith.constant 0 : i32
      %dma_start3A_568 = arith.constant 0 : i32
      %dma_start3A_569 = tpu.memref_slice %arg10[%dma_start3A_567, %dma_start3A_568] : memref<10112x128xf32, #tpu.memory_space<vmem_shared>> -> memref<10112x128xf32, #tpu.memory_space<vmem_shared>>
      tpu.enqueue_indirect_dma source(%arg9 : memref<80x128xf32, #tpu.memory_space<vmem>>) target(%dma_start3A_569 : memref<10112x128xf32, #tpu.memory_space<vmem_shared>>) offsets(%dma_start3A_566 : memref<80xi32, #tpu.memory_space<vmem>>) semaphore(%run_scoped3A_563 : memref<!tpu.dma_semaphore, #tpu.memory_space<semaphore_mem>>) {add = true}
      %dma_wait3A_570 = arith.constant 0 : i32
      %dma_wait3A_571 = tpu.memref_slice %arg7[%run_scoped3A_328, %run_scoped3A_329, %run_scoped3A_330, %dma_wait3A_570] : memref<2x25x1x80xi32, #tpu.memory_space<vmem>> -> memref<1x1x1x80xi32, #tpu.memory_space<vmem>>
      %dma_wait3A_572 = tpu.memref_squeeze %dma_wait3A_571 : memref<1x1x1x80xi32, #tpu.memory_space<vmem>> -> memref<80xi32, #tpu.memory_space<vmem>>
      %dma_wait3A_573 = arith.constant 0 : i32
      %dma_wait3A_574 = arith.constant 0 : i32
      %dma_wait3A_575 = tpu.memref_slice %arg10[%dma_wait3A_573, %dma_wait3A_574] : memref<10112x128xf32, #tpu.memory_space<vmem_shared>> -> memref<10112x128xf32, #tpu.memory_space<vmem_shared>>
      tpu.wait_indirect_dma semaphore(%run_scoped3A_563 : memref<!tpu.dma_semaphore, #tpu.memory_space<semaphore_mem>>) src(%arg9 : memref<80x128xf32, #tpu.memory_space<vmem>>) dst(%dma_wait3A_575 : memref<10112x128xf32, #tpu.memory_space<vmem_shared>>)
      tpu.yield
    }) : () -> ()
    %dma_start3A_331 = arith.constant 1 : i32
    %dma_start3A_332 = arith.constant 0 : i32
    %dma_start3A_333 = arith.constant 0 : i32
    %dma_start3A_334 = arith.constant 0 : i32
    %dma_start3A_335 = tpu.memref_slice %arg6[%dma_start3A_331, %dma_start3A_332, %dma_start3A_333, %dma_start3A_334] : memref<2x25x1x80xi32, #tpu.memory_space<vmem>> -> memref<1x25x1x80xi32, #tpu.memory_space<vmem>>
    %dma_start3A_336 = tpu.memref_squeeze %dma_start3A_335 : memref<1x25x1x80xi32, #tpu.memory_space<vmem>> -> memref<25x1x80xi32, #tpu.memory_space<vmem>>
    %dma_start3A_337 = arith.constant 75 : i32
    %dma_start3A_338 = arith.constant 0 : i32
    %dma_start3A_339 = arith.constant 0 : i32
    %dma_start3A_340 = tpu.memref_slice %arg2[%add3A, %dma_start3A_337, %dma_start3A_338, %dma_start3A_339] : memref<32x125x1x80xi32, #tpu.memory_space<hbm>> -> memref<1x25x1x80xi32, #tpu.memory_space<hbm>>
    %dma_start3A_341 = tpu.memref_squeeze %dma_start3A_340 : memref<1x25x1x80xi32, #tpu.memory_space<hbm>> -> memref<25x1x80xi32, #tpu.memory_space<hbm>>
    %dma_start3A_342 = arith.constant 0 : i32
    %dma_start3A_343 = arith.constant 0 : i32
    %dma_start3A_344 = arith.constant 0 : i32
    %dma_start3A_345 = tpu.memref_slice %arg6[%dma_start3A_331, %dma_start3A_342, %dma_start3A_343, %dma_start3A_344] : memref<2x25x1x80xi32, #tpu.memory_space<vmem>> -> memref<1x25x1x80xi32, #tpu.memory_space<vmem>>
    %dma_start3A_346 = tpu.memref_squeeze %dma_start3A_345 : memref<1x25x1x80xi32, #tpu.memory_space<vmem>> -> memref<25x1x80xi32, #tpu.memory_space<vmem>>
    %dma_start3A_347 = arith.constant 75 : i32
    %dma_start3A_348 = arith.constant 0 : i32
    %dma_start3A_349 = arith.constant 0 : i32
    %dma_start3A_350 = tpu.memref_slice %arg2[%add3A, %dma_start3A_347, %dma_start3A_348, %dma_start3A_349] : memref<32x125x1x80xi32, #tpu.memory_space<hbm>> -> memref<1x25x1x80xi32, #tpu.memory_space<hbm>>
    %dma_start3A_351 = tpu.memref_squeeze %dma_start3A_350 : memref<1x25x1x80xi32, #tpu.memory_space<hbm>> -> memref<25x1x80xi32, #tpu.memory_space<hbm>>
    tpu.enqueue_dma source(%dma_start3A_351 : memref<25x1x80xi32, #tpu.memory_space<hbm>>) target(%dma_start3A_346 : memref<25x1x80xi32, #tpu.memory_space<vmem>>) target_semaphore(%arg13 : memref<!tpu.dma_semaphore, #tpu.memory_space<semaphore_mem>>)
    %dma_start3A_352 = arith.constant 1 : i32
    %dma_start3A_353 = arith.constant 0 : i32
    %dma_start3A_354 = arith.constant 0 : i32
    %dma_start3A_355 = arith.constant 0 : i32
    %dma_start3A_356 = tpu.memref_slice %arg7[%dma_start3A_352, %dma_start3A_353, %dma_start3A_354, %dma_start3A_355] : memref<2x25x1x80xi32, #tpu.memory_space<vmem>> -> memref<1x25x1x80xi32, #tpu.memory_space<vmem>>
    %dma_start3A_357 = tpu.memref_squeeze %dma_start3A_356 : memref<1x25x1x80xi32, #tpu.memory_space<vmem>> -> memref<25x1x80xi32, #tpu.memory_space<vmem>>
    %dma_start3A_358 = arith.constant 75 : i32
    %dma_start3A_359 = arith.constant 0 : i32
    %dma_start3A_360 = arith.constant 0 : i32
    %dma_start3A_361 = tpu.memref_slice %arg3[%add3A, %dma_start3A_358, %dma_start3A_359, %dma_start3A_360] : memref<32x125x1x80xi32, #tpu.memory_space<hbm>> -> memref<1x25x1x80xi32, #tpu.memory_space<hbm>>
    %dma_start3A_362 = tpu.memref_squeeze %dma_start3A_361 : memref<1x25x1x80xi32, #tpu.memory_space<hbm>> -> memref<25x1x80xi32, #tpu.memory_space<hbm>>
    %dma_start3A_363 = arith.constant 0 : i32
    %dma_start3A_364 = arith.constant 0 : i32
    %dma_start3A_365 = arith.constant 0 : i32
    %dma_start3A_366 = tpu.memref_slice %arg7[%dma_start3A_352, %dma_start3A_363, %dma_start3A_364, %dma_start3A_365] : memref<2x25x1x80xi32, #tpu.memory_space<vmem>> -> memref<1x25x1x80xi32, #tpu.memory_space<vmem>>
    %dma_start3A_367 = tpu.memref_squeeze %dma_start3A_366 : memref<1x25x1x80xi32, #tpu.memory_space<vmem>> -> memref<25x1x80xi32, #tpu.memory_space<vmem>>
    %dma_start3A_368 = arith.constant 75 : i32
    %dma_start3A_369 = arith.constant 0 : i32
    %dma_start3A_370 = arith.constant 0 : i32
    %dma_start3A_371 = tpu.memref_slice %arg3[%add3A, %dma_start3A_368, %dma_start3A_369, %dma_start3A_370] : memref<32x125x1x80xi32, #tpu.memory_space<hbm>> -> memref<1x25x1x80xi32, #tpu.memory_space<hbm>>
    %dma_start3A_372 = tpu.memref_squeeze %dma_start3A_371 : memref<1x25x1x80xi32, #tpu.memory_space<hbm>> -> memref<25x1x80xi32, #tpu.memory_space<hbm>>
    tpu.enqueue_dma source(%dma_start3A_372 : memref<25x1x80xi32, #tpu.memory_space<hbm>>) target(%dma_start3A_367 : memref<25x1x80xi32, #tpu.memory_space<vmem>>) target_semaphore(%arg13 : memref<!tpu.dma_semaphore, #tpu.memory_space<semaphore_mem>>)
    %scan3A_373 = arith.constant 0 : i32
    %scan3A_374 = arith.constant 0 : i32
    %scan3A_375 = arith.constant 12 : i32
    %scan3A_376 = arith.addi %scan3A_374, %scan3A_375 : i32
    %scan3A_377 = arith.constant 1 : i32
    scf.for %scan3A_563 = %scan3A_374 to %scan3A_376 step %scan3A_377  : i32 {
      %mul3A_564 = arith.constant 2 : i32
      %mul3A_565 = arith.muli %mul3A_564, %scan3A_563 : i32
      %add3A_566 = arith.constant 1 : i32
      %add3A_567 = arith.addi %mul3A_565, %add3A_566 : i32
      %dma_start3A_568 = arith.constant 0 : i32
      %dma_start3A_569 = arith.constant 0 : i32
      %dma_start3A_570 = arith.constant 0 : i32
      %dma_start3A_571 = tpu.memref_slice %arg6[%dma_start3A_568, %add3A_567, %dma_start3A_569, %dma_start3A_570] : memref<2x25x1x80xi32, #tpu.memory_space<vmem>> -> memref<1x1x1x80xi32, #tpu.memory_space<vmem>>
      %dma_start3A_572 = tpu.memref_squeeze %dma_start3A_571 : memref<1x1x1x80xi32, #tpu.memory_space<vmem>> -> memref<80xi32, #tpu.memory_space<vmem>>
      %dma_start3A_573 = arith.constant 0 : i32
      %dma_start3A_574 = arith.constant 0 : i32
      %dma_start3A_575 = tpu.memref_slice %arg4[%dma_start3A_573, %dma_start3A_574] : memref<10000x128xf32, #tpu.memory_space<hbm>> -> memref<10000x128xf32, #tpu.memory_space<hbm>>
      tpu.enqueue_indirect_dma source(%dma_start3A_575 : memref<10000x128xf32, #tpu.memory_space<hbm>>) target(%arg9 : memref<80x128xf32, #tpu.memory_space<vmem>>) offsets(%dma_start3A_572 : memref<80xi32, #tpu.memory_space<vmem>>) semaphore(%arg12 : memref<!tpu.dma_semaphore, #tpu.memory_space<semaphore_mem>>)
      %dma_wait3A_576 = arith.constant 0 : i32
      %dma_wait3A_577 = arith.constant 0 : i32
      %dma_wait3A_578 = tpu.memref_slice %arg4[%dma_wait3A_576, %dma_wait3A_577] : memref<10000x128xf32, #tpu.memory_space<hbm>> -> memref<80x128xf32, #tpu.memory_space<hbm>>
      %dma_wait3A_579 = arith.constant 0 : i32
      %dma_wait3A_580 = arith.constant 0 : i32
      %dma_wait3A_581 = tpu.memref_slice %arg4[%dma_wait3A_579, %dma_wait3A_580] : memref<10000x128xf32, #tpu.memory_space<hbm>> -> memref<80x128xf32, #tpu.memory_space<hbm>>
      tpu.wait_dma2 semaphore(%arg11 : memref<!tpu.dma_semaphore, #tpu.memory_space<semaphore_mem>>) src(%dma_wait3A_581 : memref<80x128xf32, #tpu.memory_space<hbm>>) dst(%arg8 : memref<80x128xf32, #tpu.memory_space<vmem>>)
      %run_scoped3A_582 = arith.constant 0 : i32
      %run_scoped3A_583 = arith.constant 0 : i32
      "tpu.region"() ({
        %run_scoped3A_604 = tpu.sem_alloc : memref<!tpu.dma_semaphore, #tpu.memory_space<semaphore_mem>>
        %dma_start3A_605 = arith.constant 0 : i32
        %dma_start3A_606 = tpu.memref_slice %arg7[%run_scoped3A_582, %mul3A_565, %run_scoped3A_583, %dma_start3A_605] : memref<2x25x1x80xi32, #tpu.memory_space<vmem>> -> memref<1x1x1x80xi32, #tpu.memory_space<vmem>>
        %dma_start3A_607 = tpu.memref_squeeze %dma_start3A_606 : memref<1x1x1x80xi32, #tpu.memory_space<vmem>> -> memref<80xi32, #tpu.memory_space<vmem>>
        %dma_start3A_608 = arith.constant 0 : i32
        %dma_start3A_609 = arith.constant 0 : i32
        %dma_start3A_610 = tpu.memref_slice %arg10[%dma_start3A_608, %dma_start3A_609] : memref<10112x128xf32, #tpu.memory_space<vmem_shared>> -> memref<10112x128xf32, #tpu.memory_space<vmem_shared>>
        tpu.enqueue_indirect_dma source(%arg8 : memref<80x128xf32, #tpu.memory_space<vmem>>) target(%dma_start3A_610 : memref<10112x128xf32, #tpu.memory_space<vmem_shared>>) offsets(%dma_start3A_607 : memref<80xi32, #tpu.memory_space<vmem>>) semaphore(%run_scoped3A_604 : memref<!tpu.dma_semaphore, #tpu.memory_space<semaphore_mem>>) {add = true}
        %dma_wait3A_611 = arith.constant 0 : i32
        %dma_wait3A_612 = tpu.memref_slice %arg7[%run_scoped3A_582, %mul3A_565, %run_scoped3A_583, %dma_wait3A_611] : memref<2x25x1x80xi32, #tpu.memory_space<vmem>> -> memref<1x1x1x80xi32, #tpu.memory_space<vmem>>
        %dma_wait3A_613 = tpu.memref_squeeze %dma_wait3A_612 : memref<1x1x1x80xi32, #tpu.memory_space<vmem>> -> memref<80xi32, #tpu.memory_space<vmem>>
        %dma_wait3A_614 = arith.constant 0 : i32
        %dma_wait3A_615 = arith.constant 0 : i32
        %dma_wait3A_616 = tpu.memref_slice %arg10[%dma_wait3A_614, %dma_wait3A_615] : memref<10112x128xf32, #tpu.memory_space<vmem_shared>> -> memref<10112x128xf32, #tpu.memory_space<vmem_shared>>
        tpu.wait_indirect_dma semaphore(%run_scoped3A_604 : memref<!tpu.dma_semaphore, #tpu.memory_space<semaphore_mem>>) src(%arg8 : memref<80x128xf32, #tpu.memory_space<vmem>>) dst(%dma_wait3A_616 : memref<10112x128xf32, #tpu.memory_space<vmem_shared>>)
        tpu.yield
      }) : () -> ()
      %add3A_584 = arith.constant 2 : i32
      %add3A_585 = arith.addi %mul3A_565, %add3A_584 : i32
      %dma_start3A_586 = arith.constant 0 : i32
      %dma_start3A_587 = arith.constant 0 : i32
      %dma_start3A_588 = arith.constant 0 : i32
      %dma_start3A_589 = tpu.memref_slice %arg6[%dma_start3A_586, %add3A_585, %dma_start3A_587, %dma_start3A_588] : memref<2x25x1x80xi32, #tpu.memory_space<vmem>> -> memref<1x1x1x80xi32, #tpu.memory_space<vmem>>
      %dma_start3A_590 = tpu.memref_squeeze %dma_start3A_589 : memref<1x1x1x80xi32, #tpu.memory_space<vmem>> -> memref<80xi32, #tpu.memory_space<vmem>>
      %dma_start3A_591 = arith.constant 0 : i32
      %dma_start3A_592 = arith.constant 0 : i32
      %dma_start3A_593 = tpu.memref_slice %arg4[%dma_start3A_591, %dma_start3A_592] : memref<10000x128xf32, #tpu.memory_space<hbm>> -> memref<10000x128xf32, #tpu.memory_space<hbm>>
      tpu.enqueue_indirect_dma source(%dma_start3A_593 : memref<10000x128xf32, #tpu.memory_space<hbm>>) target(%arg8 : memref<80x128xf32, #tpu.memory_space<vmem>>) offsets(%dma_start3A_590 : memref<80xi32, #tpu.memory_space<vmem>>) semaphore(%arg11 : memref<!tpu.dma_semaphore, #tpu.memory_space<semaphore_mem>>)
      %dma_wait3A_594 = arith.constant 0 : i32
      %dma_wait3A_595 = arith.constant 0 : i32
      %dma_wait3A_596 = tpu.memref_slice %arg4[%dma_wait3A_594, %dma_wait3A_595] : memref<10000x128xf32, #tpu.memory_space<hbm>> -> memref<80x128xf32, #tpu.memory_space<hbm>>
      %dma_wait3A_597 = arith.constant 0 : i32
      %dma_wait3A_598 = arith.constant 0 : i32
      %dma_wait3A_599 = tpu.memref_slice %arg4[%dma_wait3A_597, %dma_wait3A_598] : memref<10000x128xf32, #tpu.memory_space<hbm>> -> memref<80x128xf32, #tpu.memory_space<hbm>>
      tpu.wait_dma2 semaphore(%arg12 : memref<!tpu.dma_semaphore, #tpu.memory_space<semaphore_mem>>) src(%dma_wait3A_599 : memref<80x128xf32, #tpu.memory_space<hbm>>) dst(%arg9 : memref<80x128xf32, #tpu.memory_space<vmem>>)
      %add3A_600 = arith.constant 1 : i32
      %add3A_601 = arith.addi %mul3A_565, %add3A_600 : i32
      %run_scoped3A_602 = arith.constant 0 : i32
      %run_scoped3A_603 = arith.constant 0 : i32
      "tpu.region"() ({
        %run_scoped3A_604 = tpu.sem_alloc : memref<!tpu.dma_semaphore, #tpu.memory_space<semaphore_mem>>
        %dma_start3A_605 = arith.constant 0 : i32
        %dma_start3A_606 = tpu.memref_slice %arg7[%run_scoped3A_602, %add3A_601, %run_scoped3A_603, %dma_start3A_605] : memref<2x25x1x80xi32, #tpu.memory_space<vmem>> -> memref<1x1x1x80xi32, #tpu.memory_space<vmem>>
        %dma_start3A_607 = tpu.memref_squeeze %dma_start3A_606 : memref<1x1x1x80xi32, #tpu.memory_space<vmem>> -> memref<80xi32, #tpu.memory_space<vmem>>
        %dma_start3A_608 = arith.constant 0 : i32
        %dma_start3A_609 = arith.constant 0 : i32
        %dma_start3A_610 = tpu.memref_slice %arg10[%dma_start3A_608, %dma_start3A_609] : memref<10112x128xf32, #tpu.memory_space<vmem_shared>> -> memref<10112x128xf32, #tpu.memory_space<vmem_shared>>
        tpu.enqueue_indirect_dma source(%arg9 : memref<80x128xf32, #tpu.memory_space<vmem>>) target(%dma_start3A_610 : memref<10112x128xf32, #tpu.memory_space<vmem_shared>>) offsets(%dma_start3A_607 : memref<80xi32, #tpu.memory_space<vmem>>) semaphore(%run_scoped3A_604 : memref<!tpu.dma_semaphore, #tpu.memory_space<semaphore_mem>>) {add = true}
        %dma_wait3A_611 = arith.constant 0 : i32
        %dma_wait3A_612 = tpu.memref_slice %arg7[%run_scoped3A_602, %add3A_601, %run_scoped3A_603, %dma_wait3A_611] : memref<2x25x1x80xi32, #tpu.memory_space<vmem>> -> memref<1x1x1x80xi32, #tpu.memory_space<vmem>>
        %dma_wait3A_613 = tpu.memref_squeeze %dma_wait3A_612 : memref<1x1x1x80xi32, #tpu.memory_space<vmem>> -> memref<80xi32, #tpu.memory_space<vmem>>
        %dma_wait3A_614 = arith.constant 0 : i32
        %dma_wait3A_615 = arith.constant 0 : i32
        %dma_wait3A_616 = tpu.memref_slice %arg10[%dma_wait3A_614, %dma_wait3A_615] : memref<10112x128xf32, #tpu.memory_space<vmem_shared>> -> memref<10112x128xf32, #tpu.memory_space<vmem_shared>>
        tpu.wait_indirect_dma semaphore(%run_scoped3A_604 : memref<!tpu.dma_semaphore, #tpu.memory_space<semaphore_mem>>) src(%arg9 : memref<80x128xf32, #tpu.memory_space<vmem>>) dst(%dma_wait3A_616 : memref<10112x128xf32, #tpu.memory_space<vmem_shared>>)
        tpu.yield
      }) : () -> ()
    }
    %scan3A_378 = arith.constant 12 : i32
    %dma_wait3A_379 = arith.constant 1 : i32
    %dma_wait3A_380 = arith.constant 0 : i32
    %dma_wait3A_381 = arith.constant 0 : i32
    %dma_wait3A_382 = arith.constant 0 : i32
    %dma_wait3A_383 = tpu.memref_slice %arg6[%dma_wait3A_379, %dma_wait3A_380, %dma_wait3A_381, %dma_wait3A_382] : memref<2x25x1x80xi32, #tpu.memory_space<vmem>> -> memref<1x25x1x80xi32, #tpu.memory_space<vmem>>
    %dma_wait3A_384 = tpu.memref_squeeze %dma_wait3A_383 : memref<1x25x1x80xi32, #tpu.memory_space<vmem>> -> memref<25x1x80xi32, #tpu.memory_space<vmem>>
    %dma_wait3A_385 = arith.constant 0 : i32
    %dma_wait3A_386 = arith.constant 0 : i32
    %dma_wait3A_387 = arith.constant 0 : i32
    %dma_wait3A_388 = tpu.memref_slice %arg2[%add3A, %dma_wait3A_385, %dma_wait3A_386, %dma_wait3A_387] : memref<32x125x1x80xi32, #tpu.memory_space<hbm>> -> memref<1x25x1x80xi32, #tpu.memory_space<hbm>>
    %dma_wait3A_389 = tpu.memref_squeeze %dma_wait3A_388 : memref<1x25x1x80xi32, #tpu.memory_space<hbm>> -> memref<25x1x80xi32, #tpu.memory_space<hbm>>
    %dma_wait3A_390 = arith.constant 0 : i32
    %dma_wait3A_391 = arith.constant 0 : i32
    %dma_wait3A_392 = arith.constant 0 : i32
    %dma_wait3A_393 = tpu.memref_slice %arg6[%dma_wait3A_379, %dma_wait3A_390, %dma_wait3A_391, %dma_wait3A_392] : memref<2x25x1x80xi32, #tpu.memory_space<vmem>> -> memref<1x25x1x80xi32, #tpu.memory_space<vmem>>
    %dma_wait3A_394 = tpu.memref_squeeze %dma_wait3A_393 : memref<1x25x1x80xi32, #tpu.memory_space<vmem>> -> memref<25x1x80xi32, #tpu.memory_space<vmem>>
    %dma_wait3A_395 = arith.constant 0 : i32
    %dma_wait3A_396 = arith.constant 0 : i32
    %dma_wait3A_397 = arith.constant 0 : i32
    %dma_wait3A_398 = tpu.memref_slice %arg2[%add3A, %dma_wait3A_395, %dma_wait3A_396, %dma_wait3A_397] : memref<32x125x1x80xi32, #tpu.memory_space<hbm>> -> memref<1x25x1x80xi32, #tpu.memory_space<hbm>>
    %dma_wait3A_399 = tpu.memref_squeeze %dma_wait3A_398 : memref<1x25x1x80xi32, #tpu.memory_space<hbm>> -> memref<25x1x80xi32, #tpu.memory_space<hbm>>
    tpu.wait_dma2 semaphore(%arg13 : memref<!tpu.dma_semaphore, #tpu.memory_space<semaphore_mem>>) src(%dma_wait3A_399 : memref<25x1x80xi32, #tpu.memory_space<hbm>>) dst(%dma_wait3A_394 : memref<25x1x80xi32, #tpu.memory_space<vmem>>)
    %dma_wait3A_400 = arith.constant 1 : i32
    %dma_wait3A_401 = arith.constant 0 : i32
    %dma_wait3A_402 = arith.constant 0 : i32
    %dma_wait3A_403 = arith.constant 0 : i32
    %dma_wait3A_404 = tpu.memref_slice %arg7[%dma_wait3A_400, %dma_wait3A_401, %dma_wait3A_402, %dma_wait3A_403] : memref<2x25x1x80xi32, #tpu.memory_space<vmem>> -> memref<1x25x1x80xi32, #tpu.memory_space<vmem>>
    %dma_wait3A_405 = tpu.memref_squeeze %dma_wait3A_404 : memref<1x25x1x80xi32, #tpu.memory_space<vmem>> -> memref<25x1x80xi32, #tpu.memory_space<vmem>>
    %dma_wait3A_406 = arith.constant 0 : i32
    %dma_wait3A_407 = arith.constant 0 : i32
    %dma_wait3A_408 = arith.constant 0 : i32
    %dma_wait3A_409 = tpu.memref_slice %arg3[%add3A, %dma_wait3A_406, %dma_wait3A_407, %dma_wait3A_408] : memref<32x125x1x80xi32, #tpu.memory_space<hbm>> -> memref<1x25x1x80xi32, #tpu.memory_space<hbm>>
    %dma_wait3A_410 = tpu.memref_squeeze %dma_wait3A_409 : memref<1x25x1x80xi32, #tpu.memory_space<hbm>> -> memref<25x1x80xi32, #tpu.memory_space<hbm>>
    %dma_wait3A_411 = arith.constant 0 : i32
    %dma_wait3A_412 = arith.constant 0 : i32
    %dma_wait3A_413 = arith.constant 0 : i32
    %dma_wait3A_414 = tpu.memref_slice %arg7[%dma_wait3A_400, %dma_wait3A_411, %dma_wait3A_412, %dma_wait3A_413] : memref<2x25x1x80xi32, #tpu.memory_space<vmem>> -> memref<1x25x1x80xi32, #tpu.memory_space<vmem>>
    %dma_wait3A_415 = tpu.memref_squeeze %dma_wait3A_414 : memref<1x25x1x80xi32, #tpu.memory_space<vmem>> -> memref<25x1x80xi32, #tpu.memory_space<vmem>>
    %dma_wait3A_416 = arith.constant 0 : i32
    %dma_wait3A_417 = arith.constant 0 : i32
    %dma_wait3A_418 = arith.constant 0 : i32
    %dma_wait3A_419 = tpu.memref_slice %arg3[%add3A, %dma_wait3A_416, %dma_wait3A_417, %dma_wait3A_418] : memref<32x125x1x80xi32, #tpu.memory_space<hbm>> -> memref<1x25x1x80xi32, #tpu.memory_space<hbm>>
    %dma_wait3A_420 = tpu.memref_squeeze %dma_wait3A_419 : memref<1x25x1x80xi32, #tpu.memory_space<hbm>> -> memref<25x1x80xi32, #tpu.memory_space<hbm>>
    tpu.wait_dma2 semaphore(%arg13 : memref<!tpu.dma_semaphore, #tpu.memory_space<semaphore_mem>>) src(%dma_wait3A_420 : memref<25x1x80xi32, #tpu.memory_space<hbm>>) dst(%dma_wait3A_415 : memref<25x1x80xi32, #tpu.memory_space<vmem>>)
    %dma_start3A_421 = arith.constant 1 : i32
    %dma_start3A_422 = arith.constant 0 : i32
    %dma_start3A_423 = arith.constant 0 : i32
    %dma_start3A_424 = arith.constant 0 : i32
    %dma_start3A_425 = tpu.memref_slice %arg6[%dma_start3A_421, %dma_start3A_422, %dma_start3A_423, %dma_start3A_424] : memref<2x25x1x80xi32, #tpu.memory_space<vmem>> -> memref<1x1x1x80xi32, #tpu.memory_space<vmem>>
    %dma_start3A_426 = tpu.memref_squeeze %dma_start3A_425 : memref<1x1x1x80xi32, #tpu.memory_space<vmem>> -> memref<80xi32, #tpu.memory_space<vmem>>
    %dma_start3A_427 = arith.constant 0 : i32
    %dma_start3A_428 = arith.constant 0 : i32
    %dma_start3A_429 = tpu.memref_slice %arg4[%dma_start3A_427, %dma_start3A_428] : memref<10000x128xf32, #tpu.memory_space<hbm>> -> memref<10000x128xf32, #tpu.memory_space<hbm>>
    tpu.enqueue_indirect_dma source(%dma_start3A_429 : memref<10000x128xf32, #tpu.memory_space<hbm>>) target(%arg9 : memref<80x128xf32, #tpu.memory_space<vmem>>) offsets(%dma_start3A_426 : memref<80xi32, #tpu.memory_space<vmem>>) semaphore(%arg12 : memref<!tpu.dma_semaphore, #tpu.memory_space<semaphore_mem>>)
    %dma_wait3A_430 = arith.constant 0 : i32
    %dma_wait3A_431 = arith.constant 0 : i32
    %dma_wait3A_432 = tpu.memref_slice %arg4[%dma_wait3A_430, %dma_wait3A_431] : memref<10000x128xf32, #tpu.memory_space<hbm>> -> memref<80x128xf32, #tpu.memory_space<hbm>>
    %dma_wait3A_433 = arith.constant 0 : i32
    %dma_wait3A_434 = arith.constant 0 : i32
    %dma_wait3A_435 = tpu.memref_slice %arg4[%dma_wait3A_433, %dma_wait3A_434] : memref<10000x128xf32, #tpu.memory_space<hbm>> -> memref<80x128xf32, #tpu.memory_space<hbm>>
    tpu.wait_dma2 semaphore(%arg11 : memref<!tpu.dma_semaphore, #tpu.memory_space<semaphore_mem>>) src(%dma_wait3A_435 : memref<80x128xf32, #tpu.memory_space<hbm>>) dst(%arg8 : memref<80x128xf32, #tpu.memory_space<vmem>>)
    %run_scoped3A_436 = arith.constant 0 : i32
    %run_scoped3A_437 = arith.constant 24 : i32
    %run_scoped3A_438 = arith.constant 0 : i32
    "tpu.region"() ({
      %run_scoped3A_563 = tpu.sem_alloc : memref<!tpu.dma_semaphore, #tpu.memory_space<semaphore_mem>>
      %dma_start3A_564 = arith.constant 0 : i32
      %dma_start3A_565 = tpu.memref_slice %arg7[%run_scoped3A_436, %run_scoped3A_437, %run_scoped3A_438, %dma_start3A_564] : memref<2x25x1x80xi32, #tpu.memory_space<vmem>> -> memref<1x1x1x80xi32, #tpu.memory_space<vmem>>
      %dma_start3A_566 = tpu.memref_squeeze %dma_start3A_565 : memref<1x1x1x80xi32, #tpu.memory_space<vmem>> -> memref<80xi32, #tpu.memory_space<vmem>>
      %dma_start3A_567 = arith.constant 0 : i32
      %dma_start3A_568 = arith.constant 0 : i32
      %dma_start3A_569 = tpu.memref_slice %arg10[%dma_start3A_567, %dma_start3A_568] : memref<10112x128xf32, #tpu.memory_space<vmem_shared>> -> memref<10112x128xf32, #tpu.memory_space<vmem_shared>>
      tpu.enqueue_indirect_dma source(%arg8 : memref<80x128xf32, #tpu.memory_space<vmem>>) target(%dma_start3A_569 : memref<10112x128xf32, #tpu.memory_space<vmem_shared>>) offsets(%dma_start3A_566 : memref<80xi32, #tpu.memory_space<vmem>>) semaphore(%run_scoped3A_563 : memref<!tpu.dma_semaphore, #tpu.memory_space<semaphore_mem>>) {add = true}
      %dma_wait3A_570 = arith.constant 0 : i32
      %dma_wait3A_571 = tpu.memref_slice %arg7[%run_scoped3A_436, %run_scoped3A_437, %run_scoped3A_438, %dma_wait3A_570] : memref<2x25x1x80xi32, #tpu.memory_space<vmem>> -> memref<1x1x1x80xi32, #tpu.memory_space<vmem>>
      %dma_wait3A_572 = tpu.memref_squeeze %dma_wait3A_571 : memref<1x1x1x80xi32, #tpu.memory_space<vmem>> -> memref<80xi32, #tpu.memory_space<vmem>>
      %dma_wait3A_573 = arith.constant 0 : i32
      %dma_wait3A_574 = arith.constant 0 : i32
      %dma_wait3A_575 = tpu.memref_slice %arg10[%dma_wait3A_573, %dma_wait3A_574] : memref<10112x128xf32, #tpu.memory_space<vmem_shared>> -> memref<10112x128xf32, #tpu.memory_space<vmem_shared>>
      tpu.wait_indirect_dma semaphore(%run_scoped3A_563 : memref<!tpu.dma_semaphore, #tpu.memory_space<semaphore_mem>>) src(%arg8 : memref<80x128xf32, #tpu.memory_space<vmem>>) dst(%dma_wait3A_575 : memref<10112x128xf32, #tpu.memory_space<vmem_shared>>)
      tpu.yield
    }) : () -> ()
    %dma_start3A_439 = arith.constant 0 : i32
    %dma_start3A_440 = arith.constant 0 : i32
    %dma_start3A_441 = arith.constant 0 : i32
    %dma_start3A_442 = arith.constant 0 : i32
    %dma_start3A_443 = tpu.memref_slice %arg6[%dma_start3A_439, %dma_start3A_440, %dma_start3A_441, %dma_start3A_442] : memref<2x25x1x80xi32, #tpu.memory_space<vmem>> -> memref<1x25x1x80xi32, #tpu.memory_space<vmem>>
    %dma_start3A_444 = tpu.memref_squeeze %dma_start3A_443 : memref<1x25x1x80xi32, #tpu.memory_space<vmem>> -> memref<25x1x80xi32, #tpu.memory_space<vmem>>
    %dma_start3A_445 = arith.constant 100 : i32
    %dma_start3A_446 = arith.constant 0 : i32
    %dma_start3A_447 = arith.constant 0 : i32
    %dma_start3A_448 = tpu.memref_slice %arg2[%add3A, %dma_start3A_445, %dma_start3A_446, %dma_start3A_447] : memref<32x125x1x80xi32, #tpu.memory_space<hbm>> -> memref<1x25x1x80xi32, #tpu.memory_space<hbm>>
    %dma_start3A_449 = tpu.memref_squeeze %dma_start3A_448 : memref<1x25x1x80xi32, #tpu.memory_space<hbm>> -> memref<25x1x80xi32, #tpu.memory_space<hbm>>
    %dma_start3A_450 = arith.constant 0 : i32
    %dma_start3A_451 = arith.constant 0 : i32
    %dma_start3A_452 = arith.constant 0 : i32
    %dma_start3A_453 = tpu.memref_slice %arg6[%dma_start3A_439, %dma_start3A_450, %dma_start3A_451, %dma_start3A_452] : memref<2x25x1x80xi32, #tpu.memory_space<vmem>> -> memref<1x25x1x80xi32, #tpu.memory_space<vmem>>
    %dma_start3A_454 = tpu.memref_squeeze %dma_start3A_453 : memref<1x25x1x80xi32, #tpu.memory_space<vmem>> -> memref<25x1x80xi32, #tpu.memory_space<vmem>>
    %dma_start3A_455 = arith.constant 100 : i32
    %dma_start3A_456 = arith.constant 0 : i32
    %dma_start3A_457 = arith.constant 0 : i32
    %dma_start3A_458 = tpu.memref_slice %arg2[%add3A, %dma_start3A_455, %dma_start3A_456, %dma_start3A_457] : memref<32x125x1x80xi32, #tpu.memory_space<hbm>> -> memref<1x25x1x80xi32, #tpu.memory_space<hbm>>
    %dma_start3A_459 = tpu.memref_squeeze %dma_start3A_458 : memref<1x25x1x80xi32, #tpu.memory_space<hbm>> -> memref<25x1x80xi32, #tpu.memory_space<hbm>>
    tpu.enqueue_dma source(%dma_start3A_459 : memref<25x1x80xi32, #tpu.memory_space<hbm>>) target(%dma_start3A_454 : memref<25x1x80xi32, #tpu.memory_space<vmem>>) target_semaphore(%arg13 : memref<!tpu.dma_semaphore, #tpu.memory_space<semaphore_mem>>)
    %dma_start3A_460 = arith.constant 0 : i32
    %dma_start3A_461 = arith.constant 0 : i32
    %dma_start3A_462 = arith.constant 0 : i32
    %dma_start3A_463 = arith.constant 0 : i32
    %dma_start3A_464 = tpu.memref_slice %arg7[%dma_start3A_460, %dma_start3A_461, %dma_start3A_462, %dma_start3A_463] : memref<2x25x1x80xi32, #tpu.memory_space<vmem>> -> memref<1x25x1x80xi32, #tpu.memory_space<vmem>>
    %dma_start3A_465 = tpu.memref_squeeze %dma_start3A_464 : memref<1x25x1x80xi32, #tpu.memory_space<vmem>> -> memref<25x1x80xi32, #tpu.memory_space<vmem>>
    %dma_start3A_466 = arith.constant 100 : i32
    %dma_start3A_467 = arith.constant 0 : i32
    %dma_start3A_468 = arith.constant 0 : i32
    %dma_start3A_469 = tpu.memref_slice %arg3[%add3A, %dma_start3A_466, %dma_start3A_467, %dma_start3A_468] : memref<32x125x1x80xi32, #tpu.memory_space<hbm>> -> memref<1x25x1x80xi32, #tpu.memory_space<hbm>>
    %dma_start3A_470 = tpu.memref_squeeze %dma_start3A_469 : memref<1x25x1x80xi32, #tpu.memory_space<hbm>> -> memref<25x1x80xi32, #tpu.memory_space<hbm>>
    %dma_start3A_471 = arith.constant 0 : i32
    %dma_start3A_472 = arith.constant 0 : i32
    %dma_start3A_473 = arith.constant 0 : i32
    %dma_start3A_474 = tpu.memref_slice %arg7[%dma_start3A_460, %dma_start3A_471, %dma_start3A_472, %dma_start3A_473] : memref<2x25x1x80xi32, #tpu.memory_space<vmem>> -> memref<1x25x1x80xi32, #tpu.memory_space<vmem>>
    %dma_start3A_475 = tpu.memref_squeeze %dma_start3A_474 : memref<1x25x1x80xi32, #tpu.memory_space<vmem>> -> memref<25x1x80xi32, #tpu.memory_space<vmem>>
    %dma_start3A_476 = arith.constant 100 : i32
    %dma_start3A_477 = arith.constant 0 : i32
    %dma_start3A_478 = arith.constant 0 : i32
    %dma_start3A_479 = tpu.memref_slice %arg3[%add3A, %dma_start3A_476, %dma_start3A_477, %dma_start3A_478] : memref<32x125x1x80xi32, #tpu.memory_space<hbm>> -> memref<1x25x1x80xi32, #tpu.memory_space<hbm>>
    %dma_start3A_480 = tpu.memref_squeeze %dma_start3A_479 : memref<1x25x1x80xi32, #tpu.memory_space<hbm>> -> memref<25x1x80xi32, #tpu.memory_space<hbm>>
    tpu.enqueue_dma source(%dma_start3A_480 : memref<25x1x80xi32, #tpu.memory_space<hbm>>) target(%dma_start3A_475 : memref<25x1x80xi32, #tpu.memory_space<vmem>>) target_semaphore(%arg13 : memref<!tpu.dma_semaphore, #tpu.memory_space<semaphore_mem>>)
    %scan3A_481 = arith.constant 0 : i32
    %scan3A_482 = arith.constant 0 : i32
    %scan3A_483 = arith.constant 12 : i32
    %scan3A_484 = arith.addi %scan3A_482, %scan3A_483 : i32
    %scan3A_485 = arith.constant 1 : i32
    scf.for %scan3A_563 = %scan3A_482 to %scan3A_484 step %scan3A_485  : i32 {
      %mul3A_564 = arith.constant 2 : i32
      %mul3A_565 = arith.muli %mul3A_564, %scan3A_563 : i32
      %add3A_566 = arith.constant 1 : i32
      %add3A_567 = arith.addi %mul3A_565, %add3A_566 : i32
      %dma_start3A_568 = arith.constant 1 : i32
      %dma_start3A_569 = arith.constant 0 : i32
      %dma_start3A_570 = arith.constant 0 : i32
      %dma_start3A_571 = tpu.memref_slice %arg6[%dma_start3A_568, %add3A_567, %dma_start3A_569, %dma_start3A_570] : memref<2x25x1x80xi32, #tpu.memory_space<vmem>> -> memref<1x1x1x80xi32, #tpu.memory_space<vmem>>
      %dma_start3A_572 = tpu.memref_squeeze %dma_start3A_571 : memref<1x1x1x80xi32, #tpu.memory_space<vmem>> -> memref<80xi32, #tpu.memory_space<vmem>>
      %dma_start3A_573 = arith.constant 0 : i32
      %dma_start3A_574 = arith.constant 0 : i32
      %dma_start3A_575 = tpu.memref_slice %arg4[%dma_start3A_573, %dma_start3A_574] : memref<10000x128xf32, #tpu.memory_space<hbm>> -> memref<10000x128xf32, #tpu.memory_space<hbm>>
      tpu.enqueue_indirect_dma source(%dma_start3A_575 : memref<10000x128xf32, #tpu.memory_space<hbm>>) target(%arg8 : memref<80x128xf32, #tpu.memory_space<vmem>>) offsets(%dma_start3A_572 : memref<80xi32, #tpu.memory_space<vmem>>) semaphore(%arg11 : memref<!tpu.dma_semaphore, #tpu.memory_space<semaphore_mem>>)
      %dma_wait3A_576 = arith.constant 0 : i32
      %dma_wait3A_577 = arith.constant 0 : i32
      %dma_wait3A_578 = tpu.memref_slice %arg4[%dma_wait3A_576, %dma_wait3A_577] : memref<10000x128xf32, #tpu.memory_space<hbm>> -> memref<80x128xf32, #tpu.memory_space<hbm>>
      %dma_wait3A_579 = arith.constant 0 : i32
      %dma_wait3A_580 = arith.constant 0 : i32
      %dma_wait3A_581 = tpu.memref_slice %arg4[%dma_wait3A_579, %dma_wait3A_580] : memref<10000x128xf32, #tpu.memory_space<hbm>> -> memref<80x128xf32, #tpu.memory_space<hbm>>
      tpu.wait_dma2 semaphore(%arg12 : memref<!tpu.dma_semaphore, #tpu.memory_space<semaphore_mem>>) src(%dma_wait3A_581 : memref<80x128xf32, #tpu.memory_space<hbm>>) dst(%arg9 : memref<80x128xf32, #tpu.memory_space<vmem>>)
      %run_scoped3A_582 = arith.constant 1 : i32
      %run_scoped3A_583 = arith.constant 0 : i32
      "tpu.region"() ({
        %run_scoped3A_604 = tpu.sem_alloc : memref<!tpu.dma_semaphore, #tpu.memory_space<semaphore_mem>>
        %dma_start3A_605 = arith.constant 0 : i32
        %dma_start3A_606 = tpu.memref_slice %arg7[%run_scoped3A_582, %mul3A_565, %run_scoped3A_583, %dma_start3A_605] : memref<2x25x1x80xi32, #tpu.memory_space<vmem>> -> memref<1x1x1x80xi32, #tpu.memory_space<vmem>>
        %dma_start3A_607 = tpu.memref_squeeze %dma_start3A_606 : memref<1x1x1x80xi32, #tpu.memory_space<vmem>> -> memref<80xi32, #tpu.memory_space<vmem>>
        %dma_start3A_608 = arith.constant 0 : i32
        %dma_start3A_609 = arith.constant 0 : i32
        %dma_start3A_610 = tpu.memref_slice %arg10[%dma_start3A_608, %dma_start3A_609] : memref<10112x128xf32, #tpu.memory_space<vmem_shared>> -> memref<10112x128xf32, #tpu.memory_space<vmem_shared>>
        tpu.enqueue_indirect_dma source(%arg9 : memref<80x128xf32, #tpu.memory_space<vmem>>) target(%dma_start3A_610 : memref<10112x128xf32, #tpu.memory_space<vmem_shared>>) offsets(%dma_start3A_607 : memref<80xi32, #tpu.memory_space<vmem>>) semaphore(%run_scoped3A_604 : memref<!tpu.dma_semaphore, #tpu.memory_space<semaphore_mem>>) {add = true}
        %dma_wait3A_611 = arith.constant 0 : i32
        %dma_wait3A_612 = tpu.memref_slice %arg7[%run_scoped3A_582, %mul3A_565, %run_scoped3A_583, %dma_wait3A_611] : memref<2x25x1x80xi32, #tpu.memory_space<vmem>> -> memref<1x1x1x80xi32, #tpu.memory_space<vmem>>
        %dma_wait3A_613 = tpu.memref_squeeze %dma_wait3A_612 : memref<1x1x1x80xi32, #tpu.memory_space<vmem>> -> memref<80xi32, #tpu.memory_space<vmem>>
        %dma_wait3A_614 = arith.constant 0 : i32
        %dma_wait3A_615 = arith.constant 0 : i32
        %dma_wait3A_616 = tpu.memref_slice %arg10[%dma_wait3A_614, %dma_wait3A_615] : memref<10112x128xf32, #tpu.memory_space<vmem_shared>> -> memref<10112x128xf32, #tpu.memory_space<vmem_shared>>
        tpu.wait_indirect_dma semaphore(%run_scoped3A_604 : memref<!tpu.dma_semaphore, #tpu.memory_space<semaphore_mem>>) src(%arg9 : memref<80x128xf32, #tpu.memory_space<vmem>>) dst(%dma_wait3A_616 : memref<10112x128xf32, #tpu.memory_space<vmem_shared>>)
        tpu.yield
      }) : () -> ()
      %add3A_584 = arith.constant 2 : i32
      %add3A_585 = arith.addi %mul3A_565, %add3A_584 : i32
      %dma_start3A_586 = arith.constant 1 : i32
      %dma_start3A_587 = arith.constant 0 : i32
      %dma_start3A_588 = arith.constant 0 : i32
      %dma_start3A_589 = tpu.memref_slice %arg6[%dma_start3A_586, %add3A_585, %dma_start3A_587, %dma_start3A_588] : memref<2x25x1x80xi32, #tpu.memory_space<vmem>> -> memref<1x1x1x80xi32, #tpu.memory_space<vmem>>
      %dma_start3A_590 = tpu.memref_squeeze %dma_start3A_589 : memref<1x1x1x80xi32, #tpu.memory_space<vmem>> -> memref<80xi32, #tpu.memory_space<vmem>>
      %dma_start3A_591 = arith.constant 0 : i32
      %dma_start3A_592 = arith.constant 0 : i32
      %dma_start3A_593 = tpu.memref_slice %arg4[%dma_start3A_591, %dma_start3A_592] : memref<10000x128xf32, #tpu.memory_space<hbm>> -> memref<10000x128xf32, #tpu.memory_space<hbm>>
      tpu.enqueue_indirect_dma source(%dma_start3A_593 : memref<10000x128xf32, #tpu.memory_space<hbm>>) target(%arg9 : memref<80x128xf32, #tpu.memory_space<vmem>>) offsets(%dma_start3A_590 : memref<80xi32, #tpu.memory_space<vmem>>) semaphore(%arg12 : memref<!tpu.dma_semaphore, #tpu.memory_space<semaphore_mem>>)
      %dma_wait3A_594 = arith.constant 0 : i32
      %dma_wait3A_595 = arith.constant 0 : i32
      %dma_wait3A_596 = tpu.memref_slice %arg4[%dma_wait3A_594, %dma_wait3A_595] : memref<10000x128xf32, #tpu.memory_space<hbm>> -> memref<80x128xf32, #tpu.memory_space<hbm>>
      %dma_wait3A_597 = arith.constant 0 : i32
      %dma_wait3A_598 = arith.constant 0 : i32
      %dma_wait3A_599 = tpu.memref_slice %arg4[%dma_wait3A_597, %dma_wait3A_598] : memref<10000x128xf32, #tpu.memory_space<hbm>> -> memref<80x128xf32, #tpu.memory_space<hbm>>
      tpu.wait_dma2 semaphore(%arg11 : memref<!tpu.dma_semaphore, #tpu.memory_space<semaphore_mem>>) src(%dma_wait3A_599 : memref<80x128xf32, #tpu.memory_space<hbm>>) dst(%arg8 : memref<80x128xf32, #tpu.memory_space<vmem>>)
      %add3A_600 = arith.constant 1 : i32
      %add3A_601 = arith.addi %mul3A_565, %add3A_600 : i32
      %run_scoped3A_602 = arith.constant 1 : i32
      %run_scoped3A_603 = arith.constant 0 : i32
      "tpu.region"() ({
        %run_scoped3A_604 = tpu.sem_alloc : memref<!tpu.dma_semaphore, #tpu.memory_space<semaphore_mem>>
        %dma_start3A_605 = arith.constant 0 : i32
        %dma_start3A_606 = tpu.memref_slice %arg7[%run_scoped3A_602, %add3A_601, %run_scoped3A_603, %dma_start3A_605] : memref<2x25x1x80xi32, #tpu.memory_space<vmem>> -> memref<1x1x1x80xi32, #tpu.memory_space<vmem>>
        %dma_start3A_607 = tpu.memref_squeeze %dma_start3A_606 : memref<1x1x1x80xi32, #tpu.memory_space<vmem>> -> memref<80xi32, #tpu.memory_space<vmem>>
        %dma_start3A_608 = arith.constant 0 : i32
        %dma_start3A_609 = arith.constant 0 : i32
        %dma_start3A_610 = tpu.memref_slice %arg10[%dma_start3A_608, %dma_start3A_609] : memref<10112x128xf32, #tpu.memory_space<vmem_shared>> -> memref<10112x128xf32, #tpu.memory_space<vmem_shared>>
        tpu.enqueue_indirect_dma source(%arg8 : memref<80x128xf32, #tpu.memory_space<vmem>>) target(%dma_start3A_610 : memref<10112x128xf32, #tpu.memory_space<vmem_shared>>) offsets(%dma_start3A_607 : memref<80xi32, #tpu.memory_space<vmem>>) semaphore(%run_scoped3A_604 : memref<!tpu.dma_semaphore, #tpu.memory_space<semaphore_mem>>) {add = true}
        %dma_wait3A_611 = arith.constant 0 : i32
        %dma_wait3A_612 = tpu.memref_slice %arg7[%run_scoped3A_602, %add3A_601, %run_scoped3A_603, %dma_wait3A_611] : memref<2x25x1x80xi32, #tpu.memory_space<vmem>> -> memref<1x1x1x80xi32, #tpu.memory_space<vmem>>
        %dma_wait3A_613 = tpu.memref_squeeze %dma_wait3A_612 : memref<1x1x1x80xi32, #tpu.memory_space<vmem>> -> memref<80xi32, #tpu.memory_space<vmem>>
        %dma_wait3A_614 = arith.constant 0 : i32
        %dma_wait3A_615 = arith.constant 0 : i32
        %dma_wait3A_616 = tpu.memref_slice %arg10[%dma_wait3A_614, %dma_wait3A_615] : memref<10112x128xf32, #tpu.memory_space<vmem_shared>> -> memref<10112x128xf32, #tpu.memory_space<vmem_shared>>
        tpu.wait_indirect_dma semaphore(%run_scoped3A_604 : memref<!tpu.dma_semaphore, #tpu.memory_space<semaphore_mem>>) src(%arg8 : memref<80x128xf32, #tpu.memory_space<vmem>>) dst(%dma_wait3A_616 : memref<10112x128xf32, #tpu.memory_space<vmem_shared>>)
        tpu.yield
      }) : () -> ()
    }
    %scan3A_486 = arith.constant 12 : i32
    %dma_wait3A_487 = arith.constant 0 : i32
    %dma_wait3A_488 = arith.constant 0 : i32
    %dma_wait3A_489 = arith.constant 0 : i32
    %dma_wait3A_490 = arith.constant 0 : i32
    %dma_wait3A_491 = tpu.memref_slice %arg6[%dma_wait3A_487, %dma_wait3A_488, %dma_wait3A_489, %dma_wait3A_490] : memref<2x25x1x80xi32, #tpu.memory_space<vmem>> -> memref<1x25x1x80xi32, #tpu.memory_space<vmem>>
    %dma_wait3A_492 = tpu.memref_squeeze %dma_wait3A_491 : memref<1x25x1x80xi32, #tpu.memory_space<vmem>> -> memref<25x1x80xi32, #tpu.memory_space<vmem>>
    %dma_wait3A_493 = arith.constant 0 : i32
    %dma_wait3A_494 = arith.constant 0 : i32
    %dma_wait3A_495 = arith.constant 0 : i32
    %dma_wait3A_496 = tpu.memref_slice %arg2[%add3A, %dma_wait3A_493, %dma_wait3A_494, %dma_wait3A_495] : memref<32x125x1x80xi32, #tpu.memory_space<hbm>> -> memref<1x25x1x80xi32, #tpu.memory_space<hbm>>
    %dma_wait3A_497 = tpu.memref_squeeze %dma_wait3A_496 : memref<1x25x1x80xi32, #tpu.memory_space<hbm>> -> memref<25x1x80xi32, #tpu.memory_space<hbm>>
    %dma_wait3A_498 = arith.constant 0 : i32
    %dma_wait3A_499 = arith.constant 0 : i32
    %dma_wait3A_500 = arith.constant 0 : i32
    %dma_wait3A_501 = tpu.memref_slice %arg6[%dma_wait3A_487, %dma_wait3A_498, %dma_wait3A_499, %dma_wait3A_500] : memref<2x25x1x80xi32, #tpu.memory_space<vmem>> -> memref<1x25x1x80xi32, #tpu.memory_space<vmem>>
    %dma_wait3A_502 = tpu.memref_squeeze %dma_wait3A_501 : memref<1x25x1x80xi32, #tpu.memory_space<vmem>> -> memref<25x1x80xi32, #tpu.memory_space<vmem>>
    %dma_wait3A_503 = arith.constant 0 : i32
    %dma_wait3A_504 = arith.constant 0 : i32
    %dma_wait3A_505 = arith.constant 0 : i32
    %dma_wait3A_506 = tpu.memref_slice %arg2[%add3A, %dma_wait3A_503, %dma_wait3A_504, %dma_wait3A_505] : memref<32x125x1x80xi32, #tpu.memory_space<hbm>> -> memref<1x25x1x80xi32, #tpu.memory_space<hbm>>
    %dma_wait3A_507 = tpu.memref_squeeze %dma_wait3A_506 : memref<1x25x1x80xi32, #tpu.memory_space<hbm>> -> memref<25x1x80xi32, #tpu.memory_space<hbm>>
    tpu.wait_dma2 semaphore(%arg13 : memref<!tpu.dma_semaphore, #tpu.memory_space<semaphore_mem>>) src(%dma_wait3A_507 : memref<25x1x80xi32, #tpu.memory_space<hbm>>) dst(%dma_wait3A_502 : memref<25x1x80xi32, #tpu.memory_space<vmem>>)
    %dma_wait3A_508 = arith.constant 0 : i32
    %dma_wait3A_509 = arith.constant 0 : i32
    %dma_wait3A_510 = arith.constant 0 : i32
    %dma_wait3A_511 = arith.constant 0 : i32
    %dma_wait3A_512 = tpu.memref_slice %arg7[%dma_wait3A_508, %dma_wait3A_509, %dma_wait3A_510, %dma_wait3A_511] : memref<2x25x1x80xi32, #tpu.memory_space<vmem>> -> memref<1x25x1x80xi32, #tpu.memory_space<vmem>>
    %dma_wait3A_513 = tpu.memref_squeeze %dma_wait3A_512 : memref<1x25x1x80xi32, #tpu.memory_space<vmem>> -> memref<25x1x80xi32, #tpu.memory_space<vmem>>
    %dma_wait3A_514 = arith.constant 0 : i32
    %dma_wait3A_515 = arith.constant 0 : i32
    %dma_wait3A_516 = arith.constant 0 : i32
    %dma_wait3A_517 = tpu.memref_slice %arg3[%add3A, %dma_wait3A_514, %dma_wait3A_515, %dma_wait3A_516] : memref<32x125x1x80xi32, #tpu.memory_space<hbm>> -> memref<1x25x1x80xi32, #tpu.memory_space<hbm>>
    %dma_wait3A_518 = tpu.memref_squeeze %dma_wait3A_517 : memref<1x25x1x80xi32, #tpu.memory_space<hbm>> -> memref<25x1x80xi32, #tpu.memory_space<hbm>>
    %dma_wait3A_519 = arith.constant 0 : i32
    %dma_wait3A_520 = arith.constant 0 : i32
    %dma_wait3A_521 = arith.constant 0 : i32
    %dma_wait3A_522 = tpu.memref_slice %arg7[%dma_wait3A_508, %dma_wait3A_519, %dma_wait3A_520, %dma_wait3A_521] : memref<2x25x1x80xi32, #tpu.memory_space<vmem>> -> memref<1x25x1x80xi32, #tpu.memory_space<vmem>>
    %dma_wait3A_523 = tpu.memref_squeeze %dma_wait3A_522 : memref<1x25x1x80xi32, #tpu.memory_space<vmem>> -> memref<25x1x80xi32, #tpu.memory_space<vmem>>
    %dma_wait3A_524 = arith.constant 0 : i32
    %dma_wait3A_525 = arith.constant 0 : i32
    %dma_wait3A_526 = arith.constant 0 : i32
    %dma_wait3A_527 = tpu.memref_slice %arg3[%add3A, %dma_wait3A_524, %dma_wait3A_525, %dma_wait3A_526] : memref<32x125x1x80xi32, #tpu.memory_space<hbm>> -> memref<1x25x1x80xi32, #tpu.memory_space<hbm>>
    %dma_wait3A_528 = tpu.memref_squeeze %dma_wait3A_527 : memref<1x25x1x80xi32, #tpu.memory_space<hbm>> -> memref<25x1x80xi32, #tpu.memory_space<hbm>>
    tpu.wait_dma2 semaphore(%arg13 : memref<!tpu.dma_semaphore, #tpu.memory_space<semaphore_mem>>) src(%dma_wait3A_528 : memref<25x1x80xi32, #tpu.memory_space<hbm>>) dst(%dma_wait3A_523 : memref<25x1x80xi32, #tpu.memory_space<vmem>>)
    %dma_start3A_529 = arith.constant 0 : i32
    %dma_start3A_530 = arith.constant 0 : i32
    %dma_start3A_531 = arith.constant 0 : i32
    %dma_start3A_532 = arith.constant 0 : i32
    %dma_start3A_533 = tpu.memref_slice %arg6[%dma_start3A_529, %dma_start3A_530, %dma_start3A_531, %dma_start3A_532] : memref<2x25x1x80xi32, #tpu.memory_space<vmem>> -> memref<1x1x1x80xi32, #tpu.memory_space<vmem>>
    %dma_start3A_534 = tpu.memref_squeeze %dma_start3A_533 : memref<1x1x1x80xi32, #tpu.memory_space<vmem>> -> memref<80xi32, #tpu.memory_space<vmem>>
    %dma_start3A_535 = arith.constant 0 : i32
    %dma_start3A_536 = arith.constant 0 : i32
    %dma_start3A_537 = tpu.memref_slice %arg4[%dma_start3A_535, %dma_start3A_536] : memref<10000x128xf32, #tpu.memory_space<hbm>> -> memref<10000x128xf32, #tpu.memory_space<hbm>>
    tpu.enqueue_indirect_dma source(%dma_start3A_537 : memref<10000x128xf32, #tpu.memory_space<hbm>>) target(%arg8 : memref<80x128xf32, #tpu.memory_space<vmem>>) offsets(%dma_start3A_534 : memref<80xi32, #tpu.memory_space<vmem>>) semaphore(%arg11 : memref<!tpu.dma_semaphore, #tpu.memory_space<semaphore_mem>>)
    %dma_wait3A_538 = arith.constant 0 : i32
    %dma_wait3A_539 = arith.constant 0 : i32
    %dma_wait3A_540 = tpu.memref_slice %arg4[%dma_wait3A_538, %dma_wait3A_539] : memref<10000x128xf32, #tpu.memory_space<hbm>> -> memref<80x128xf32, #tpu.memory_space<hbm>>
    %dma_wait3A_541 = arith.constant 0 : i32
    %dma_wait3A_542 = arith.constant 0 : i32
    %dma_wait3A_543 = tpu.memref_slice %arg4[%dma_wait3A_541, %dma_wait3A_542] : memref<10000x128xf32, #tpu.memory_space<hbm>> -> memref<80x128xf32, #tpu.memory_space<hbm>>
    tpu.wait_dma2 semaphore(%arg12 : memref<!tpu.dma_semaphore, #tpu.memory_space<semaphore_mem>>) src(%dma_wait3A_543 : memref<80x128xf32, #tpu.memory_space<hbm>>) dst(%arg9 : memref<80x128xf32, #tpu.memory_space<vmem>>)
    %run_scoped3A_544 = arith.constant 1 : i32
    %run_scoped3A_545 = arith.constant 24 : i32
    %run_scoped3A_546 = arith.constant 0 : i32
    "tpu.region"() ({
      %run_scoped3A_563 = tpu.sem_alloc : memref<!tpu.dma_semaphore, #tpu.memory_space<semaphore_mem>>
      %dma_start3A_564 = arith.constant 0 : i32
      %dma_start3A_565 = tpu.memref_slice %arg7[%run_scoped3A_544, %run_scoped3A_545, %run_scoped3A_546, %dma_start3A_564] : memref<2x25x1x80xi32, #tpu.memory_space<vmem>> -> memref<1x1x1x80xi32, #tpu.memory_space<vmem>>
      %dma_start3A_566 = tpu.memref_squeeze %dma_start3A_565 : memref<1x1x1x80xi32, #tpu.memory_space<vmem>> -> memref<80xi32, #tpu.memory_space<vmem>>
      %dma_start3A_567 = arith.constant 0 : i32
      %dma_start3A_568 = arith.constant 0 : i32
      %dma_start3A_569 = tpu.memref_slice %arg10[%dma_start3A_567, %dma_start3A_568] : memref<10112x128xf32, #tpu.memory_space<vmem_shared>> -> memref<10112x128xf32, #tpu.memory_space<vmem_shared>>
      tpu.enqueue_indirect_dma source(%arg9 : memref<80x128xf32, #tpu.memory_space<vmem>>) target(%dma_start3A_569 : memref<10112x128xf32, #tpu.memory_space<vmem_shared>>) offsets(%dma_start3A_566 : memref<80xi32, #tpu.memory_space<vmem>>) semaphore(%run_scoped3A_563 : memref<!tpu.dma_semaphore, #tpu.memory_space<semaphore_mem>>) {add = true}
      %dma_wait3A_570 = arith.constant 0 : i32
      %dma_wait3A_571 = tpu.memref_slice %arg7[%run_scoped3A_544, %run_scoped3A_545, %run_scoped3A_546, %dma_wait3A_570] : memref<2x25x1x80xi32, #tpu.memory_space<vmem>> -> memref<1x1x1x80xi32, #tpu.memory_space<vmem>>
      %dma_wait3A_572 = tpu.memref_squeeze %dma_wait3A_571 : memref<1x1x1x80xi32, #tpu.memory_space<vmem>> -> memref<80xi32, #tpu.memory_space<vmem>>
      %dma_wait3A_573 = arith.constant 0 : i32
      %dma_wait3A_574 = arith.constant 0 : i32
      %dma_wait3A_575 = tpu.memref_slice %arg10[%dma_wait3A_573, %dma_wait3A_574] : memref<10112x128xf32, #tpu.memory_space<vmem_shared>> -> memref<10112x128xf32, #tpu.memory_space<vmem_shared>>
      tpu.wait_indirect_dma semaphore(%run_scoped3A_563 : memref<!tpu.dma_semaphore, #tpu.memory_space<semaphore_mem>>) src(%arg9 : memref<80x128xf32, #tpu.memory_space<vmem>>) dst(%dma_wait3A_575 : memref<10112x128xf32, #tpu.memory_space<vmem_shared>>)
      tpu.yield
    }) : () -> ()
    %scan3A_547 = arith.constant 0 : i32
    %scan3A_548 = arith.constant 0 : i32
    %scan3A_549 = arith.constant 12 : i32
    %scan3A_550 = arith.addi %scan3A_548, %scan3A_549 : i32
    %scan3A_551 = arith.constant 1 : i32
    scf.for %scan3A_563 = %scan3A_548 to %scan3A_550 step %scan3A_551  : i32 {
      %mul3A_564 = arith.constant 2 : i32
      %mul3A_565 = arith.muli %mul3A_564, %scan3A_563 : i32
      %add3A_566 = arith.constant 1 : i32
      %add3A_567 = arith.addi %mul3A_565, %add3A_566 : i32
      %dma_start3A_568 = arith.constant 0 : i32
      %dma_start3A_569 = arith.constant 0 : i32
      %dma_start3A_570 = arith.constant 0 : i32
      %dma_start3A_571 = tpu.memref_slice %arg6[%dma_start3A_568, %add3A_567, %dma_start3A_569, %dma_start3A_570] : memref<2x25x1x80xi32, #tpu.memory_space<vmem>> -> memref<1x1x1x80xi32, #tpu.memory_space<vmem>>
      %dma_start3A_572 = tpu.memref_squeeze %dma_start3A_571 : memref<1x1x1x80xi32, #tpu.memory_space<vmem>> -> memref<80xi32, #tpu.memory_space<vmem>>
      %dma_start3A_573 = arith.constant 0 : i32
      %dma_start3A_574 = arith.constant 0 : i32
      %dma_start3A_575 = tpu.memref_slice %arg4[%dma_start3A_573, %dma_start3A_574] : memref<10000x128xf32, #tpu.memory_space<hbm>> -> memref<10000x128xf32, #tpu.memory_space<hbm>>
      tpu.enqueue_indirect_dma source(%dma_start3A_575 : memref<10000x128xf32, #tpu.memory_space<hbm>>) target(%arg9 : memref<80x128xf32, #tpu.memory_space<vmem>>) offsets(%dma_start3A_572 : memref<80xi32, #tpu.memory_space<vmem>>) semaphore(%arg12 : memref<!tpu.dma_semaphore, #tpu.memory_space<semaphore_mem>>)
      %dma_wait3A_576 = arith.constant 0 : i32
      %dma_wait3A_577 = arith.constant 0 : i32
      %dma_wait3A_578 = tpu.memref_slice %arg4[%dma_wait3A_576, %dma_wait3A_577] : memref<10000x128xf32, #tpu.memory_space<hbm>> -> memref<80x128xf32, #tpu.memory_space<hbm>>
      %dma_wait3A_579 = arith.constant 0 : i32
      %dma_wait3A_580 = arith.constant 0 : i32
      %dma_wait3A_581 = tpu.memref_slice %arg4[%dma_wait3A_579, %dma_wait3A_580] : memref<10000x128xf32, #tpu.memory_space<hbm>> -> memref<80x128xf32, #tpu.memory_space<hbm>>
      tpu.wait_dma2 semaphore(%arg11 : memref<!tpu.dma_semaphore, #tpu.memory_space<semaphore_mem>>) src(%dma_wait3A_581 : memref<80x128xf32, #tpu.memory_space<hbm>>) dst(%arg8 : memref<80x128xf32, #tpu.memory_space<vmem>>)
      %run_scoped3A_582 = arith.constant 0 : i32
      %run_scoped3A_583 = arith.constant 0 : i32
      "tpu.region"() ({
        %run_scoped3A_604 = tpu.sem_alloc : memref<!tpu.dma_semaphore, #tpu.memory_space<semaphore_mem>>
        %dma_start3A_605 = arith.constant 0 : i32
        %dma_start3A_606 = tpu.memref_slice %arg7[%run_scoped3A_582, %mul3A_565, %run_scoped3A_583, %dma_start3A_605] : memref<2x25x1x80xi32, #tpu.memory_space<vmem>> -> memref<1x1x1x80xi32, #tpu.memory_space<vmem>>
        %dma_start3A_607 = tpu.memref_squeeze %dma_start3A_606 : memref<1x1x1x80xi32, #tpu.memory_space<vmem>> -> memref<80xi32, #tpu.memory_space<vmem>>
        %dma_start3A_608 = arith.constant 0 : i32
        %dma_start3A_609 = arith.constant 0 : i32
        %dma_start3A_610 = tpu.memref_slice %arg10[%dma_start3A_608, %dma_start3A_609] : memref<10112x128xf32, #tpu.memory_space<vmem_shared>> -> memref<10112x128xf32, #tpu.memory_space<vmem_shared>>
        tpu.enqueue_indirect_dma source(%arg8 : memref<80x128xf32, #tpu.memory_space<vmem>>) target(%dma_start3A_610 : memref<10112x128xf32, #tpu.memory_space<vmem_shared>>) offsets(%dma_start3A_607 : memref<80xi32, #tpu.memory_space<vmem>>) semaphore(%run_scoped3A_604 : memref<!tpu.dma_semaphore, #tpu.memory_space<semaphore_mem>>) {add = true}
        %dma_wait3A_611 = arith.constant 0 : i32
        %dma_wait3A_612 = tpu.memref_slice %arg7[%run_scoped3A_582, %mul3A_565, %run_scoped3A_583, %dma_wait3A_611] : memref<2x25x1x80xi32, #tpu.memory_space<vmem>> -> memref<1x1x1x80xi32, #tpu.memory_space<vmem>>
        %dma_wait3A_613 = tpu.memref_squeeze %dma_wait3A_612 : memref<1x1x1x80xi32, #tpu.memory_space<vmem>> -> memref<80xi32, #tpu.memory_space<vmem>>
        %dma_wait3A_614 = arith.constant 0 : i32
        %dma_wait3A_615 = arith.constant 0 : i32
        %dma_wait3A_616 = tpu.memref_slice %arg10[%dma_wait3A_614, %dma_wait3A_615] : memref<10112x128xf32, #tpu.memory_space<vmem_shared>> -> memref<10112x128xf32, #tpu.memory_space<vmem_shared>>
        tpu.wait_indirect_dma semaphore(%run_scoped3A_604 : memref<!tpu.dma_semaphore, #tpu.memory_space<semaphore_mem>>) src(%arg8 : memref<80x128xf32, #tpu.memory_space<vmem>>) dst(%dma_wait3A_616 : memref<10112x128xf32, #tpu.memory_space<vmem_shared>>)
        tpu.yield
      }) : () -> ()
      %add3A_584 = arith.constant 2 : i32
      %add3A_585 = arith.addi %mul3A_565, %add3A_584 : i32
      %dma_start3A_586 = arith.constant 0 : i32
      %dma_start3A_587 = arith.constant 0 : i32
      %dma_start3A_588 = arith.constant 0 : i32
      %dma_start3A_589 = tpu.memref_slice %arg6[%dma_start3A_586, %add3A_585, %dma_start3A_587, %dma_start3A_588] : memref<2x25x1x80xi32, #tpu.memory_space<vmem>> -> memref<1x1x1x80xi32, #tpu.memory_space<vmem>>
      %dma_start3A_590 = tpu.memref_squeeze %dma_start3A_589 : memref<1x1x1x80xi32, #tpu.memory_space<vmem>> -> memref<80xi32, #tpu.memory_space<vmem>>
      %dma_start3A_591 = arith.constant 0 : i32
      %dma_start3A_592 = arith.constant 0 : i32
      %dma_start3A_593 = tpu.memref_slice %arg4[%dma_start3A_591, %dma_start3A_592] : memref<10000x128xf32, #tpu.memory_space<hbm>> -> memref<10000x128xf32, #tpu.memory_space<hbm>>
      tpu.enqueue_indirect_dma source(%dma_start3A_593 : memref<10000x128xf32, #tpu.memory_space<hbm>>) target(%arg8 : memref<80x128xf32, #tpu.memory_space<vmem>>) offsets(%dma_start3A_590 : memref<80xi32, #tpu.memory_space<vmem>>) semaphore(%arg11 : memref<!tpu.dma_semaphore, #tpu.memory_space<semaphore_mem>>)
      %dma_wait3A_594 = arith.constant 0 : i32
      %dma_wait3A_595 = arith.constant 0 : i32
      %dma_wait3A_596 = tpu.memref_slice %arg4[%dma_wait3A_594, %dma_wait3A_595] : memref<10000x128xf32, #tpu.memory_space<hbm>> -> memref<80x128xf32, #tpu.memory_space<hbm>>
      %dma_wait3A_597 = arith.constant 0 : i32
      %dma_wait3A_598 = arith.constant 0 : i32
      %dma_wait3A_599 = tpu.memref_slice %arg4[%dma_wait3A_597, %dma_wait3A_598] : memref<10000x128xf32, #tpu.memory_space<hbm>> -> memref<80x128xf32, #tpu.memory_space<hbm>>
      tpu.wait_dma2 semaphore(%arg12 : memref<!tpu.dma_semaphore, #tpu.memory_space<semaphore_mem>>) src(%dma_wait3A_599 : memref<80x128xf32, #tpu.memory_space<hbm>>) dst(%arg9 : memref<80x128xf32, #tpu.memory_space<vmem>>)
      %add3A_600 = arith.constant 1 : i32
      %add3A_601 = arith.addi %mul3A_565, %add3A_600 : i32
      %run_scoped3A_602 = arith.constant 0 : i32
      %run_scoped3A_603 = arith.constant 0 : i32
      "tpu.region"() ({
        %run_scoped3A_604 = tpu.sem_alloc : memref<!tpu.dma_semaphore, #tpu.memory_space<semaphore_mem>>
        %dma_start3A_605 = arith.constant 0 : i32
        %dma_start3A_606 = tpu.memref_slice %arg7[%run_scoped3A_602, %add3A_601, %run_scoped3A_603, %dma_start3A_605] : memref<2x25x1x80xi32, #tpu.memory_space<vmem>> -> memref<1x1x1x80xi32, #tpu.memory_space<vmem>>
        %dma_start3A_607 = tpu.memref_squeeze %dma_start3A_606 : memref<1x1x1x80xi32, #tpu.memory_space<vmem>> -> memref<80xi32, #tpu.memory_space<vmem>>
        %dma_start3A_608 = arith.constant 0 : i32
        %dma_start3A_609 = arith.constant 0 : i32
        %dma_start3A_610 = tpu.memref_slice %arg10[%dma_start3A_608, %dma_start3A_609] : memref<10112x128xf32, #tpu.memory_space<vmem_shared>> -> memref<10112x128xf32, #tpu.memory_space<vmem_shared>>
        tpu.enqueue_indirect_dma source(%arg9 : memref<80x128xf32, #tpu.memory_space<vmem>>) target(%dma_start3A_610 : memref<10112x128xf32, #tpu.memory_space<vmem_shared>>) offsets(%dma_start3A_607 : memref<80xi32, #tpu.memory_space<vmem>>) semaphore(%run_scoped3A_604 : memref<!tpu.dma_semaphore, #tpu.memory_space<semaphore_mem>>) {add = true}
        %dma_wait3A_611 = arith.constant 0 : i32
        %dma_wait3A_612 = tpu.memref_slice %arg7[%run_scoped3A_602, %add3A_601, %run_scoped3A_603, %dma_wait3A_611] : memref<2x25x1x80xi32, #tpu.memory_space<vmem>> -> memref<1x1x1x80xi32, #tpu.memory_space<vmem>>
        %dma_wait3A_613 = tpu.memref_squeeze %dma_wait3A_612 : memref<1x1x1x80xi32, #tpu.memory_space<vmem>> -> memref<80xi32, #tpu.memory_space<vmem>>
        %dma_wait3A_614 = arith.constant 0 : i32
        %dma_wait3A_615 = arith.constant 0 : i32
        %dma_wait3A_616 = tpu.memref_slice %arg10[%dma_wait3A_614, %dma_wait3A_615] : memref<10112x128xf32, #tpu.memory_space<vmem_shared>> -> memref<10112x128xf32, #tpu.memory_space<vmem_shared>>
        tpu.wait_indirect_dma semaphore(%run_scoped3A_604 : memref<!tpu.dma_semaphore, #tpu.memory_space<semaphore_mem>>) src(%arg9 : memref<80x128xf32, #tpu.memory_space<vmem>>) dst(%dma_wait3A_616 : memref<10112x128xf32, #tpu.memory_space<vmem_shared>>)
        tpu.yield
      }) : () -> ()
    }
    %scan3A_552 = arith.constant 12 : i32
    %dma_wait3A_553 = arith.constant 0 : i32
    %dma_wait3A_554 = arith.constant 0 : i32
    %dma_wait3A_555 = tpu.memref_slice %arg4[%dma_wait3A_553, %dma_wait3A_554] : memref<10000x128xf32, #tpu.memory_space<hbm>> -> memref<80x128xf32, #tpu.memory_space<hbm>>
    %dma_wait3A_556 = arith.constant 0 : i32
    %dma_wait3A_557 = arith.constant 0 : i32
    %dma_wait3A_558 = tpu.memref_slice %arg4[%dma_wait3A_556, %dma_wait3A_557] : memref<10000x128xf32, #tpu.memory_space<hbm>> -> memref<80x128xf32, #tpu.memory_space<hbm>>
    tpu.wait_dma2 semaphore(%arg11 : memref<!tpu.dma_semaphore, #tpu.memory_space<semaphore_mem>>) src(%dma_wait3A_558 : memref<80x128xf32, #tpu.memory_space<hbm>>) dst(%arg8 : memref<80x128xf32, #tpu.memory_space<vmem>>)
    %run_scoped3A_559 = arith.constant 0 : i32
    %run_scoped3A_560 = arith.constant 24 : i32
    %run_scoped3A_561 = arith.constant 0 : i32
    "tpu.region"() ({
      %run_scoped3A_563 = tpu.sem_alloc : memref<!tpu.dma_semaphore, #tpu.memory_space<semaphore_mem>>
      %dma_start3A_564 = arith.constant 0 : i32
      %dma_start3A_565 = tpu.memref_slice %arg7[%run_scoped3A_559, %run_scoped3A_560, %run_scoped3A_561, %dma_start3A_564] : memref<2x25x1x80xi32, #tpu.memory_space<vmem>> -> memref<1x1x1x80xi32, #tpu.memory_space<vmem>>
      %dma_start3A_566 = tpu.memref_squeeze %dma_start3A_565 : memref<1x1x1x80xi32, #tpu.memory_space<vmem>> -> memref<80xi32, #tpu.memory_space<vmem>>
      %dma_start3A_567 = arith.constant 0 : i32
      %dma_start3A_568 = arith.constant 0 : i32
      %dma_start3A_569 = tpu.memref_slice %arg10[%dma_start3A_567, %dma_start3A_568] : memref<10112x128xf32, #tpu.memory_space<vmem_shared>> -> memref<10112x128xf32, #tpu.memory_space<vmem_shared>>
      tpu.enqueue_indirect_dma source(%arg8 : memref<80x128xf32, #tpu.memory_space<vmem>>) target(%dma_start3A_569 : memref<10112x128xf32, #tpu.memory_space<vmem_shared>>) offsets(%dma_start3A_566 : memref<80xi32, #tpu.memory_space<vmem>>) semaphore(%run_scoped3A_563 : memref<!tpu.dma_semaphore, #tpu.memory_space<semaphore_mem>>) {add = true}
      %dma_wait3A_570 = arith.constant 0 : i32
      %dma_wait3A_571 = tpu.memref_slice %arg7[%run_scoped3A_559, %run_scoped3A_560, %run_scoped3A_561, %dma_wait3A_570] : memref<2x25x1x80xi32, #tpu.memory_space<vmem>> -> memref<1x1x1x80xi32, #tpu.memory_space<vmem>>
      %dma_wait3A_572 = tpu.memref_squeeze %dma_wait3A_571 : memref<1x1x1x80xi32, #tpu.memory_space<vmem>> -> memref<80xi32, #tpu.memory_space<vmem>>
      %dma_wait3A_573 = arith.constant 0 : i32
      %dma_wait3A_574 = arith.constant 0 : i32
      %dma_wait3A_575 = tpu.memref_slice %arg10[%dma_wait3A_573, %dma_wait3A_574] : memref<10112x128xf32, #tpu.memory_space<vmem_shared>> -> memref<10112x128xf32, #tpu.memory_space<vmem_shared>>
      tpu.wait_indirect_dma semaphore(%run_scoped3A_563 : memref<!tpu.dma_semaphore, #tpu.memory_space<semaphore_mem>>) src(%arg8 : memref<80x128xf32, #tpu.memory_space<vmem>>) dst(%dma_wait3A_575 : memref<10112x128xf32, #tpu.memory_space<vmem_shared>>)
      tpu.yield
    }) : () -> ()
    %barrier3A_562 = arith.constant 0 : index
    tpu.barrier barrier_id(%barrier3A_562)
    "tpu.region"() ({
      %run_scoped3A_563 = tpu.sem_alloc : memref<!tpu.dma_semaphore, #tpu.memory_space<semaphore_mem>>
      %dma_start3A_564 = arith.constant 0 : i32
      %dma_start3A_565 = tpu.memref_slice %arg5[%arg0, %mul3A_2, %dma_start3A_564] : memref<2x10112x128xf32, #tpu.memory_space<hbm>> -> memref<1x632x128xf32, #tpu.memory_space<hbm>>
      %dma_start3A_566 = tpu.memref_squeeze %dma_start3A_565 : memref<1x632x128xf32, #tpu.memory_space<hbm>> -> memref<632x128xf32, #tpu.memory_space<hbm>>
      %dma_start3A_567 = arith.constant 0 : i32
      %dma_start3A_568 = tpu.memref_slice %arg10[%mul3A_2, %dma_start3A_567] : memref<10112x128xf32, #tpu.memory_space<vmem_shared>> -> memref<632x128xf32, #tpu.memory_space<vmem_shared>>
      tpu.enqueue_dma source(%dma_start3A_568 : memref<632x128xf32, #tpu.memory_space<vmem_shared>>) target(%dma_start3A_566 : memref<632x128xf32, #tpu.memory_space<hbm>>) target_semaphore(%run_scoped3A_563 : memref<!tpu.dma_semaphore, #tpu.memory_space<semaphore_mem>>)
      %dma_wait3A_569 = arith.constant 0 : i32
      %dma_wait3A_570 = tpu.memref_slice %arg5[%arg0, %mul3A_2, %dma_wait3A_569] : memref<2x10112x128xf32, #tpu.memory_space<hbm>> -> memref<1x632x128xf32, #tpu.memory_space<hbm>>
      %dma_wait3A_571 = tpu.memref_squeeze %dma_wait3A_570 : memref<1x632x128xf32, #tpu.memory_space<hbm>> -> memref<632x128xf32, #tpu.memory_space<hbm>>
      %dma_wait3A_572 = arith.constant 0 : i32
      %dma_wait3A_573 = tpu.memref_slice %arg10[%mul3A_2, %dma_wait3A_572] : memref<10112x128xf32, #tpu.memory_space<vmem_shared>> -> memref<632x128xf32, #tpu.memory_space<vmem_shared>>
      tpu.wait_dma2 semaphore(%run_scoped3A_563 : memref<!tpu.dma_semaphore, #tpu.memory_space<semaphore_mem>>) src(%dma_wait3A_573 : memref<632x128xf32, #tpu.memory_space<vmem_shared>>) dst(%dma_wait3A_571 : memref<632x128xf32, #tpu.memory_space<hbm>>)
      tpu.yield
    }) : () -> ()
    return
  }
}

#map = affine_map<(d0, d1) -> (0)>
#map1 = affine_map<(d0, d1) -> (0, 0, 0)>
module attributes {stable_mosaic.version = 14 : i64} {
  func.func @deg_kernel(%arg0: i32, %arg1: i32, %arg2: memref<320000xi32, #tpu.memory_space<hbm>>, %arg3: memref<32x1x10000xf32, #tpu.memory_space<hbm>>, %arg4: memref<10000xi32, #tpu.memory_space<vmem>>, %arg5: memref<10000xf32, #tpu.memory_space<vmem>>) attributes {dimension_semantics = [#tpu.dimension_semantics<core_parallel>, #tpu.dimension_semantics<subcore_parallel>], iteration_bounds = array<i64: 2, 16>, scalar_prefetch = 0 : i64, scratch_operands = 2 : i64, tpu.core_type = #tpu.core_type<sc_vector_subcore>, window_params = [{transform_indices = #map}, {transform_indices = #map1}]} {
    %mul3A = arith.constant 2 : i32
    %mul3A_0 = arith.muli %arg1, %mul3A : i32
    %add3A = arith.addi %mul3A_0, %arg0 : i32
    %broadcast_in_dim3A = arith.constant 0.000000e+00 : f32
    %broadcast_in_dim3A_1 = vector.broadcast %broadcast_in_dim3A : f32 to vector<16xf32>
    %scan3A = arith.constant 0 : i32
    %scan3A_2 = arith.constant 0 : i32
    %scan3A_3 = arith.constant 625 : i32
    %scan3A_4 = arith.addi %scan3A_2, %scan3A_3 : i32
    %scan3A_5 = arith.constant 1 : i32
    scf.for %scan3A_17 = %scan3A_2 to %scan3A_4 step %scan3A_5  : i32 {
      %mul3A_18 = arith.constant 16 : i32
      %mul3A_19 = arith.muli %scan3A_17, %mul3A_18 : i32
      %swap3A = arith.index_cast %mul3A_19 : i32 to index
      %swap3A_20 = tpu.vector_load %arg5[%swap3A] {strides = array<i32>} : memref<10000xf32, #tpu.memory_space<vmem>>, vector<16xf32>,
      tpu.vector_store %arg5[%swap3A], %broadcast_in_dim3A_1 {strides = array<i32>} : memref<10000xf32, #tpu.memory_space<vmem>>, vector<16xf32>,
    }
    %scan3A_6 = arith.constant 625 : i32
    %mul3A_7 = arith.constant 10000 : i32
    %mul3A_8 = arith.muli %add3A, %mul3A_7 : i32
    "tpu.region"() ({
      %run_scoped3A_17 = tpu.sem_alloc : memref<!tpu.dma_semaphore, #tpu.memory_space<semaphore_mem>>
      %dma_start3A = tpu.memref_slice %arg2[%mul3A_8] : memref<320000xi32, #tpu.memory_space<hbm>> -> memref<10000xi32, #tpu.memory_space<hbm>>
      %dma_start3A_18 = tpu.memref_slice %arg2[%mul3A_8] : memref<320000xi32, #tpu.memory_space<hbm>> -> memref<10000xi32, #tpu.memory_space<hbm>>
      tpu.enqueue_dma source(%dma_start3A_18 : memref<10000xi32, #tpu.memory_space<hbm>>) target(%arg4 : memref<10000xi32, #tpu.memory_space<vmem>>) target_semaphore(%run_scoped3A_17 : memref<!tpu.dma_semaphore, #tpu.memory_space<semaphore_mem>>)
      %dma_wait3A = tpu.memref_slice %arg2[%mul3A_8] : memref<320000xi32, #tpu.memory_space<hbm>> -> memref<10000xi32, #tpu.memory_space<hbm>>
      %dma_wait3A_19 = tpu.memref_slice %arg2[%mul3A_8] : memref<320000xi32, #tpu.memory_space<hbm>> -> memref<10000xi32, #tpu.memory_space<hbm>>
      tpu.wait_dma2 semaphore(%run_scoped3A_17 : memref<!tpu.dma_semaphore, #tpu.memory_space<semaphore_mem>>) src(%dma_wait3A_19 : memref<10000xi32, #tpu.memory_space<hbm>>) dst(%arg4 : memref<10000xi32, #tpu.memory_space<vmem>>)
      tpu.yield
    }) : () -> ()
    %broadcast_in_dim3A_9 = arith.constant 1.000000e+00 : f32
    %broadcast_in_dim3A_10 = vector.broadcast %broadcast_in_dim3A_9 : f32 to vector<16xf32>
    %scan3A_11 = arith.constant 0 : i32
    %scan3A_12 = arith.constant 0 : i32
    %scan3A_13 = arith.constant 625 : i32
    %scan3A_14 = arith.addi %scan3A_12, %scan3A_13 : i32
    %scan3A_15 = arith.constant 1 : i32
    scf.for %scan3A_17 = %scan3A_12 to %scan3A_14 step %scan3A_15  : i32 {
      %mul3A_18 = arith.constant 16 : i32
      %mul3A_19 = arith.muli %scan3A_17, %mul3A_18 : i32
      %get3A = arith.index_cast %mul3A_19 : i32 to index
      %get3A_20 = tpu.vector_load %arg4[%get3A] {strides = array<i32>} : memref<10000xi32, #tpu.memory_space<vmem>>, vector<16xi32>,
      tpu.vector_store_idx %arg5[%get3A_20], %broadcast_in_dim3A_10 {add = true} : memref<10000xf32, #tpu.memory_space<vmem>>[vector<16xi32>], vector<16xf32>,
    }
    %scan3A_16 = arith.constant 625 : i32
    %run_scoped3A = arith.constant 0 : i32
    "tpu.region"() ({
      %run_scoped3A_17 = tpu.sem_alloc : memref<!tpu.dma_semaphore, #tpu.memory_space<semaphore_mem>>
      %dma_start3A = arith.constant 0 : i32
      %dma_start3A_18 = tpu.memref_slice %arg3[%add3A, %run_scoped3A, %dma_start3A] : memref<32x1x10000xf32, #tpu.memory_space<hbm>> -> memref<1x1x10000xf32, #tpu.memory_space<hbm>>
      %dma_start3A_19 = tpu.memref_squeeze %dma_start3A_18 : memref<1x1x10000xf32, #tpu.memory_space<hbm>> -> memref<10000xf32, #tpu.memory_space<hbm>>
      %dma_start3A_20 = arith.constant 0 : i32
      %dma_start3A_21 = tpu.memref_slice %arg3[%add3A, %run_scoped3A, %dma_start3A_20] : memref<32x1x10000xf32, #tpu.memory_space<hbm>> -> memref<1x1x10000xf32, #tpu.memory_space<hbm>>
      %dma_start3A_22 = tpu.memref_squeeze %dma_start3A_21 : memref<1x1x10000xf32, #tpu.memory_space<hbm>> -> memref<10000xf32, #tpu.memory_space<hbm>>
      tpu.enqueue_dma source(%arg5 : memref<10000xf32, #tpu.memory_space<vmem>>) target(%dma_start3A_22 : memref<10000xf32, #tpu.memory_space<hbm>>) target_semaphore(%run_scoped3A_17 : memref<!tpu.dma_semaphore, #tpu.memory_space<semaphore_mem>>)
      %dma_wait3A = arith.constant 0 : i32
      %dma_wait3A_23 = tpu.memref_slice %arg3[%add3A, %run_scoped3A, %dma_wait3A] : memref<32x1x10000xf32, #tpu.memory_space<hbm>> -> memref<1x1x10000xf32, #tpu.memory_space<hbm>>
      %dma_wait3A_24 = tpu.memref_squeeze %dma_wait3A_23 : memref<1x1x10000xf32, #tpu.memory_space<hbm>> -> memref<10000xf32, #tpu.memory_space<hbm>>
      %dma_wait3A_25 = arith.constant 0 : i32
      %dma_wait3A_26 = tpu.memref_slice %arg3[%add3A, %run_scoped3A, %dma_wait3A_25] : memref<32x1x10000xf32, #tpu.memory_space<hbm>> -> memref<1x1x10000xf32, #tpu.memory_space<hbm>>
      %dma_wait3A_27 = tpu.memref_squeeze %dma_wait3A_26 : memref<1x1x10000xf32, #tpu.memory_space<hbm>> -> memref<10000xf32, #tpu.memory_space<hbm>>
      tpu.wait_dma2 semaphore(%run_scoped3A_17 : memref<!tpu.dma_semaphore, #tpu.memory_space<semaphore_mem>>) src(%arg5 : memref<10000xf32, #tpu.memory_space<vmem>>) dst(%dma_wait3A_27 : memref<10000xf32, #tpu.memory_space<hbm>>)
      tpu.yield
    }) : () -> ()
    return
  }
}

module attributes {stable_mosaic.version = 14 : i64} {
  func.func @body(%arg0: memref<10000x128xf32, #tpu.memory_space<vmem>>, %arg1: memref<128x128xf32, #tpu.memory_space<vmem>>, %arg2: memref<10000x32xf32, #tpu.memory_space<vmem>>, %arg3: memref<10000x128xf32, #tpu.memory_space<vmem>>, %arg4: memref<10000x1xf32, #tpu.memory_space<vmem>>) attributes {dimension_semantics = [], scalar_prefetch = 0 : i64, scratch_operands = 0 : i64, tpu.core_type = #tpu.core_type<tc>} {
    %get3A = arith.constant 0 : index
    %get3A_0 = arith.constant 0 : index
    %get3A_1 = vector.load %arg2[%get3A, %get3A_0] : memref<10000x32xf32, #tpu.memory_space<vmem>>, vector<10000x32xf32>
    %reduce_sum3A = arith.constant dense<0.000000e+00> : vector<10000xf32>
    %reduce_sum3A_2 = vector.multi_reduction <add>, %get3A_1, %reduce_sum3A [1] : vector<10000x32xf32> to vector<10000xf32>
    %broadcast_in_dim3A = vector.shape_cast %reduce_sum3A_2 : vector<10000xf32> to vector<10000x1xf32>
    %add3A = arith.constant 1.000000e+00 : f32
    %add3A_3 = vector.broadcast %add3A : f32 to vector<10000x1xf32>
    %add3A_4 = arith.addf %broadcast_in_dim3A, %add3A_3 : vector<10000x1xf32>
    %rsqrt3A = math.rsqrt %add3A_4 : vector<10000x1xf32>
    %get3A_5 = arith.constant 0 : index
    %get3A_6 = arith.constant 0 : index
    %get3A_7 = vector.load %arg0[%get3A_5, %get3A_6] : memref<10000x128xf32, #tpu.memory_space<vmem>>, vector<10000x128xf32>
    %get3A_8 = arith.constant 0 : index
    %get3A_9 = arith.constant 0 : index
    %get3A_10 = vector.load %arg1[%get3A_8, %get3A_9] : memref<128x128xf32, #tpu.memory_space<vmem>>, vector<128x128xf32>
    %dot_general3A = arith.constant dense<0.000000e+00> : vector<10000x128xf32>
    %dot_general3A_11 = tpu.matmul %get3A_7, %get3A_10, %dot_general3A {dimension_numbers = #tpu.dot_dimension_numbers<[1], [0], [0], [1], [0, 0, 1, 1], [], []>, transpose_lhs_hint = false} : vector<10000x128xf32>, vector<128x128xf32>, vector<10000x128xf32> -> vector<10000x128xf32>
    %mul3A = vector.broadcast %rsqrt3A : vector<10000x1xf32> to vector<10000x128xf32>
    %mul3A_12 = arith.mulf %dot_general3A_11, %mul3A : vector<10000x128xf32>
    %swap3A = arith.constant 0 : index
    %swap3A_13 = arith.constant 0 : index
    %swap3A_14 = vector.load %arg3[%swap3A, %swap3A_13] : memref<10000x128xf32, #tpu.memory_space<vmem>>, vector<10000x128xf32>
    tpu.vector_store %arg3[%swap3A, %swap3A_13], %mul3A_12 {strides = array<i32>} : memref<10000x128xf32, #tpu.memory_space<vmem>>, vector<10000x128xf32>,
    %swap3A_15 = arith.constant 0 : index
    %swap3A_16 = arith.constant 0 : index
    %swap3A_17 = vector.load %arg4[%swap3A_15, %swap3A_16] : memref<10000x1xf32, #tpu.memory_space<vmem>>, vector<10000x1xf32>
    tpu.vector_store %arg4[%swap3A_15, %swap3A_16], %rsqrt3A {strides = array<i32>} : memref<10000x1xf32, #tpu.memory_space<vmem>>, vector<10000x1xf32>,
    return
  }
}

module attributes {stable_mosaic.version = 14 : i64} {
  func.func @body(%arg0: memref<2x10112x128xf32, #tpu.memory_space<vmem>>, %arg1: memref<10000x128xf32, #tpu.memory_space<vmem>>, %arg2: memref<10000x1xf32, #tpu.memory_space<vmem>>, %arg3: memref<10000x128xf32, #tpu.memory_space<vmem>>) attributes {dimension_semantics = [], scalar_prefetch = 0 : i64, scratch_operands = 0 : i64, tpu.core_type = #tpu.core_type<tc>} {
    %get3A = arith.constant 0 : index
    %get3A_0 = arith.constant 0 : index
    %get3A_1 = arith.constant 0 : index
    %get3A_2 = vector.load %arg0[%get3A, %get3A_0, %get3A_1] : memref<2x10112x128xf32, #tpu.memory_space<vmem>>, vector<1x10112x128xf32>
    %get3A_3 = vector.shape_cast %get3A_2 : vector<1x10112x128xf32> to vector<10112x128xf32>
    %get3A_4 = arith.constant 1 : index
    %get3A_5 = arith.constant 0 : index
    %get3A_6 = arith.constant 0 : index
    %get3A_7 = vector.load %arg0[%get3A_4, %get3A_5, %get3A_6] : memref<2x10112x128xf32, #tpu.memory_space<vmem>>, vector<1x10112x128xf32>
    %get3A_8 = vector.shape_cast %get3A_7 : vector<1x10112x128xf32> to vector<10112x128xf32>
    %add3A = arith.addf %get3A_3, %get3A_8 : vector<10112x128xf32>
    %slice3A = vector.extract_strided_slice %add3A {offsets = [0, 0], sizes = [10000, 128], strides = [1, 1]} : vector<10112x128xf32> to vector<10000x128xf32>
    %get3A_9 = arith.constant 0 : index
    %get3A_10 = arith.constant 0 : index
    %get3A_11 = vector.load %arg2[%get3A_9, %get3A_10] : memref<10000x1xf32, #tpu.memory_space<vmem>>, vector<10000x1xf32>
    %get3A_12 = arith.constant 0 : index
    %get3A_13 = arith.constant 0 : index
    %get3A_14 = vector.load %arg1[%get3A_12, %get3A_13] : memref<10000x128xf32, #tpu.memory_space<vmem>>, vector<10000x128xf32>
    %add3A_15 = arith.addf %slice3A, %get3A_14 : vector<10000x128xf32>
    %mul3A = vector.broadcast %get3A_11 : vector<10000x1xf32> to vector<10000x128xf32>
    %mul3A_16 = arith.mulf %mul3A, %add3A_15 : vector<10000x128xf32>
    %swap3A = arith.constant 0 : index
    %swap3A_17 = arith.constant 0 : index
    %swap3A_18 = vector.load %arg3[%swap3A, %swap3A_17] : memref<10000x128xf32, #tpu.memory_space<vmem>>, vector<10000x128xf32>
    tpu.vector_store %arg3[%swap3A, %swap3A_17], %mul3A_16 {strides = array<i32>} : memref<10000x128xf32, #tpu.memory_space<vmem>>, vector<10000x128xf32>,
    return
  }
}

</mosaic_0001>

<sc_bundles>
// kernel: kernel.6.cloned.1.call-start
scs
__scs_entry_jumppad:
0x0: {  	(pc) =	sbr.rel $0x88, $3  }
0x1: {  	(tag) =	ssettag $0x0;
	lr =	simm.s32 $0x1  }
0x2: {  	[smem:$0x3F9E] =	sst lr;
	_ =	strace $0xD0000000  }
0x3: {  	_ = 	snop  }
0x4: {  	_ = 	snop  }
0x5: {  	_ = 	snop  }
0x6: {  	_ = 	snop  }
0x7: {  	_ = 	snop  }
__scs_overlays_trampoline_lowered:
0x8: {  	[smem:$0x3FAD] =	sst s0  }
0x9: {  	[smem:$0x3FAE] =	sst s1  }
0xa: {  	[smem:$0x3FAF] =	sst s2  }
0xb: {  	[smem:$0x3FB0] =	sst s3  }
0xc: {  	[smem:$0x3FB1] =	sst s4  }
0xd: {  	[smem:$0x3FB2] =	sst s5  }
0xe: {  	[smem:$0x3FB3] =	sst s6  }
0xf: {  	[smem:$0x3FB4] =	sst s7  }
0x10: {  	[smem:$0x3FB5] =	sst s8  }
0x11: {  	[smem:$0x3FB6] =	sst s9;
	s0 =	simm.s32 @!p0 $0x0  }
0x12: {  	s1 =	sld [smem:$0x3F9C];
	s0 =	simm.s32 @p0 $0x1  }
0x13: {  	[smem:$0x3FB7] =	sst s0;
	s0 =	simm.s32 @!p1 $0x0  }
0x14: {  	s2 =	sld [smem:$0x3F9B];
	s0 =	simm.s32 @p1 $0x1  }
0x15: {  	[smem:$0x3FB8] =	sst s0;
	s0 =	simm.s32 @!p2 $0x0  }
0x16: {  	s3 =	sld [smem:$0x3FDB];
	s0 =	simm.s32 @p2 $0x1  }
0x17: {  	s4 =	simm.s32 $0x1BF5;
	[smem:$0x3FBA] =	sst s0  }
0x18: {  	s0 =	sld [smem:$0x3F9D];
	_ =	swait.ge [sflag:s4], $0x0  }
0x19: {  	s7 =	sld [smem:$0x3F9E]  }
0x1a: {  	s8 =	sadd.s32 $0xFFFFE003, lr  }
0x1b: {  	s9 =	sadd.s32 $0xFFFFFEF7, lr;
	s5 =	simm.s32 $0xFFFFFFFF;
	p2 =	slt.u32 s8, $0xFFFFF086  }
0x1c: {  	p1 =	slt.u32 s9, $0xF7A;
	s5 =	simm.s32 @!p2 $0x0  }
0x1d: {  	s5 =	simm.s32 @p1 $0x1;
	p0 =	seq.s32 s7, s2  }
0x1e: {  	s7 =	smul.u32 @!p0 $0xF7A, s2;
	p2 =	seq.s32 @!p0 s5, $0x0  }
0x1f: {  	s9 =	smul.u32 $0xF7A, s1;
	s8 =	simm.s32 @!p0 $0x1BF5;
	p2 =	por !p2, p0  }
0x20: {  	[sflag:s8] =	ssyncset.s32 @!p0 $0xFFFFF086;
	s6 =	sadd.s32 @!p0 s3, s7;
	s7 =	simm.s32 @!p0 $0x108  }
0x21: {  	s3 =	sadd.s32 s3, s9;
	s6 =	sadd.s32 @!p0 $0x88, s6;
	s7 =	simm.s32 @p2 $0x1082  }
0x22: {  	[simem:s7], [sflag:s8] =	dma.local @!p0 [hbm:s6], $0xF7A  }
0x23: {  	s9 =	sor.u32 $0xD0000000, s2;
	s6 =	simm.s32 $0x108;
	_ =	swait.ge @!p0 [sflag:s8], $0x0  }
0x24: {  	s3 =	sadd.s32 $0x88, s3;
	s6 =	simm.s32 @!p1 $0x1082;
	[sflag:s4] =	ssyncset.s32 $0xFFFFF086  }
0x25: {  	[simem:s6], [sflag:s4] =	dma.local [hbm:s3], $0xF7A  }
0x26: {  	[smem:$0x3F9E] =	sst s1;
	(tag) =	ssettag s2;
	_ =	strace s9  }
0x27: {  	s1 =	sld [smem:$0x3FAE]  }
0x28: {  	s2 =	sld [smem:$0x3FAF]  }
0x29: {  	s4 =	sld [smem:$0x3FB1]  }
0x2a: {  	p0 =	seq.s32 s5, $0x0;
	s5 =	sld [smem:$0x3FB2]  }
0x2b: {  	s6 =	sld [smem:$0x3FB3]  }
0x2c: {  	s7 =	sld [smem:$0x3FB4]  }
0x2d: {  	s3 =	simm.s32 $0x108;
	s8 =	sld [smem:$0x3FB5]  }
0x2e: {  	s3 =	simm.s32 @!p0 $0x1082;
	s9 =	sld [smem:$0x3FB6]  }
0x2f: {  	lr =	sadd.s32 s0, s3;
	s0 =	sld [smem:$0x3FAD]  }
0x30: {  	s3 =	sld [smem:$0x3FB0]  }
0x31: {  	[smem:$0x3FB9] =	sst s10  }
0x32: {  	s10 =	sld [smem:$0x3FB7];
	_ =	sdelay $0x3  }
0x33: {  	p0 =	seq.s32 s10, $0x1;
	s10 =	sld [smem:$0x3FB9];
	_ =	sdelay $0x3  }
0x34: {  	[smem:$0x3FB9] =	sst s10  }
0x35: {  	s10 =	sld [smem:$0x3FB8];
	_ =	sdelay $0x3  }
0x36: {  	p1 =	seq.s32 s10, $0x1;
	s10 =	sld [smem:$0x3FB9];
	_ =	sdelay $0x3  }
0x37: {  	[smem:$0x3FB9] =	sst s10  }
0x38: {  	s10 =	sld [smem:$0x3FBA]  }
0x39: {  	_ = 	snop;
	(pc) =	sbr.ind lr, $3  }
0x3a: {  	_ = 	snop  }
0x3b: {  	_ = 	snop  }
0x3c: {  	p2 =	seq.s32 s10, $0x1;
	s10 =	sld [smem:$0x3FB9]  }
0x3d: {  	_ =	shalt  }
0x3e: {  	_ =	shalt  }
0x3f: {  	_ =	shalt  }
0x40: {  	_ =	shalt  }
0x41: {  	_ =	shalt  }
0x42: {  	_ =	shalt  }
0x43: {  	_ =	shalt  }
0x44: {  	_ =	shalt  }
0x45: {  	_ =	shalt  }
0x46: {  	_ =	shalt  }
0x47: {  	_ =	shalt  }
0x48: {  	_ =	shalt  }
0x49: {  	_ =	shalt  }
0x4a: {  	_ =	shalt  }
0x4b: {  	_ =	shalt  }
0x4c: {  	_ =	shalt  }
0x4d: {  	_ =	shalt  }
0x4e: {  	_ =	shalt  }
0x4f: {  	_ =	shalt  }
0x50: {  	_ =	shalt  }
0x51: {  	_ =	shalt  }
0x52: {  	_ =	shalt  }
0x53: {  	_ =	shalt  }
0x54: {  	_ =	shalt  }
0x55: {  	_ =	shalt  }
0x56: {  	_ =	shalt  }
0x57: {  	_ =	shalt  }
0x58: {  	_ =	shalt  }
0x59: {  	_ =	shalt  }
0x5a: {  	_ =	shalt  }
0x5b: {  	_ =	shalt  }
0x5c: {  	_ =	shalt  }
0x5d: {  	_ =	shalt  }
0x5e: {  	_ =	shalt  }
0x5f: {  	_ =	shalt  }
0x60: {  	_ =	shalt  }
0x61: {  	_ =	shalt  }
0x62: {  	_ =	shalt  }
0x63: {  	_ =	shalt  }
0x64: {  	_ =	shalt  }
0x65: {  	_ =	shalt  }
0x66: {  	_ =	shalt  }
0x67: {  	_ =	shalt  }
0x68: {  	_ =	shalt  }
0x69: {  	_ =	shalt  }
0x6a: {  	_ =	shalt  }
0x6b: {  	_ =	shalt  }
0x6c: {  	_ =	shalt  }
0x6d: {  	_ =	shalt  }
0x6e: {  	_ =	shalt  }
0x6f: {  	_ =	shalt  }
0x70: {  	_ =	shalt  }
0x71: {  	_ =	shalt  }
0x72: {  	_ =	shalt  }
0x73: {  	_ =	shalt  }
0x74: {  	_ =	shalt  }
0x75: {  	_ =	shalt  }
0x76: {  	_ =	shalt  }
0x77: {  	_ =	shalt  }
0x78: {  	_ =	shalt  }
0x79: {  	_ =	shalt  }
0x7a: {  	_ =	shalt  }
0x7b: {  	_ =	shalt  }
0x7c: {  	_ =	shalt  }
0x7d: {  	_ =	shalt  }
0x7e: {  	_ =	shalt  }
0x7f: {  	_ =	shalt  }
0x80: {  	_ =	shalt  }
0x81: {  	_ =	shalt  }
0x82: {  	_ =	shalt  }
0x83: {  	_ =	shalt  }
0x84: {  	_ =	shalt  }
0x85: {  	_ =	shalt  }
0x86: {  	_ =	shalt  }
0x87: {  	_ =	shalt  }
.Lfunc_end0:
.L_simem_size_0:
called_computation_lowered:
.L_overlay_start_0:
0x88: {  	s2 =	sld [smem:$0x3FD9]  }
0x89: {  	s3 =	sld [smem:$0x3FFE];
	_ =	sdelay $0x1  }
0x8a: {  	s1 =	srdreg.scid  }
0x8b: {  	s0 =	sand.u32 $0x1, s1  }
0x8c: {  	s17 =	sshll.u32 s0, $0xA;
	s2 =	sadd.s32 s3, s2  }
0x8d: {  	s2 =	sadd.s32 s2, s17  }
0x8e: {  	[smem:$0x3FC5] =	sst s2  }
0x8f: {  	_ = 	snop  }
0x90: {  	s2 =	sld [smem:$0x3FD0];
	(tm) =	ssettm $0x1  }
0x91: {  	s18 =	sld [smem:$0x3FFB];
	_ =	sdelay $0x3  }
0x92: {  	_ =	strace s18  }
0x93: {  	s3 =	sld [smem:$0x3FFC];
	_ =	sdelay $0x3  }
0x94: {  	_ =	strace s3  }
0x95: {  	s3 =	sld [smem:$0x3FFD];
	_ =	sdelay $0x3  }
0x96: {  	_ =	strace s3  }
0x97: {  	_ =	strace $0x8FFFFFFF  }
0x98: {  	s19 =	sld [smem:$0x3FDB];
	_ =	sdelay $0x1  }
0x99: {  	s4 =	simm.s32 $_scs_section_size  }
0x9a: {  	s5 =	simm.s32 $_size__tile_overlayer_lowered;
	s6 =	simm.s32 $_tile_overlayer_lowered  }
0x9b: {  	s22 =	simm.s32 $0x1BFF;
	s21 =	sshll.u32 s6, $0x1;
	s3 =	sadd.s32 s4, s19  }
0x9c: {  	s7 =	simm.s32 $0x0;
	s20 =	sshll.u32 s5, $0x1;
	s5 =	sadd.s32 s21, s3  }
0x9d: {  	[timem:s7], [sflag:s22] =	dma.local [hbm:s5], s20  }
0x9e: {  	_ =	swait.ge [sflag:s22], s20  }
0x9f: {  	s4 =	ssub.s32 $0x0, s20;
	[sflag:s22] =	ssyncset.done $0x0  }
0xa0: {  	[sflag:s22] =	ssyncadd.s32 s4;
	_ =	sdelay $0x1  }
0xa1: {  	s23 =	simm.s32 $0x1B8B  }
0xa2: {  	_ =	swait.ge [sflag:s23], $0x1  }
0xa3: {  	[sflag:s23] =	ssyncset.done $0x0  }
0xa4: {  	s25 =	simm.s32 $0x1B8E;
	s24 =	sld [smem:$0x3FFE];
	[sflag:s23] =	ssyncadd.s32 $0xFFFFFFFF  }
0xa5: {  	s26 =	simm.s32 $execute0_lowered;
	[smem:$0x3FD2] =	sst s25  }
0xa6: {  	s5 =	sshll.u32 s26, $0x1;
	_ =	strace $0x80000046;
	[dreg:$0x1] =	wrdreg $0xFFFFFFFF  }
0xa7: {  	s28 =	simm.s32 $_size_execute0_lowered;
	s3 =	sadd.s32 s3, s5;
	[dreg:$0x0] =	wrdreg $0x0  }
0xa8: {  	s5 =	sshll.u32 s28, $0x1;
	[dreg:$0x2] =	wrdreg s3  }
0xa9: {  	[dreg:$0x3] =	wrdreg s5  }
0xaa: {  	[dreg:$0x4] =	wrdreg $0xC0  }
0xab: {  	_ =	task [dreg:s7], $0x5FFFF  }
0xac: {  	[dreg:$0x1] =	wrdreg $0xFFFFFFFF  }
0xad: {  	[dreg:$0x0] =	wrdreg $0x60  }
0xae: {  	[dreg:$0x2] =	wrdreg s24  }
0xaf: {  	[dreg:$0x3] =	wrdreg s2  }
0xb0: {  	[dreg:$0x4] =	wrdreg $0x9  }
0xb1: {  	_ =	task.clear_ibuf [dreg:s7], $0x5FFFF;
	_ =	strace $0x90000046  }
0xb2: {  	s29 =	simm.s32 $0x9;
	_ =	strace $0x80000048  }
0xb3: {  	_ =	swait.ge [sflag:s29], $0x1  }
0xb4: {  	[sflag:s29] =	ssyncadd.s32 $0xFFFFFFFF  }
0xb5: {  	_ =	strace $0x90000048  }
0xb6: {  	_ =	sfence  }
0xb7: {  	s30 =	sld [smem:$0x0];
	_ =	sdelay $0x2  }
0xb8: {  	s31 =	sshll.u32 s1, $0xD;
	s1 =	sshrl.u32 s1, $0x2  }
0xb9: {  	s3 =	sand.u32 $0x4000, s31;
	s1 =	sadd.s32 s1, s30  }
0xba: {  	s0 =	sor.u32 s3, s0;
	s1 =	sshll.u32 s1, $0x11  }
0xbb: {  	s0 =	sor.u32 s1, s0  }
0xbc: {  	s0 =	sadd.s32 $0x8F2B, s0  }
0xbd: {  	[sflag:s0] =	ssyncadd.remote.s32 $0x1  }
0xbe: {  	_ =	sfence.sel $0xFFFF  }
0xbf: {  	[dreg:$0x0] =	wrdreg $0xFFFFFFFF;
	(pc) =	sbr.abs _section_cstart, $3  }
0xc0: {  	[dreg:$0x1] =	wrdreg $0xFFFFFFFF  }
0xc1: {  	_ =	task.clear_ibuf [dreg:s7], $0x2FFFF;
	_ =	strace $0x9FFFFFFF  }
0xc2: {  	(tm) =	ssettm $0x7FFFFFFF  }
0xc3: {  	_ =	shalt  }
tec
execute0_lowered:
.L_overlay_start_1:
0x0: {  	(tag) =	ssettag $0x1  }
0x1: {  	s3 =	rddreg [dreg:$0x0]  }
0x2: {  	s1 =	srdreg.scid;
	s0 =	stileid.u32  }
0x3: {  	s4 =	rddreg [dreg:$0x1];
	s5 =	sand.u32 $0x1, s1;
	s2 =	sshll.u32 s0, $0x1  }
0x4: {  	s1 =	rddreg [dreg:$0x2];
	s6 =	sor.u32 s5, s2  }
0x5: {  	s2 =	simm.s32 $0x0;
	s5 =	ssub.s32 $0x2, s5;
	s7 =	smul.u32 $0x4E2, s6  }
0x6: {  	[smem:$0x7FF] =	sst s2;
	s8 =	sshrl.u32 s5, $0x1;
	s6 =	smul.u32 $0x4F0, s6  }
0x7: {  	_ =	strace $0x80000047;
	s5 =	ssub.s32 s5, s8;
	s8 =	simm.s32 $0x0  }
0x8: {  	s3 =	sadd.s32 s7, s3;
	s4 =	sadd.s32 s4, s6;
	s5 =	smax.u32 s5, $0x1  }
0x9: {  	v0 =	vimm.f32 $0.0e+00;
	v1 =	vimm.f32 $1.000000000e+00;
	s6 =	simm.s32 $0x1;
	s7 =	simm.s32 $0x2780;
	s3 =	sadd.s32 $0x1A00, s3  }
.LBB2_1:
0xa: {  	s9 =	simm.s32 $0x40;
	s10 =	simm.s32 $0x0  }
.LBB2_2:
0xb: {  	p0 =	sne.s32 s9, $0x9C00;
	[tilespmem:s10+$0x2780] =	vst v0;
	s10 =	smov.u32 s9;
	s9 =	sadd.s32 $0x40, s9  }
.Ltmp0:
0xc: {  	(pc) =	sbr.rel @p0 .LBB2_2-.Ltmp0, $2  }
0xd: {  	_ =	sdelay $0x2  }
0xe: {  	s10 =	sshra.s32 s10, $0x2  }
0xf: {  	[tilespmem:s10+$0x2780] =	vst v0;
	s9 =	simm.s32 $0x0  }
0x10: {  	[tilespmem:s9], [sflag:$0x1] =	stream.linear.gather [hbm4b:s3+s9], $0x2710, $0x38;
	[tilespmem:$0x4F00] =	vst v63  }
0x11: {  	_ =	swait.ge [sflag:s6], $0x2710  }
0x12: {  	[sflag:s6] =	ssyncset.done $0x0  }
0x13: {  	s10 =	simm.s32 $0x0;
	s9 =	simm.s32 $0x40;
	[sflag:s6] =	ssyncadd.s32 $0xFFFFD8F0  }
.LBB2_4:
0x14: {  	p0 =	sne.s32 s9, $0x9C00;
	v2 =	vld [tilespmem:s10+$0x0];
	_ =	sdelay $0x3  }
.Ltmp1:
0x15: {  	(pc) =	sbr.rel @p0 .LBB2_4-.Ltmp1, $2  }
0x16: {  	_ =	sdelay $0x2  }
0x17: {  	s10 =	sshra.s32 s9, $0x2;
	s9 =	sadd.s32 $0x40, s9;
	[tilespmem:v2+s7+$0x0] =	vst.idx.add.f32.msk $0xffff, v1  }
0x18: {  	v2 =	vld [tilespmem:s10+$0x0];
	_ =	sdelay $0x5  }
0x19: {  	s8 =	sadd.s32 $0x1, s8  }
0x1a: {  	p0 =	sne.s32 s8, s5  }
.Ltmp2:
0x1b: {  	[tilespmem:v2+s7+$0x0] =	vst.idx.add.f32.msk $0xffff, v1;
	(pc) =	sbr.rel @p0 .LBB2_1-.Ltmp2, $4  }
0x1c: {  	[hbm4b:s4+s2] =	stream.linear.scatter [tilespmem:s7], [sflag:$0x1], $0x2780, $0x38;
	[tilespmem:$0x4F00] =	vst v63  }
0x1d: {  	_ =	swait.ge [sflag:s6], $0x2780  }
0x1e: {  	[sflag:s6] =	ssyncset.done $0x0  }
0x1f: {  	[sflag:s6] =	ssyncadd.s32 $0xFFFFD880  }
0x20: {  	_ =	sfence.sel $0x180000  }
0x21: {  	[bflag:$0x0] =	sbarrier.arrive $0xFFFF  }
0x22: {  	p0 =	sne.s32 s0, $0x0;
	_ =	strace $0x90000047  }
0x23: {  	s0 =	sadd.s32 @!p0 $0x100000, s1;
	[bflag:$0x2] =	sbarrier.arrive $0xFFFF  }
0x24: {  	[sflag:s0] =	ssyncadd.tile.s32 @!p0 $0x1;
	_ =	shalt  }
.Lfunc_end2:
_tile_overlayer_lowered:
.L_overlay_start_2:
0x25: {  	(tag) =	ssettag $0x2  }
0x26: {  	s0 =	rddreg [dreg:$0x0];
	s2 =	stileid.u32  }
0x27: {  	s1 =	rddreg [dreg:$0x1];
	p0 =	sne.s32 s2, $0x0  }
0x28: {  	s3 =	rddreg [dreg:$0x2];
	[bflag:$0x3] =	sbarrier.arrive $0xFFFF;
	s2 =	simm.s32 @!p0 $0x1C01  }
0x29: {  	[timem:s3], [sflag:s2] =	dma.local @!p0 [hbm:s0], s1  }
0x2a: {  	s0 =	simm.s32 @!p0 $0x1  }
0x2b: {  	_ =	swait.ge @!p0 [sflag:s0], s1  }
0x2c: {  	s1 =	ssub.s32 @!p0 $0x0, s1;
	[sflag:s0] =	ssyncset.done @!p0 $0x0  }
0x2d: {  	[sflag:s0] =	ssyncadd.s32 @!p0 s1  }
0x2e: {  	[bflag:$0x3] =	sbarrier.arrive $0xFFFF  }
0x2f: {  	_ =	shalt  }

// kernel: kernel.9.cloned.1.call-start
scs
__scs_entry_jumppad:
0x0: {  	(pc) =	sbr.rel $0x88, $3  }
0x1: {  	(tag) =	ssettag $0x0;
	lr =	simm.s32 $0x1  }
0x2: {  	[smem:$0x3F9E] =	sst lr;
	_ =	strace $0xD0000000  }
0x3: {  	_ = 	snop  }
0x4: {  	_ = 	snop  }
0x5: {  	_ = 	snop  }
0x6: {  	_ = 	snop  }
0x7: {  	_ = 	snop  }
__scs_overlays_trampoline_lowered:
0x8: {  	[smem:$0x3FAD] =	sst s0  }
0x9: {  	[smem:$0x3FAE] =	sst s1  }
0xa: {  	[smem:$0x3FAF] =	sst s2  }
0xb: {  	[smem:$0x3FB0] =	sst s3  }
0xc: {  	[smem:$0x3FB1] =	sst s4  }
0xd: {  	[smem:$0x3FB2] =	sst s5  }
0xe: {  	[smem:$0x3FB3] =	sst s6  }
0xf: {  	[smem:$0x3FB4] =	sst s7  }
0x10: {  	[smem:$0x3FB5] =	sst s8  }
0x11: {  	[smem:$0x3FB6] =	sst s9;
	s0 =	simm.s32 @!p0 $0x0  }
0x12: {  	s1 =	sld [smem:$0x3F9C];
	s0 =	simm.s32 @p0 $0x1  }
0x13: {  	[smem:$0x3FB7] =	sst s0;
	s0 =	simm.s32 @!p1 $0x0  }
0x14: {  	s2 =	sld [smem:$0x3F9B];
	s0 =	simm.s32 @p1 $0x1  }
0x15: {  	[smem:$0x3FB8] =	sst s0;
	s0 =	simm.s32 @!p2 $0x0  }
0x16: {  	s3 =	sld [smem:$0x3FDB];
	s0 =	simm.s32 @p2 $0x1  }
0x17: {  	s4 =	simm.s32 $0x1BF5;
	[smem:$0x3FBA] =	sst s0  }
0x18: {  	s0 =	sld [smem:$0x3F9D];
	_ =	swait.ge [sflag:s4], $0x0  }
0x19: {  	s7 =	sld [smem:$0x3F9E]  }
0x1a: {  	s8 =	sadd.s32 $0xFFFFE003, lr  }
0x1b: {  	s9 =	sadd.s32 $0xFFFFFEF7, lr;
	s5 =	simm.s32 $0xFFFFFFFF;
	p2 =	slt.u32 s8, $0xFFFFF086  }
0x1c: {  	p1 =	slt.u32 s9, $0xF7A;
	s5 =	simm.s32 @!p2 $0x0  }
0x1d: {  	s5 =	simm.s32 @p1 $0x1;
	p0 =	seq.s32 s7, s2  }
0x1e: {  	s7 =	smul.u32 @!p0 $0xF7A, s2;
	p2 =	seq.s32 @!p0 s5, $0x0  }
0x1f: {  	s9 =	smul.u32 $0xF7A, s1;
	s8 =	simm.s32 @!p0 $0x1BF5;
	p2 =	por !p2, p0  }
0x20: {  	[sflag:s8] =	ssyncset.s32 @!p0 $0xFFFFF086;
	s6 =	sadd.s32 @!p0 s3, s7;
	s7 =	simm.s32 @!p0 $0x108  }
0x21: {  	s3 =	sadd.s32 s3, s9;
	s6 =	sadd.s32 @!p0 $0x88, s6;
	s7 =	simm.s32 @p2 $0x1082  }
0x22: {  	[simem:s7], [sflag:s8] =	dma.local @!p0 [hbm:s6], $0xF7A  }
0x23: {  	s9 =	sor.u32 $0xD0000000, s2;
	s6 =	simm.s32 $0x108;
	_ =	swait.ge @!p0 [sflag:s8], $0x0  }
0x24: {  	s3 =	sadd.s32 $0x88, s3;
	s6 =	simm.s32 @!p1 $0x1082;
	[sflag:s4] =	ssyncset.s32 $0xFFFFF086  }
0x25: {  	[simem:s6], [sflag:s4] =	dma.local [hbm:s3], $0xF7A  }
0x26: {  	[smem:$0x3F9E] =	sst s1;
	(tag) =	ssettag s2;
	_ =	strace s9  }
0x27: {  	s1 =	sld [smem:$0x3FAE]  }
0x28: {  	s2 =	sld [smem:$0x3FAF]  }
0x29: {  	s4 =	sld [smem:$0x3FB1]  }
0x2a: {  	p0 =	seq.s32 s5, $0x0;
	s5 =	sld [smem:$0x3FB2]  }
0x2b: {  	s6 =	sld [smem:$0x3FB3]  }
0x2c: {  	s7 =	sld [smem:$0x3FB4]  }
0x2d: {  	s3 =	simm.s32 $0x108;
	s8 =	sld [smem:$0x3FB5]  }
0x2e: {  	s3 =	simm.s32 @!p0 $0x1082;
	s9 =	sld [smem:$0x3FB6]  }
0x2f: {  	lr =	sadd.s32 s0, s3;
	s0 =	sld [smem:$0x3FAD]  }
0x30: {  	s3 =	sld [smem:$0x3FB0]  }
0x31: {  	[smem:$0x3FB9] =	sst s10  }
0x32: {  	s10 =	sld [smem:$0x3FB7];
	_ =	sdelay $0x3  }
0x33: {  	p0 =	seq.s32 s10, $0x1;
	s10 =	sld [smem:$0x3FB9];
	_ =	sdelay $0x3  }
0x34: {  	[smem:$0x3FB9] =	sst s10  }
0x35: {  	s10 =	sld [smem:$0x3FB8];
	_ =	sdelay $0x3  }
0x36: {  	p1 =	seq.s32 s10, $0x1;
	s10 =	sld [smem:$0x3FB9];
	_ =	sdelay $0x3  }
0x37: {  	[smem:$0x3FB9] =	sst s10  }
0x38: {  	s10 =	sld [smem:$0x3FBA]  }
0x39: {  	_ = 	snop;
	(pc) =	sbr.ind lr, $3  }
0x3a: {  	_ = 	snop  }
0x3b: {  	_ = 	snop  }
0x3c: {  	p2 =	seq.s32 s10, $0x1;
	s10 =	sld [smem:$0x3FB9]  }
0x3d: {  	_ =	shalt  }
0x3e: {  	_ =	shalt  }
0x3f: {  	_ =	shalt  }
0x40: {  	_ =	shalt  }
0x41: {  	_ =	shalt  }
0x42: {  	_ =	shalt  }
0x43: {  	_ =	shalt  }
0x44: {  	_ =	shalt  }
0x45: {  	_ =	shalt  }
0x46: {  	_ =	shalt  }
0x47: {  	_ =	shalt  }
0x48: {  	_ =	shalt  }
0x49: {  	_ =	shalt  }
0x4a: {  	_ =	shalt  }
0x4b: {  	_ =	shalt  }
0x4c: {  	_ =	shalt  }
0x4d: {  	_ =	shalt  }
0x4e: {  	_ =	shalt  }
0x4f: {  	_ =	shalt  }
0x50: {  	_ =	shalt  }
0x51: {  	_ =	shalt  }
0x52: {  	_ =	shalt  }
0x53: {  	_ =	shalt  }
0x54: {  	_ =	shalt  }
0x55: {  	_ =	shalt  }
0x56: {  	_ =	shalt  }
0x57: {  	_ =	shalt  }
0x58: {  	_ =	shalt  }
0x59: {  	_ =	shalt  }
0x5a: {  	_ =	shalt  }
0x5b: {  	_ =	shalt  }
0x5c: {  	_ =	shalt  }
0x5d: {  	_ =	shalt  }
0x5e: {  	_ =	shalt  }
0x5f: {  	_ =	shalt  }
0x60: {  	_ =	shalt  }
0x61: {  	_ =	shalt  }
0x62: {  	_ =	shalt  }
0x63: {  	_ =	shalt  }
0x64: {  	_ =	shalt  }
0x65: {  	_ =	shalt  }
0x66: {  	_ =	shalt  }
0x67: {  	_ =	shalt  }
0x68: {  	_ =	shalt  }
0x69: {  	_ =	shalt  }
0x6a: {  	_ =	shalt  }
0x6b: {  	_ =	shalt  }
0x6c: {  	_ =	shalt  }
0x6d: {  	_ =	shalt  }
0x6e: {  	_ =	shalt  }
0x6f: {  	_ =	shalt  }
0x70: {  	_ =	shalt  }
0x71: {  	_ =	shalt  }
0x72: {  	_ =	shalt  }
0x73: {  	_ =	shalt  }
0x74: {  	_ =	shalt  }
0x75: {  	_ =	shalt  }
0x76: {  	_ =	shalt  }
0x77: {  	_ =	shalt  }
0x78: {  	_ =	shalt  }
0x79: {  	_ =	shalt  }
0x7a: {  	_ =	shalt  }
0x7b: {  	_ =	shalt  }
0x7c: {  	_ =	shalt  }
0x7d: {  	_ =	shalt  }
0x7e: {  	_ =	shalt  }
0x7f: {  	_ =	shalt  }
0x80: {  	_ =	shalt  }
0x81: {  	_ =	shalt  }
0x82: {  	_ =	shalt  }
0x83: {  	_ =	shalt  }
0x84: {  	_ =	shalt  }
0x85: {  	_ =	shalt  }
0x86: {  	_ =	shalt  }
0x87: {  	_ =	shalt  }
.Lfunc_end0:
.L_simem_size_0:
called_computation.1_lowered:
.L_overlay_start_0:
0x88: {  	s2 =	sld [smem:$0x3FD9]  }
0x89: {  	s3 =	sld [smem:$0x3FFE];
	_ =	sdelay $0x1  }
0x8a: {  	s1 =	srdreg.scid  }
0x8b: {  	s0 =	sand.u32 $0x1, s1  }
0x8c: {  	s17 =	sshll.u32 s0, $0xA;
	s2 =	sadd.s32 s3, s2  }
0x8d: {  	s2 =	sadd.s32 s2, s17  }
0x8e: {  	[smem:$0x3FC5] =	sst s2  }
0x8f: {  	_ = 	snop  }
0x90: {  	s2 =	sld [smem:$0x3FD0];
	(tm) =	ssettm $0x1  }
0x91: {  	s18 =	sld [smem:$0x3FFB];
	_ =	sdelay $0x3  }
0x92: {  	_ =	strace s18  }
0x93: {  	s3 =	sld [smem:$0x3FFC];
	_ =	sdelay $0x3  }
0x94: {  	_ =	strace s3  }
0x95: {  	s3 =	sld [smem:$0x3FFD];
	_ =	sdelay $0x3  }
0x96: {  	_ =	strace s3  }
0x97: {  	_ =	strace $0x8FFFFFFF  }
0x98: {  	s19 =	sld [smem:$0x3FDB];
	_ =	sdelay $0x1  }
0x99: {  	s4 =	simm.s32 $_scs_section_size  }
0x9a: {  	s5 =	simm.s32 $_size__tile_overlayer_lowered;
	s6 =	simm.s32 $_tile_overlayer_lowered  }
0x9b: {  	s22 =	simm.s32 $0x1BFF;
	s21 =	sshll.u32 s6, $0x1;
	s3 =	sadd.s32 s4, s19  }
0x9c: {  	s7 =	simm.s32 $0x0;
	s20 =	sshll.u32 s5, $0x1;
	s5 =	sadd.s32 s21, s3  }
0x9d: {  	[timem:s7], [sflag:s22] =	dma.local [hbm:s5], s20  }
0x9e: {  	_ =	swait.ge [sflag:s22], s20  }
0x9f: {  	s4 =	ssub.s32 $0x0, s20;
	[sflag:s22] =	ssyncset.done $0x0  }
0xa0: {  	[sflag:s22] =	ssyncadd.s32 s4;
	_ =	sdelay $0x1  }
0xa1: {  	s23 =	simm.s32 $0x1B8B  }
0xa2: {  	_ =	swait.ge [sflag:s23], $0x1  }
0xa3: {  	[sflag:s23] =	ssyncset.done $0x0  }
0xa4: {  	s25 =	simm.s32 $0x1B8E;
	s24 =	sld [smem:$0x3FFE];
	[sflag:s23] =	ssyncadd.s32 $0xFFFFFFFF  }
0xa5: {  	s26 =	simm.s32 $execute0_lowered;
	[smem:$0x3FD2] =	sst s25  }
0xa6: {  	s5 =	sshll.u32 s26, $0x1;
	_ =	strace $0x80000049;
	[dreg:$0x1] =	wrdreg $0xFFFFFFFF  }
0xa7: {  	s28 =	simm.s32 $_size_execute0_lowered;
	s3 =	sadd.s32 s3, s5;
	[dreg:$0x0] =	wrdreg $0x0  }
0xa8: {  	s5 =	sshll.u32 s28, $0x1;
	[dreg:$0x2] =	wrdreg s3  }
0xa9: {  	[dreg:$0x3] =	wrdreg s5  }
0xaa: {  	[dreg:$0x4] =	wrdreg $0xC0  }
0xab: {  	_ =	task [dreg:s7], $0x5FFFF  }
0xac: {  	[dreg:$0x1] =	wrdreg $0xFFFFFFFF  }
0xad: {  	[dreg:$0x0] =	wrdreg $0x60  }
0xae: {  	[dreg:$0x2] =	wrdreg s24  }
0xaf: {  	[dreg:$0x3] =	wrdreg s2  }
0xb0: {  	[dreg:$0x4] =	wrdreg $0x82000  }
0xb1: {  	[dreg:$0x5] =	wrdreg $0x9  }
0xb2: {  	_ =	task.clear_ibuf [dreg:s7], $0x6FFFF;
	_ =	strace $0x90000049  }
0xb3: {  	s29 =	simm.s32 $0x9;
	_ =	strace $0x8000004B  }
0xb4: {  	_ =	swait.ge [sflag:s29], $0x1  }
0xb5: {  	[sflag:s29] =	ssyncadd.s32 $0xFFFFFFFF  }
0xb6: {  	_ =	strace $0x9000004B  }
0xb7: {  	_ =	sfence  }
0xb8: {  	s30 =	sld [smem:$0x0];
	_ =	sdelay $0x2  }
0xb9: {  	s31 =	sshll.u32 s1, $0xD;
	s1 =	sshrl.u32 s1, $0x2  }
0xba: {  	s3 =	sand.u32 $0x4000, s31;
	s1 =	sadd.s32 s1, s30  }
0xbb: {  	s0 =	sor.u32 s3, s0;
	s1 =	sshll.u32 s1, $0x11  }
0xbc: {  	s0 =	sor.u32 s1, s0  }
0xbd: {  	s0 =	sadd.s32 $0x8F2B, s0  }
0xbe: {  	[sflag:s0] =	ssyncadd.remote.s32 $0x1  }
0xbf: {  	_ =	sfence.sel $0xFFFF  }
0xc0: {  	[dreg:$0x0] =	wrdreg $0xFFFFFFFF;
	(pc) =	sbr.abs _section_cstart, $3  }
0xc1: {  	[dreg:$0x1] =	wrdreg $0xFFFFFFFF  }
0xc2: {  	_ =	task.clear_ibuf [dreg:s7], $0x2FFFF;
	_ =	strace $0x9FFFFFFF  }
0xc3: {  	(tm) =	ssettm $0x7FFFFFFF  }
tec
execute0_lowered:
.L_overlay_start_1:
0x0: {  	(tag) =	ssettag $0x1  }
0x1: {  	s0 =	rddreg [dreg:$0x0]  }
0x2: {  	s1 =	rddreg [dreg:$0x1]  }
0x3: {  	s2 =	rddreg [dreg:$0x2]  }
0x4: {  	s4 =	simm.s32 $0x0;
	s3 =	srdreg.scid;
	s10 =	stileid.u32  }
0x5: {  	s28 =	simm.s32 $0x4;
	s3 =	sand.u32 $0x1, s3;
	s6 =	smul.u32 $0x13C00, s10  }
0x6: {  	s29 =	simm.s32 $0x3;
	s9 =	sshll.u32 s10, $0x1;
	s5 =	smul.u32 $0x13C000, s3  }
0x7: {  	s30 =	simm.s32 $0x50;
	s31 =	simm.s32 $0xC80;
	s11 =	sor.u32 s3, s9  }
0x8: {  	[smem:$0x7FF] =	sst s4;
	s5 =	sadd.s32 s6, s5;
	s6 =	smul.u32 $0x3E80, s11  }
0x9: {  	s7 =	sadd.s32 $0x1B200, s0;
	s8 =	sadd.s32 $0xB800, s0;
	s12 =	smul.u32 $0x4F000, s10  }
0xa: {  	_ =	strace $0x8000004A;
	s5 =	sshrl.u32 s5, $0x3;
	s6 =	sshrl.u32 s6, $0x3  }
0xb: {  	s9 =	sshrl.u32 s12, $0x2;
	s0 =	sadd.s32 s5, s0;
	s14 =	sadd.s32 s7, s6  }
0xc: {  	s5 =	sadd.s32 s9, s2;
	s15 =	sadd.s32 s8, s6;
	[dreg:$0x4] =	wrdreg s14  }
0xd: {  	s10 =	simm.s32 $0x0;
	s16 =	sadd.s32 $0x2800, s5;
	[dreg:$0x5] =	wrdreg s15  }
0xe: {  	s3 =	ssub.s32 $0x2, s3;
	s17 =	sadd.s32 $0x5000, s5;
	[dreg:$0x6] =	wrdreg s16  }
0xf: {  	s13 =	sshrl.u32 s3, $0x1;
	s18 =	sadd.s32 $0x7800, s5;
	[dreg:$0x7] =	wrdreg s17  }
0x10: {  	s3 =	ssub.s32 s3, s13;
	s19 =	sadd.s32 $0xA000, s5;
	[dreg:$0x8] =	wrdreg s18  }
0x11: {  	s9 =	simm.s32 $0x3180;
	s20 =	sadd.s32 $0xC800, s5;
	[dreg:$0x9] =	wrdreg s19  }
0x12: {  	s21 =	sadd.s32 $0xF000, s5;
	s22 =	sadd.s32 $0x190, s6;
	[dreg:$0xa] =	wrdreg s20  }
0x13: {  	s23 =	sadd.s32 $0x11800, s5;
	s25 =	sadd.s32 $0x320, s6;
	[dreg:$0xb] =	wrdreg s21  }
0x14: {  	s26 =	sadd.s32 $0x4B0, s6;
	s6 =	sadd.s32 $0x640, s6;
	[dreg:$0xc] =	wrdreg s23  }
0x15: {  	s24 =	sadd.s32 s7, s22;
	s16 =	sadd.s32 s8, s22;
	s17 =	sadd.s32 s7, s25  }
0x16: {  	s18 =	sadd.s32 s8, s25;
	s19 =	sadd.s32 s7, s26;
	s20 =	sadd.s32 s8, s26  }
0x17: {  	s21 =	sadd.s32 s7, s6;
	s22 =	sadd.s32 s8, s6;
	s23 =	sadd.s32 $0x2AC00, s0  }
0x18: {  	s25 =	simm.s32 $0x1900;
	s26 =	simm.s32 $0x3200;
	s0 =	simm.s32 $0x2580  }
0x19: {  	s6 =	simm.s32 $0x1;
	s7 =	simm.s32 $0x2;
	s8 =	simm.s32 $0x2500  }
0x1a: {  	v0 =	vimm.f32 $0.0e+00;
	[dreg:$0xd] =	wrdreg s24;
	s24 =	smax.u32 s3, $0x1;
	s3 =	simm.s32 $0x5A00  }
.LBB2_1:
0x1b: {  	s11 =	rddreg [dreg:$0x4]  }
0x1c: {  	[tilespmem:s4], [sflag:$0x3] =	stream.linear.gather [hbm4b:s11+s4], $0xC80, $0x38;
	[tilespmem:$0x1BE00] =	vst v63  }
0x1d: {  	s15 =	rddreg [dreg:$0x5];
	s12 =	simm.s32 $0x200;
	s11 =	simm.s32 $0x0  }
0x1e: {  	[tilespmem:s25], [sflag:$0x3] =	stream.linear.gather [hbm4b:s15+s4], $0xC80, $0x38;
	[tilespmem:$0x1BE00] =	vst v63  }
.LBB2_2:
0x1f: {  	p0 =	sne.s32 s12, $0x9E00;
	[tilespmem:s11+$0x3270] =	vst v0  }
0x20: {  	[tilespmem:s11+$0x3200] =	vst v0  }
0x21: {  	[tilespmem:s11+$0x3210] =	vst v0  }
.Ltmp0:
0x22: {  	[tilespmem:s11+$0x3220] =	vst v0;
	(pc) =	sbr.rel @p0 .LBB2_2-.Ltmp0, $4  }
0x23: {  	[tilespmem:s11+$0x3230] =	vst v0  }
0x24: {  	[tilespmem:s11+$0x3240] =	vst v0  }
0x25: {  	[tilespmem:s11+$0x3250] =	vst v0  }
0x26: {  	[tilespmem:s11+$0x3260] =	vst v0;
	s11 =	sshra.s32 s12, $0x2;
	s12 =	sadd.s32 $0x200, s12  }
0x27: {  	[tilespmem:s11+$0x3270] =	vst v0  }
0x28: {  	[tilespmem:s11+$0x3200] =	vst v0  }
0x29: {  	[tilespmem:s11+$0x3210] =	vst v0  }
0x2a: {  	[tilespmem:s11+$0x3220] =	vst v0  }
0x2b: {  	[tilespmem:s11+$0x3230] =	vst v0  }
0x2c: {  	[tilespmem:s11+$0x3240] =	vst v0  }
0x2d: {  	[tilespmem:s11+$0x3250] =	vst v0  }
0x2e: {  	[tilespmem:s11+$0x3260] =	vst v0  }
0x2f: {  	[spmem:s5] =	stream.linear.scatter [tilespmem:s26], [sflag:$0x4], $0x2800, $0x38;
	[tilespmem:$0x1BE00] =	vst v63  }
0x30: {  	_ =	swait.ge [sflag:s28], $0x2800  }
0x31: {  	[sflag:s28] =	ssyncset.done $0x0  }
0x32: {  	s12 =	rddreg [dreg:$0x6];
	[sflag:s28] =	ssyncadd.s32 $0xFFFFD800  }
0x33: {  	[spmem:s12] =	stream.linear.scatter [tilespmem:s26], [sflag:$0x4], $0x2800, $0x38;
	[tilespmem:$0x1BE00] =	vst v63  }
0x34: {  	_ =	swait.ge [sflag:s28], $0x2800  }
0x35: {  	[sflag:s28] =	ssyncset.done $0x0  }
0x36: {  	s13 =	rddreg [dreg:$0x7];
	[sflag:s28] =	ssyncadd.s32 $0xFFFFD800  }
0x37: {  	[spmem:s13] =	stream.linear.scatter [tilespmem:s26], [sflag:$0x4], $0x2800, $0x38;
	[tilespmem:$0x1BE00] =	vst v63  }
0x38: {  	_ =	swait.ge [sflag:s28], $0x2800  }
0x39: {  	[sflag:s28] =	ssyncset.done $0x0  }
0x3a: {  	s14 =	rddreg [dreg:$0x8];
	[sflag:s28] =	ssyncadd.s32 $0xFFFFD800  }
0x3b: {  	[spmem:s14] =	stream.linear.scatter [tilespmem:s26], [sflag:$0x4], $0x2800, $0x38;
	[tilespmem:$0x1BE00] =	vst v63  }
0x3c: {  	_ =	swait.ge [sflag:s28], $0x2800  }
0x3d: {  	[sflag:s28] =	ssyncset.done $0x0  }
0x3e: {  	s15 =	rddreg [dreg:$0x9];
	[sflag:s28] =	ssyncadd.s32 $0xFFFFD800  }
0x3f: {  	[spmem:s15] =	stream.linear.scatter [tilespmem:s26], [sflag:$0x4], $0x2800, $0x38;
	[tilespmem:$0x1BE00] =	vst v63  }
0x40: {  	_ =	swait.ge [sflag:s28], $0x2800  }
0x41: {  	[sflag:s28] =	ssyncset.done $0x0  }
0x42: {  	s12 =	rddreg [dreg:$0xa];
	[sflag:s28] =	ssyncadd.s32 $0xFFFFD800  }
0x43: {  	[spmem:s12] =	stream.linear.scatter [tilespmem:s26], [sflag:$0x4], $0x2800, $0x38;
	[tilespmem:$0x1BE00] =	vst v63  }
0x44: {  	_ =	swait.ge [sflag:s28], $0x2800  }
0x45: {  	[sflag:s28] =	ssyncset.done $0x0  }
0x46: {  	s13 =	rddreg [dreg:$0xb];
	[sflag:s28] =	ssyncadd.s32 $0xFFFFD800  }
0x47: {  	[spmem:s13] =	stream.linear.scatter [tilespmem:s26], [sflag:$0x4], $0x2800, $0x38;
	[tilespmem:$0x1BE00] =	vst v63  }
0x48: {  	_ =	swait.ge [sflag:s28], $0x2800  }
0x49: {  	[sflag:s28] =	ssyncset.done $0x0  }
0x4a: {  	s14 =	rddreg [dreg:$0xc];
	[sflag:s28] =	ssyncadd.s32 $0xFFFFD800  }
0x4b: {  	[spmem:s14] =	stream.linear.scatter [tilespmem:s26], [sflag:$0x4], $0x2400, $0x38;
	[tilespmem:$0x1BE00] =	vst v63  }
0x4c: {  	_ =	swait.ge [sflag:s28], $0x2400  }
0x4d: {  	[sflag:s28] =	ssyncset.done $0x0  }
0x4e: {  	[sflag:s28] =	ssyncadd.s32 $0xFFFFDC00  }
0x4f: {  	_ =	swait.ge [sflag:s29], $0xC80  }
0x50: {  	[sflag:s29] =	ssyncset.done $0x0  }
0x51: {  	[sflag:s29] =	ssyncadd.s32 $0xFFFFF380  }
0x52: {  	_ =	swait.ge [sflag:s29], $0xC80  }
0x53: {  	[sflag:s29] =	ssyncset.done $0x0  }
0x54: {  	[sflag:s29] =	ssyncadd.s32 $0xFFFFF380  }
0x55: {  	s15 =	simm.s32 $0x0;
	[bflag:$0x0] =	sbarrier.arrive $0xFFFF  }
0x56: {  	[tilespmem:s26], [sflag:$0x1] =	stream.indirect.gather [hbm4b:s1+s30], $0x80, s15, s30, $0xb8;
	[tilespmem:$0x1BE00] =	vst v63  }
0x57: {  	s12 =	rddreg [dreg:$0xd]  }
0x58: {  	[tilespmem:s31], [sflag:$0x3] =	stream.linear.gather [hbm4b:s12+s15], $0xC80, $0x38;
	[tilespmem:$0x1BE00] =	vst v63  }
0x59: {  	_ = 	snop  }
0x5a: {  	[tilespmem:s0], [sflag:$0x3] =	stream.linear.gather [hbm4b:s16+s15], $0xC80, $0x38;
	[tilespmem:$0x1BE00] =	vst v63  }
0x5b: {  	s12 =	simm.s32 $0x80  }
0x5c: {  	[tilespmem:s3], [sflag:$0x2] =	stream.indirect.gather [hbm4b:s1+s30], $0x80, s12, s30, $0xb8;
	[tilespmem:$0x1BE00] =	vst v63  }
0x5d: {  	_ =	swait.ge [sflag:s6], $0x2800  }
0x5e: {  	[sflag:s6] =	ssyncset.done $0x0  }
0x5f: {  	s13 =	simm.s32 $0x1900;
	[sflag:s6] =	ssyncadd.s32 $0xFFFFD800  }
0x60: {  	[spmem:s2] =	stream.indirect.scatter.add.f32 [tilespmem:s26], [sflag:$0x4], $0x80, s13, s30, $0xb8;
	[tilespmem:$0x1BE00] =	vst v63  }
0x61: {  	_ =	swait.ge [sflag:s28], $0x2800  }
0x62: {  	[sflag:s28] =	ssyncset.done $0x0  }
0x63: {  	s14 =	simm.s32 $0x100;
	[sflag:s28] =	ssyncadd.s32 $0xFFFFD800  }
0x64: {  	[tilespmem:s26], [sflag:$0x1] =	stream.indirect.gather [hbm4b:s1+s30], $0x80, s14, s30, $0xb8;
	[tilespmem:$0x1BE00] =	vst v63  }
0x65: {  	_ =	swait.ge [sflag:s7], $0x2800  }
0x66: {  	[sflag:s7] =	ssyncset.done $0x0  }
0x67: {  	s15 =	simm.s32 $0x1980;
	[sflag:s7] =	ssyncadd.s32 $0xFFFFD800  }
0x68: {  	[spmem:s2] =	stream.indirect.scatter.add.f32 [tilespmem:s3], [sflag:$0x4], $0x80, s15, s30, $0xb8;
	[tilespmem:$0x1BE00] =	vst v63  }
0x69: {  	_ =	swait.ge [sflag:s28], $0x2800  }
0x6a: {  	s11 =	simm.s32 $0x100;
	s12 =	simm.s32 $0x800;
	[sflag:s28] =	ssyncset.done $0x0  }
.LBB2_4:
0x6b: {  	s13 =	sadd.s32 $0x80, s11  }
0x6c: {  	[sflag:s28] =	ssyncadd.s32 $0xFFFFD800;
	s14 =	smov.u32 s12;
	s15 =	sadd.s32 $0x400, s12  }
0x6d: {  	[tilespmem:s3], [sflag:$0x2] =	stream.indirect.gather [hbm4b:s1+s30], $0x80, s13, s30, $0xb8;
	[tilespmem:$0x1BE00] =	vst v63  }
0x6e: {  	p0 =	sne.s32 s12, $0x2C00;
	_ =	swait.ge [sflag:s6], $0x2800  }
0x6f: {  	[sflag:s6] =	ssyncset.done $0x0  }
0x70: {  	s12 =	sadd.s32 $0x1900, s11;
	[sflag:s6] =	ssyncadd.s32 $0xFFFFD800  }
0x71: {  	[spmem:s2] =	stream.indirect.scatter.add.f32 [tilespmem:s26], [sflag:$0x4], $0x80, s12, s30, $0xb8;
	[tilespmem:$0x1BE00] =	vst v63  }
0x72: {  	_ =	swait.ge [sflag:s28], $0x2800  }
0x73: {  	[sflag:s28] =	ssyncset.done $0x0  }
0x74: {  	s12 =	sadd.s32 $0x100, s11;
	[sflag:s28] =	ssyncadd.s32 $0xFFFFD800  }
0x75: {  	[tilespmem:s26], [sflag:$0x1] =	stream.indirect.gather [hbm4b:s1+s30], $0x80, s12, s30, $0xb8;
	[tilespmem:$0x1BE00] =	vst v63  }
0x76: {  	_ =	swait.ge [sflag:s7], $0x2800  }
.Ltmp1:
0x77: {  	[sflag:s7] =	ssyncset.done $0x0;
	(pc) =	sbr.rel @p0 .LBB2_4-.Ltmp1, $4  }
0x78: {  	s11 =	sadd.s32 $0x1980, s11;
	[sflag:s7] =	ssyncadd.s32 $0xFFFFD800  }
0x79: {  	[spmem:s2] =	stream.indirect.scatter.add.f32 [tilespmem:s3], [sflag:$0x4], $0x80, s11, s30, $0xb8;
	[tilespmem:$0x1BE00] =	vst v63  }
0x7a: {  	_ =	swait.ge [sflag:s28], $0x2800  }
0x7b: {  	s12 =	smov.u32 s15;
	s11 =	sshra.s32 s14, $0x2;
	[sflag:s28] =	ssyncset.done $0x0  }
0x7c: {  	s12 =	sadd.s32 $0x80, s11;
	[sflag:s28] =	ssyncadd.s32 $0xFFFFD800  }
0x7d: {  	[tilespmem:s3], [sflag:$0x2] =	stream.indirect.gather [hbm4b:s1+s30], $0x80, s12, s30, $0xb8;
	[tilespmem:$0x1BE00] =	vst v63  }
0x7e: {  	_ =	swait.ge [sflag:s6], $0x2800  }
0x7f: {  	[sflag:s6] =	ssyncset.done $0x0  }
0x80: {  	s13 =	sadd.s32 $0x1900, s11;
	[sflag:s6] =	ssyncadd.s32 $0xFFFFD800  }
0x81: {  	[spmem:s2] =	stream.indirect.scatter.add.f32 [tilespmem:s26], [sflag:$0x4], $0x80, s13, s30, $0xb8;
	[tilespmem:$0x1BE00] =	vst v63  }
0x82: {  	_ =	swait.ge [sflag:s28], $0x2800  }
0x83: {  	[sflag:s28] =	ssyncset.done $0x0  }
0x84: {  	s14 =	sadd.s32 $0x100, s11;
	[sflag:s28] =	ssyncadd.s32 $0xFFFFD800  }
0x85: {  	[tilespmem:s26], [sflag:$0x1] =	stream.indirect.gather [hbm4b:s1+s30], $0x80, s14, s30, $0xb8;
	[tilespmem:$0x1BE00] =	vst v63  }
0x86: {  	_ =	swait.ge [sflag:s7], $0x2800  }
0x87: {  	[sflag:s7] =	ssyncset.done $0x0  }
0x88: {  	s15 =	sadd.s32 $0x1980, s11;
	[sflag:s7] =	ssyncadd.s32 $0xFFFFD800  }
0x89: {  	[spmem:s2] =	stream.indirect.scatter.add.f32 [tilespmem:s3], [sflag:$0x4], $0x80, s15, s30, $0xb8;
	[tilespmem:$0x1BE00] =	vst v63  }
0x8a: {  	_ =	swait.ge [sflag:s28], $0x2800  }
0x8b: {  	[sflag:s28] =	ssyncset.done $0x0  }
0x8c: {  	[sflag:s28] =	ssyncadd.s32 $0xFFFFD800  }
0x8d: {  	_ =	swait.ge [sflag:s29], $0xC80  }
0x8e: {  	[sflag:s29] =	ssyncset.done $0x0  }
0x8f: {  	[sflag:s29] =	ssyncadd.s32 $0xFFFFF380  }
0x90: {  	_ =	swait.ge [sflag:s29], $0xC80  }
0x91: {  	[sflag:s29] =	ssyncset.done $0x0  }
0x92: {  	[sflag:s29] =	ssyncadd.s32 $0xFFFFF380  }
0x93: {  	[tilespmem:s3], [sflag:$0x2] =	stream.indirect.gather [hbm4b:s1+s30], $0x80, s31, s30, $0xb8;
	[tilespmem:$0x1BE00] =	vst v63  }
0x94: {  	_ =	swait.ge [sflag:s6], $0x2800  }
0x95: {  	[sflag:s6] =	ssyncset.done $0x0  }
0x96: {  	[sflag:s6] =	ssyncadd.s32 $0xFFFFD800  }
0x97: {  	[spmem:s2] =	stream.indirect.scatter.add.f32 [tilespmem:s26], [sflag:$0x4], $0x80, s8, s30, $0xb8;
	[tilespmem:$0x1BE00] =	vst v63  }
0x98: {  	_ =	swait.ge [sflag:s28], $0x2800  }
0x99: {  	[sflag:s28] =	ssyncset.done $0x0  }
0x9a: {  	[sflag:s28] =	ssyncadd.s32 $0xFFFFD800  }
0x9b: {  	[tilespmem:s4], [sflag:$0x3] =	stream.linear.gather [hbm4b:s17+s4], $0xC80, $0x38;
	[tilespmem:$0x1BE00] =	vst v63  }
0x9c: {  	_ = 	snop  }
0x9d: {  	[tilespmem:s25], [sflag:$0x3] =	stream.linear.gather [hbm4b:s18+s4], $0xC80, $0x38;
	[tilespmem:$0x1BE00] =	vst v63  }
0x9e: {  	s12 =	simm.s32 $0xD00  }
0x9f: {  	[tilespmem:s26], [sflag:$0x1] =	stream.indirect.gather [hbm4b:s1+s30], $0x80, s12, s30, $0xb8;
	[tilespmem:$0x1BE00] =	vst v63  }
0xa0: {  	_ =	swait.ge [sflag:s7], $0x2800  }
0xa1: {  	[sflag:s7] =	ssyncset.done $0x0  }
0xa2: {  	s13 =	simm.s32 $0x2580;
	[sflag:s7] =	ssyncadd.s32 $0xFFFFD800  }
0xa3: {  	[spmem:s2] =	stream.indirect.scatter.add.f32 [tilespmem:s3], [sflag:$0x4], $0x80, s13, s30, $0xb8;
	[tilespmem:$0x1BE00] =	vst v63  }
0xa4: {  	_ =	swait.ge [sflag:s28], $0x2800  }
0xa5: {  	[sflag:s28] =	ssyncset.done $0x0  }
0xa6: {  	s14 =	simm.s32 $0xD80;
	[sflag:s28] =	ssyncadd.s32 $0xFFFFD800  }
0xa7: {  	[tilespmem:s3], [sflag:$0x2] =	stream.indirect.gather [hbm4b:s1+s30], $0x80, s14, s30, $0xb8;
	[tilespmem:$0x1BE00] =	vst v63  }
0xa8: {  	_ =	swait.ge [sflag:s6], $0x2800  }
0xa9: {  	[sflag:s6] =	ssyncset.done $0x0  }
0xaa: {  	s15 =	simm.s32 $0x2600;
	[sflag:s6] =	ssyncadd.s32 $0xFFFFD800  }
0xab: {  	[spmem:s2] =	stream.indirect.scatter.add.f32 [tilespmem:s26], [sflag:$0x4], $0x80, s15, s30, $0xb8;
	[tilespmem:$0x1BE00] =	vst v63  }
0xac: {  	_ =	swait.ge [sflag:s28], $0x2800  }
0xad: {  	s11 =	simm.s32 $0xFFFFF500;
	s12 =	simm.s32 $0xFFFFD800;
	[sflag:s28] =	ssyncset.done $0x0  }
.LBB2_6:
0xae: {  	s13 =	sadd.s32 $0x1900, s11  }
0xaf: {  	[sflag:s28] =	ssyncadd.s32 $0xFFFFD800;
	s14 =	smov.u32 s12;
	s15 =	sadd.s32 $0x400, s12  }
0xb0: {  	[tilespmem:s26], [sflag:$0x1] =	stream.indirect.gather [hbm4b:s1+s30], $0x80, s13, s30, $0xb8;
	[tilespmem:$0x1BE00] =	vst v63  }
0xb1: {  	p0 =	sne.s32 s12, $0xFFFFFC00;
	_ =	swait.ge [sflag:s7], $0x2800  }
0xb2: {  	[sflag:s7] =	ssyncset.done $0x0  }
0xb3: {  	s12 =	sadd.s32 $0x3180, s11;
	[sflag:s7] =	ssyncadd.s32 $0xFFFFD800  }
0xb4: {  	[spmem:s2] =	stream.indirect.scatter.add.f32 [tilespmem:s3], [sflag:$0x4], $0x80, s12, s30, $0xb8;
	[tilespmem:$0x1BE00] =	vst v63  }
0xb5: {  	_ =	swait.ge [sflag:s28], $0x2800  }
0xb6: {  	[sflag:s28] =	ssyncset.done $0x0  }
0xb7: {  	s12 =	sadd.s32 $0x1980, s11;
	[sflag:s28] =	ssyncadd.s32 $0xFFFFD800  }
0xb8: {  	[tilespmem:s3], [sflag:$0x2] =	stream.indirect.gather [hbm4b:s1+s30], $0x80, s12, s30, $0xb8;
	[tilespmem:$0x1BE00] =	vst v63  }
0xb9: {  	_ =	swait.ge [sflag:s6], $0x2800  }
.Ltmp2:
0xba: {  	[sflag:s6] =	ssyncset.done $0x0;
	(pc) =	sbr.rel @p0 .LBB2_6-.Ltmp2, $4  }
0xbb: {  	s11 =	sadd.s32 $0x3200, s11;
	[sflag:s6] =	ssyncadd.s32 $0xFFFFD800  }
0xbc: {  	[spmem:s2] =	stream.indirect.scatter.add.f32 [tilespmem:s26], [sflag:$0x4], $0x80, s11, s30, $0xb8;
	[tilespmem:$0x1BE00] =	vst v63  }
0xbd: {  	_ =	swait.ge [sflag:s28], $0x2800  }
0xbe: {  	s12 =	smov.u32 s15;
	s11 =	sshra.s32 s14, $0x2;
	[sflag:s28] =	ssyncset.done $0x0  }
0xbf: {  	s12 =	sadd.s32 $0x1900, s11;
	[sflag:s28] =	ssyncadd.s32 $0xFFFFD800  }
0xc0: {  	[tilespmem:s26], [sflag:$0x1] =	stream.indirect.gather [hbm4b:s1+s30], $0x80, s12, s30, $0xb8;
	[tilespmem:$0x1BE00] =	vst v63  }
0xc1: {  	_ =	swait.ge [sflag:s7], $0x2800  }
0xc2: {  	[sflag:s7] =	ssyncset.done $0x0  }
0xc3: {  	s15 =	sadd.s32 $0x3180, s11;
	[sflag:s7] =	ssyncadd.s32 $0xFFFFD800  }
0xc4: {  	[spmem:s2] =	stream.indirect.scatter.add.f32 [tilespmem:s3], [sflag:$0x4], $0x80, s15, s30, $0xb8;
	[tilespmem:$0x1BE00] =	vst v63  }
0xc5: {  	_ =	swait.ge [sflag:s28], $0x2800  }
0xc6: {  	[sflag:s28] =	ssyncset.done $0x0  }
0xc7: {  	s13 =	sadd.s32 $0x1980, s11;
	[sflag:s28] =	ssyncadd.s32 $0xFFFFD800  }
0xc8: {  	[tilespmem:s3], [sflag:$0x2] =	stream.indirect.gather [hbm4b:s1+s30], $0x80, s13, s30, $0xb8;
	[tilespmem:$0x1BE00] =	vst v63  }
0xc9: {  	_ =	swait.ge [sflag:s6], $0x2800  }
0xca: {  	[sflag:s6] =	ssyncset.done $0x0  }
0xcb: {  	s14 =	sadd.s32 $0x3200, s11;
	[sflag:s6] =	ssyncadd.s32 $0xFFFFD800  }
0xcc: {  	[spmem:s2] =	stream.indirect.scatter.add.f32 [tilespmem:s26], [sflag:$0x4], $0x80, s14, s30, $0xb8;
	[tilespmem:$0x1BE00] =	vst v63  }
0xcd: {  	_ =	swait.ge [sflag:s28], $0x2800  }
0xce: {  	[sflag:s28] =	ssyncset.done $0x0  }
0xcf: {  	[sflag:s28] =	ssyncadd.s32 $0xFFFFD800  }
0xd0: {  	_ =	swait.ge [sflag:s29], $0xC80  }
0xd1: {  	[sflag:s29] =	ssyncset.done $0x0  }
0xd2: {  	[sflag:s29] =	ssyncadd.s32 $0xFFFFF380  }
0xd3: {  	_ =	swait.ge [sflag:s29], $0xC80  }
0xd4: {  	[sflag:s29] =	ssyncset.done $0x0  }
0xd5: {  	s15 =	simm.s32 $0x0;
	[sflag:s29] =	ssyncadd.s32 $0xFFFFF380  }
0xd6: {  	[tilespmem:s26], [sflag:$0x1] =	stream.indirect.gather [hbm4b:s1+s30], $0x80, s15, s30, $0xb8;
	[tilespmem:$0x1BE00] =	vst v63  }
0xd7: {  	_ =	swait.ge [sflag:s7], $0x2800  }
0xd8: {  	[sflag:s7] =	ssyncset.done $0x0  }
0xd9: {  	[sflag:s7] =	ssyncadd.s32 $0xFFFFD800  }
0xda: {  	[spmem:s2] =	stream.indirect.scatter.add.f32 [tilespmem:s3], [sflag:$0x4], $0x80, s9, s30, $0xb8;
	[tilespmem:$0x1BE00] =	vst v63  }
0xdb: {  	_ =	swait.ge [sflag:s28], $0x2800  }
0xdc: {  	[sflag:s28] =	ssyncset.done $0x0  }
0xdd: {  	[sflag:s28] =	ssyncadd.s32 $0xFFFFD800  }
0xde: {  	[tilespmem:s31], [sflag:$0x3] =	stream.linear.gather [hbm4b:s19+s15], $0xC80, $0x38;
	[tilespmem:$0x1BE00] =	vst v63  }
0xdf: {  	_ = 	snop  }
0xe0: {  	[tilespmem:s0], [sflag:$0x3] =	stream.linear.gather [hbm4b:s20+s15], $0xC80, $0x38;
	[tilespmem:$0x1BE00] =	vst v63  }
0xe1: {  	s12 =	simm.s32 $0x80  }
0xe2: {  	[tilespmem:s3], [sflag:$0x2] =	stream.indirect.gather [hbm4b:s1+s30], $0x80, s12, s30, $0xb8;
	[tilespmem:$0x1BE00] =	vst v63  }
0xe3: {  	_ =	swait.ge [sflag:s6], $0x2800  }
0xe4: {  	[sflag:s6] =	ssyncset.done $0x0  }
0xe5: {  	s13 =	simm.s32 $0x1900;
	[sflag:s6] =	ssyncadd.s32 $0xFFFFD800  }
0xe6: {  	[spmem:s2] =	stream.indirect.scatter.add.f32 [tilespmem:s26], [sflag:$0x4], $0x80, s13, s30, $0xb8;
	[tilespmem:$0x1BE00] =	vst v63  }
0xe7: {  	_ =	swait.ge [sflag:s28], $0x2800  }
0xe8: {  	[sflag:s28] =	ssyncset.done $0x0  }
0xe9: {  	s14 =	simm.s32 $0x100;
	[sflag:s28] =	ssyncadd.s32 $0xFFFFD800  }
0xea: {  	[tilespmem:s26], [sflag:$0x1] =	stream.indirect.gather [hbm4b:s1+s30], $0x80, s14, s30, $0xb8;
	[tilespmem:$0x1BE00] =	vst v63  }
0xeb: {  	_ =	swait.ge [sflag:s7], $0x2800  }
0xec: {  	[sflag:s7] =	ssyncset.done $0x0  }
0xed: {  	s15 =	simm.s32 $0x1980;
	[sflag:s7] =	ssyncadd.s32 $0xFFFFD800  }
0xee: {  	[spmem:s2] =	stream.indirect.scatter.add.f32 [tilespmem:s3], [sflag:$0x4], $0x80, s15, s30, $0xb8;
	[tilespmem:$0x1BE00] =	vst v63  }
0xef: {  	_ =	swait.ge [sflag:s28], $0x2800  }
0xf0: {  	s11 =	simm.s32 $0x100;
	s12 =	simm.s32 $0x800;
	[sflag:s28] =	ssyncset.done $0x0  }
.LBB2_8:
0xf1: {  	s13 =	sadd.s32 $0x80, s11  }
0xf2: {  	[sflag:s28] =	ssyncadd.s32 $0xFFFFD800;
	s14 =	smov.u32 s12;
	s15 =	sadd.s32 $0x400, s12  }
0xf3: {  	[tilespmem:s3], [sflag:$0x2] =	stream.indirect.gather [hbm4b:s1+s30], $0x80, s13, s30, $0xb8;
	[tilespmem:$0x1BE00] =	vst v63  }
0xf4: {  	p0 =	sne.s32 s12, $0x2C00;
	_ =	swait.ge [sflag:s6], $0x2800  }
0xf5: {  	[sflag:s6] =	ssyncset.done $0x0  }
0xf6: {  	s12 =	sadd.s32 $0x1900, s11;
	[sflag:s6] =	ssyncadd.s32 $0xFFFFD800  }
0xf7: {  	[spmem:s2] =	stream.indirect.scatter.add.f32 [tilespmem:s26], [sflag:$0x4], $0x80, s12, s30, $0xb8;
	[tilespmem:$0x1BE00] =	vst v63  }
0xf8: {  	_ =	swait.ge [sflag:s28], $0x2800  }
0xf9: {  	[sflag:s28] =	ssyncset.done $0x0  }
0xfa: {  	s12 =	sadd.s32 $0x100, s11;
	[sflag:s28] =	ssyncadd.s32 $0xFFFFD800  }
0xfb: {  	[tilespmem:s26], [sflag:$0x1] =	stream.indirect.gather [hbm4b:s1+s30], $0x80, s12, s30, $0xb8;
	[tilespmem:$0x1BE00] =	vst v63  }
0xfc: {  	_ =	swait.ge [sflag:s7], $0x2800  }
.Ltmp3:
0xfd: {  	[sflag:s7] =	ssyncset.done $0x0;
	(pc) =	sbr.rel @p0 .LBB2_8-.Ltmp3, $4  }
0xfe: {  	s11 =	sadd.s32 $0x1980, s11;
	[sflag:s7] =	ssyncadd.s32 $0xFFFFD800  }
0xff: {  	[spmem:s2] =	stream.indirect.scatter.add.f32 [tilespmem:s3], [sflag:$0x4], $0x80, s11, s30, $0xb8;
	[tilespmem:$0x1BE00] =	vst v63  }
0x100: {  	_ =	swait.ge [sflag:s28], $0x2800  }
0x101: {  	s12 =	smov.u32 s15;
	s11 =	sshra.s32 s14, $0x2;
	[sflag:s28] =	ssyncset.done $0x0  }
0x102: {  	s12 =	sadd.s32 $0x80, s11;
	[sflag:s28] =	ssyncadd.s32 $0xFFFFD800  }
0x103: {  	[tilespmem:s3], [sflag:$0x2] =	stream.indirect.gather [hbm4b:s1+s30], $0x80, s12, s30, $0xb8;
	[tilespmem:$0x1BE00] =	vst v63  }
0x104: {  	_ =	swait.ge [sflag:s6], $0x2800  }
0x105: {  	[sflag:s6] =	ssyncset.done $0x0  }
0x106: {  	s13 =	sadd.s32 $0x1900, s11;
	[sflag:s6] =	ssyncadd.s32 $0xFFFFD800  }
0x107: {  	[spmem:s2] =	stream.indirect.scatter.add.f32 [tilespmem:s26], [sflag:$0x4], $0x80, s13, s30, $0xb8;
	[tilespmem:$0x1BE00] =	vst v63  }
0x108: {  	_ =	swait.ge [sflag:s28], $0x2800  }
0x109: {  	[sflag:s28] =	ssyncset.done $0x0  }
0x10a: {  	s14 =	sadd.s32 $0x100, s11;
	[sflag:s28] =	ssyncadd.s32 $0xFFFFD800  }
0x10b: {  	[tilespmem:s26], [sflag:$0x1] =	stream.indirect.gather [hbm4b:s1+s30], $0x80, s14, s30, $0xb8;
	[tilespmem:$0x1BE00] =	vst v63  }
0x10c: {  	_ =	swait.ge [sflag:s7], $0x2800  }
0x10d: {  	[sflag:s7] =	ssyncset.done $0x0  }
0x10e: {  	s15 =	sadd.s32 $0x1980, s11;
	[sflag:s7] =	ssyncadd.s32 $0xFFFFD800  }
0x10f: {  	[spmem:s2] =	stream.indirect.scatter.add.f32 [tilespmem:s3], [sflag:$0x4], $0x80, s15, s30, $0xb8;
	[tilespmem:$0x1BE00] =	vst v63  }
0x110: {  	_ =	swait.ge [sflag:s28], $0x2800  }
0x111: {  	[sflag:s28] =	ssyncset.done $0x0  }
0x112: {  	[sflag:s28] =	ssyncadd.s32 $0xFFFFD800  }
0x113: {  	_ =	swait.ge [sflag:s29], $0xC80  }
0x114: {  	[sflag:s29] =	ssyncset.done $0x0  }
0x115: {  	[sflag:s29] =	ssyncadd.s32 $0xFFFFF380  }
0x116: {  	_ =	swait.ge [sflag:s29], $0xC80  }
0x117: {  	[sflag:s29] =	ssyncset.done $0x0  }
0x118: {  	[sflag:s29] =	ssyncadd.s32 $0xFFFFF380  }
0x119: {  	[tilespmem:s3], [sflag:$0x2] =	stream.indirect.gather [hbm4b:s1+s30], $0x80, s31, s30, $0xb8;
	[tilespmem:$0x1BE00] =	vst v63  }
0x11a: {  	_ =	swait.ge [sflag:s6], $0x2800  }
0x11b: {  	[sflag:s6] =	ssyncset.done $0x0  }
0x11c: {  	[sflag:s6] =	ssyncadd.s32 $0xFFFFD800  }
0x11d: {  	[spmem:s2] =	stream.indirect.scatter.add.f32 [tilespmem:s26], [sflag:$0x4], $0x80, s8, s30, $0xb8;
	[tilespmem:$0x1BE00] =	vst v63  }
0x11e: {  	_ =	swait.ge [sflag:s28], $0x2800  }
0x11f: {  	[sflag:s28] =	ssyncset.done $0x0  }
0x120: {  	[sflag:s28] =	ssyncadd.s32 $0xFFFFD800  }
0x121: {  	[tilespmem:s4], [sflag:$0x3] =	stream.linear.gather [hbm4b:s21+s4], $0xC80, $0x38;
	[tilespmem:$0x1BE00] =	vst v63  }
0x122: {  	_ = 	snop  }
0x123: {  	[tilespmem:s25], [sflag:$0x3] =	stream.linear.gather [hbm4b:s22+s4], $0xC80, $0x38;
	[tilespmem:$0x1BE00] =	vst v63  }
0x124: {  	s12 =	simm.s32 $0xD00  }
0x125: {  	[tilespmem:s26], [sflag:$0x1] =	stream.indirect.gather [hbm4b:s1+s30], $0x80, s12, s30, $0xb8;
	[tilespmem:$0x1BE00] =	vst v63  }
0x126: {  	_ =	swait.ge [sflag:s7], $0x2800  }
0x127: {  	[sflag:s7] =	ssyncset.done $0x0  }
0x128: {  	s13 =	simm.s32 $0x2580;
	[sflag:s7] =	ssyncadd.s32 $0xFFFFD800  }
0x129: {  	[spmem:s2] =	stream.indirect.scatter.add.f32 [tilespmem:s3], [sflag:$0x4], $0x80, s13, s30, $0xb8;
	[tilespmem:$0x1BE00] =	vst v63  }
0x12a: {  	_ =	swait.ge [sflag:s28], $0x2800  }
0x12b: {  	[sflag:s28] =	ssyncset.done $0x0  }
0x12c: {  	s14 =	simm.s32 $0xD80;
	[sflag:s28] =	ssyncadd.s32 $0xFFFFD800  }
0x12d: {  	[tilespmem:s3], [sflag:$0x2] =	stream.indirect.gather [hbm4b:s1+s30], $0x80, s14, s30, $0xb8;
	[tilespmem:$0x1BE00] =	vst v63  }
0x12e: {  	_ =	swait.ge [sflag:s6], $0x2800  }
0x12f: {  	[sflag:s6] =	ssyncset.done $0x0  }
0x130: {  	s15 =	simm.s32 $0x2600;
	[sflag:s6] =	ssyncadd.s32 $0xFFFFD800  }
0x131: {  	[spmem:s2] =	stream.indirect.scatter.add.f32 [tilespmem:s26], [sflag:$0x4], $0x80, s15, s30, $0xb8;
	[tilespmem:$0x1BE00] =	vst v63  }
0x132: {  	_ =	swait.ge [sflag:s28], $0x2800  }
0x133: {  	s11 =	simm.s32 $0xFFFFF500;
	s12 =	simm.s32 $0xFFFFD800;
	[sflag:s28] =	ssyncset.done $0x0  }
.LBB2_10:
0x134: {  	s13 =	sadd.s32 $0x1900, s11  }
0x135: {  	[sflag:s28] =	ssyncadd.s32 $0xFFFFD800;
	s14 =	smov.u32 s12;
	s15 =	sadd.s32 $0x400, s12  }
0x136: {  	[tilespmem:s26], [sflag:$0x1] =	stream.indirect.gather [hbm4b:s1+s30], $0x80, s13, s30, $0xb8;
	[tilespmem:$0x1BE00] =	vst v63  }
0x137: {  	p0 =	sne.s32 s12, $0xFFFFFC00;
	_ =	swait.ge [sflag:s7], $0x2800  }
0x138: {  	[sflag:s7] =	ssyncset.done $0x0  }
0x139: {  	s12 =	sadd.s32 $0x3180, s11;
	[sflag:s7] =	ssyncadd.s32 $0xFFFFD800  }
0x13a: {  	[spmem:s2] =	stream.indirect.scatter.add.f32 [tilespmem:s3], [sflag:$0x4], $0x80, s12, s30, $0xb8;
	[tilespmem:$0x1BE00] =	vst v63  }
0x13b: {  	_ =	swait.ge [sflag:s28], $0x2800  }
0x13c: {  	[sflag:s28] =	ssyncset.done $0x0  }
0x13d: {  	s12 =	sadd.s32 $0x1980, s11;
	[sflag:s28] =	ssyncadd.s32 $0xFFFFD800  }
0x13e: {  	[tilespmem:s3], [sflag:$0x2] =	stream.indirect.gather [hbm4b:s1+s30], $0x80, s12, s30, $0xb8;
	[tilespmem:$0x1BE00] =	vst v63  }
0x13f: {  	_ =	swait.ge [sflag:s6], $0x2800  }
.Ltmp4:
0x140: {  	[sflag:s6] =	ssyncset.done $0x0;
	(pc) =	sbr.rel @p0 .LBB2_10-.Ltmp4, $4  }
0x141: {  	s11 =	sadd.s32 $0x3200, s11;
	[sflag:s6] =	ssyncadd.s32 $0xFFFFD800  }
0x142: {  	[spmem:s2] =	stream.indirect.scatter.add.f32 [tilespmem:s26], [sflag:$0x4], $0x80, s11, s30, $0xb8;
	[tilespmem:$0x1BE00] =	vst v63  }
0x143: {  	_ =	swait.ge [sflag:s28], $0x2800  }
0x144: {  	s12 =	smov.u32 s15;
	s11 =	sshra.s32 s14, $0x2;
	[sflag:s28] =	ssyncset.done $0x0  }
0x145: {  	s12 =	sadd.s32 $0x1900, s11;
	[sflag:s28] =	ssyncadd.s32 $0xFFFFD800  }
0x146: {  	[tilespmem:s26], [sflag:$0x1] =	stream.indirect.gather [hbm4b:s1+s30], $0x80, s12, s30, $0xb8;
	[tilespmem:$0x1BE00] =	vst v63  }
0x147: {  	_ =	swait.ge [sflag:s7], $0x2800  }
0x148: {  	[sflag:s7] =	ssyncset.done $0x0  }
0x149: {  	s15 =	sadd.s32 $0x3180, s11;
	[sflag:s7] =	ssyncadd.s32 $0xFFFFD800  }
0x14a: {  	[spmem:s2] =	stream.indirect.scatter.add.f32 [tilespmem:s3], [sflag:$0x4], $0x80, s15, s30, $0xb8;
	[tilespmem:$0x1BE00] =	vst v63  }
0x14b: {  	_ =	swait.ge [sflag:s28], $0x2800  }
0x14c: {  	[sflag:s28] =	ssyncset.done $0x0  }
0x14d: {  	s13 =	sadd.s32 $0x1980, s11;
	[sflag:s28] =	ssyncadd.s32 $0xFFFFD800  }
0x14e: {  	[tilespmem:s3], [sflag:$0x2] =	stream.indirect.gather [hbm4b:s1+s30], $0x80, s13, s30, $0xb8;
	[tilespmem:$0x1BE00] =	vst v63  }
0x14f: {  	_ =	swait.ge [sflag:s6], $0x2800  }
0x150: {  	[sflag:s6] =	ssyncset.done $0x0  }
0x151: {  	s14 =	sadd.s32 $0x3200, s11;
	[sflag:s6] =	ssyncadd.s32 $0xFFFFD800  }
0x152: {  	[spmem:s2] =	stream.indirect.scatter.add.f32 [tilespmem:s26], [sflag:$0x4], $0x80, s14, s30, $0xb8;
	[tilespmem:$0x1BE00] =	vst v63  }
0x153: {  	_ =	swait.ge [sflag:s28], $0x2800  }
0x154: {  	[sflag:s28] =	ssyncset.done $0x0  }
0x155: {  	[sflag:s28] =	ssyncadd.s32 $0xFFFFD800  }
0x156: {  	_ =	swait.ge [sflag:s29], $0xC80  }
0x157: {  	[sflag:s29] =	ssyncset.done $0x0  }
0x158: {  	[sflag:s29] =	ssyncadd.s32 $0xFFFFF380  }
0x159: {  	_ =	swait.ge [sflag:s29], $0xC80  }
0x15a: {  	[sflag:s29] =	ssyncset.done $0x0  }
0x15b: {  	s15 =	simm.s32 $0x0;
	[sflag:s29] =	ssyncadd.s32 $0xFFFFF380  }
0x15c: {  	[tilespmem:s26], [sflag:$0x1] =	stream.indirect.gather [hbm4b:s1+s30], $0x80, s15, s30, $0xb8;
	[tilespmem:$0x1BE00] =	vst v63  }
0x15d: {  	_ =	swait.ge [sflag:s7], $0x2800  }
0x15e: {  	[sflag:s7] =	ssyncset.done $0x0  }
0x15f: {  	[sflag:s7] =	ssyncadd.s32 $0xFFFFD800  }
0x160: {  	[spmem:s2] =	stream.indirect.scatter.add.f32 [tilespmem:s3], [sflag:$0x4], $0x80, s9, s30, $0xb8;
	[tilespmem:$0x1BE00] =	vst v63  }
0x161: {  	_ =	swait.ge [sflag:s28], $0x2800  }
0x162: {  	[sflag:s28] =	ssyncset.done $0x0  }
0x163: {  	s12 =	simm.s32 $0x80;
	[sflag:s28] =	ssyncadd.s32 $0xFFFFD800  }
0x164: {  	[tilespmem:s3], [sflag:$0x2] =	stream.indirect.gather [hbm4b:s1+s30], $0x80, s12, s30, $0xb8;
	[tilespmem:$0x1BE00] =	vst v63  }
0x165: {  	_ =	swait.ge [sflag:s6], $0x2800  }
0x166: {  	[sflag:s6] =	ssyncset.done $0x0  }
0x167: {  	s13 =	simm.s32 $0x1900;
	[sflag:s6] =	ssyncadd.s32 $0xFFFFD800  }
0x168: {  	[spmem:s2] =	stream.indirect.scatter.add.f32 [tilespmem:s26], [sflag:$0x4], $0x80, s13, s30, $0xb8;
	[tilespmem:$0x1BE00] =	vst v63  }
0x169: {  	_ =	swait.ge [sflag:s28], $0x2800  }
0x16a: {  	[sflag:s28] =	ssyncset.done $0x0  }
0x16b: {  	s14 =	simm.s32 $0x100;
	[sflag:s28] =	ssyncadd.s32 $0xFFFFD800  }
0x16c: {  	[tilespmem:s26], [sflag:$0x1] =	stream.indirect.gather [hbm4b:s1+s30], $0x80, s14, s30, $0xb8;
	[tilespmem:$0x1BE00] =	vst v63  }
0x16d: {  	_ =	swait.ge [sflag:s7], $0x2800  }
0x16e: {  	[sflag:s7] =	ssyncset.done $0x0  }
0x16f: {  	s15 =	simm.s32 $0x1980;
	[sflag:s7] =	ssyncadd.s32 $0xFFFFD800  }
0x170: {  	[spmem:s2] =	stream.indirect.scatter.add.f32 [tilespmem:s3], [sflag:$0x4], $0x80, s15, s30, $0xb8;
	[tilespmem:$0x1BE00] =	vst v63  }
0x171: {  	_ =	swait.ge [sflag:s28], $0x2800  }
0x172: {  	s11 =	simm.s32 $0x100;
	s12 =	simm.s32 $0x800;
	[sflag:s28] =	ssyncset.done $0x0  }
.LBB2_12:
0x173: {  	s13 =	sadd.s32 $0x80, s11  }
0x174: {  	[sflag:s28] =	ssyncadd.s32 $0xFFFFD800;
	s14 =	smov.u32 s12;
	s15 =	sadd.s32 $0x400, s12  }
0x175: {  	[tilespmem:s3], [sflag:$0x2] =	stream.indirect.gather [hbm4b:s1+s30], $0x80, s13, s30, $0xb8;
	[tilespmem:$0x1BE00] =	vst v63  }
0x176: {  	p0 =	sne.s32 s12, $0x2C00;
	_ =	swait.ge [sflag:s6], $0x2800  }
0x177: {  	[sflag:s6] =	ssyncset.done $0x0  }
0x178: {  	s12 =	sadd.s32 $0x1900, s11;
	[sflag:s6] =	ssyncadd.s32 $0xFFFFD800  }
0x179: {  	[spmem:s2] =	stream.indirect.scatter.add.f32 [tilespmem:s26], [sflag:$0x4], $0x80, s12, s30, $0xb8;
	[tilespmem:$0x1BE00] =	vst v63  }
0x17a: {  	_ =	swait.ge [sflag:s28], $0x2800  }
0x17b: {  	[sflag:s28] =	ssyncset.done $0x0  }
0x17c: {  	s12 =	sadd.s32 $0x100, s11;
	[sflag:s28] =	ssyncadd.s32 $0xFFFFD800  }
0x17d: {  	[tilespmem:s26], [sflag:$0x1] =	stream.indirect.gather [hbm4b:s1+s30], $0x80, s12, s30, $0xb8;
	[tilespmem:$0x1BE00] =	vst v63  }
0x17e: {  	_ =	swait.ge [sflag:s7], $0x2800  }
.Ltmp5:
0x17f: {  	[sflag:s7] =	ssyncset.done $0x0;
	(pc) =	sbr.rel @p0 .LBB2_12-.Ltmp5, $4  }
0x180: {  	s11 =	sadd.s32 $0x1980, s11;
	[sflag:s7] =	ssyncadd.s32 $0xFFFFD800  }
0x181: {  	[spmem:s2] =	stream.indirect.scatter.add.f32 [tilespmem:s3], [sflag:$0x4], $0x80, s11, s30, $0xb8;
	[tilespmem:$0x1BE00] =	vst v63  }
0x182: {  	_ =	swait.ge [sflag:s28], $0x2800  }
0x183: {  	s12 =	smov.u32 s15;
	s11 =	sshra.s32 s14, $0x2;
	[sflag:s28] =	ssyncset.done $0x0  }
0x184: {  	s12 =	sadd.s32 $0x80, s11;
	[sflag:s28] =	ssyncadd.s32 $0xFFFFD800  }
0x185: {  	[tilespmem:s3], [sflag:$0x2] =	stream.indirect.gather [hbm4b:s1+s30], $0x80, s12, s30, $0xb8;
	[tilespmem:$0x1BE00] =	vst v63  }
0x186: {  	_ =	swait.ge [sflag:s6], $0x2800  }
0x187: {  	[sflag:s6] =	ssyncset.done $0x0  }
0x188: {  	s14 =	sadd.s32 $0x1900, s11;
	[sflag:s6] =	ssyncadd.s32 $0xFFFFD800  }
0x189: {  	[spmem:s2] =	stream.indirect.scatter.add.f32 [tilespmem:s26], [sflag:$0x4], $0x80, s14, s30, $0xb8;
	[tilespmem:$0x1BE00] =	vst v63  }
0x18a: {  	_ =	swait.ge [sflag:s28], $0x2800  }
0x18b: {  	[sflag:s28] =	ssyncset.done $0x0  }
0x18c: {  	s15 =	sadd.s32 $0x100, s11;
	[sflag:s28] =	ssyncadd.s32 $0xFFFFD800  }
0x18d: {  	[tilespmem:s26], [sflag:$0x1] =	stream.indirect.gather [hbm4b:s1+s30], $0x80, s15, s30, $0xb8;
	[tilespmem:$0x1BE00] =	vst v63  }
0x18e: {  	_ =	swait.ge [sflag:s7], $0x2800  }
0x18f: {  	[sflag:s7] =	ssyncset.done $0x0  }
0x190: {  	s13 =	sadd.s32 $0x1980, s11;
	[sflag:s7] =	ssyncadd.s32 $0xFFFFD800  }
0x191: {  	[spmem:s2] =	stream.indirect.scatter.add.f32 [tilespmem:s3], [sflag:$0x4], $0x80, s13, s30, $0xb8;
	[tilespmem:$0x1BE00] =	vst v63  }
0x192: {  	_ =	swait.ge [sflag:s28], $0x2800  }
0x193: {  	[sflag:s28] =	ssyncset.done $0x0  }
0x194: {  	[sflag:s28] =	ssyncadd.s32 $0xFFFFD800  }
0x195: {  	_ =	swait.ge [sflag:s6], $0x2800  }
0x196: {  	[sflag:s6] =	ssyncset.done $0x0  }
0x197: {  	[sflag:s6] =	ssyncadd.s32 $0xFFFFD800  }
0x198: {  	[spmem:s2] =	stream.indirect.scatter.add.f32 [tilespmem:s26], [sflag:$0x4], $0x80, s8, s30, $0xb8;
	[tilespmem:$0x1BE00] =	vst v63  }
0x199: {  	s14 =	stileid.u32;
	_ =	swait.ge [sflag:s28], $0x2800  }
0x19a: {  	s10 =	sadd.s32 $0x1, s10;
	s11 =	sshll.u32 s14, $0x6;
	[sflag:s28] =	ssyncset.done $0x0  }
0x19b: {  	p0 =	sne.s32 s10, s24;
	s11 =	sor.u32 $0x1C04, s11;
	[sflag:s28] =	ssyncadd.s32 $0xFFFFD800  }
.Ltmp6:
0x19c: {  	s15 =	sshrl.u32 s5, $0x3;
	[bflag:$0x0] =	sbarrier.arrive $0xFFFF;
	(pc) =	sbr.rel @p0 .LBB2_1-.Ltmp6, $4  }
0x19d: {  	[hbm:s23], [sflag:s11] =	dma.local [spmem:s15], $0x2780  }
0x19e: {  	_ =	swait.ge [sflag:s28], $0x2780  }
0x19f: {  	[sflag:s28] =	ssyncset.done $0x0  }
0x1a0: {  	[sflag:s28] =	ssyncadd.s32 $0xFFFFD880  }
0x1a1: {  	_ =	sfence.sel $0x180000  }
0x1a2: {  	[bflag:$0x0] =	sbarrier.arrive $0xFFFF  }
0x1a3: {  	_ =	strace $0x9000004A  }
0x1a4: {  	s0 =	stileid.u32;
	[bflag:$0x2] =	sbarrier.arrive $0xFFFF  }
0x1a5: {  	p0 =	sne.s32 s0, $0x0;
	s0 =	rddreg [dreg:$0x3]  }
0x1a6: {  	s0 =	sadd.s32 @!p0 $0x100000, s0  }
0x1a7: {  	[sflag:s0] =	ssyncadd.tile.s32 @!p0 $0x1;
	_ =	shalt  }
.Lfunc_end2:
_tile_overlayer_lowered:
.L_overlay_start_2:
0x1a8: {  	(tag) =	ssettag $0x2  }
0x1a9: {  	s0 =	rddreg [dreg:$0x0];
	s2 =	stileid.u32  }
0x1aa: {  	s1 =	rddreg [dreg:$0x1];
	p0 =	sne.s32 s2, $0x0  }
0x1ab: {  	s3 =	rddreg [dreg:$0x2];
	[bflag:$0x3] =	sbarrier.arrive $0xFFFF;
	s2 =	simm.s32 @!p0 $0x1C04  }
0x1ac: {  	[timem:s3], [sflag:s2] =	dma.local @!p0 [hbm:s0], s1  }
0x1ad: {  	s0 =	simm.s32 @!p0 $0x4  }
0x1ae: {  	_ =	swait.ge @!p0 [sflag:s0], s1  }
0x1af: {  	s1 =	ssub.s32 @!p0 $0x0, s1;
	[sflag:s0] =	ssyncset.done @!p0 $0x0  }
0x1b0: {  	[sflag:s0] =	ssyncadd.s32 @!p0 s1  }
0x1b1: {  	[bflag:$0x3] =	sbarrier.arrive $0xFFFF  }
0x1b2: {  	_ =	shalt  }

</sc_bundles>
